<compile_context>
chip_gen: v7x
topology: tpu7x:2x2x1
jax: 0.10.2.dev20260603
libtpu: 0.0.44.dev20260713+nightly
codegen_flags: <defaults>
</compile_context>

<pallas_src>
import functools

import jax
import jax.numpy as jnp
from jax import lax
from jax.experimental import pallas as pl
from jax.experimental.pallas import tpu as pltpu
from jax.experimental.pallas import tpu_sc as plsc

VOCAB = 1000000
EMBED_DIM = 32

NC = 2
NS = 16
NW = NC * NS

B = 4096
T = 200
CHUNK = 512
BLK = B // CHUNK
N_CHUNKS = (T * BLK) // NW
PER_W = N_CHUNKS * CHUNK
IDXROWS = PER_W // B + 1
NBUF = 5


def _make_kernel():
  mesh = plsc.VectorSubcoreMesh(
      core_axis_name="c", subcore_axis_name="s", num_cores=NC,
      num_subcores=NS)

  @functools.partial(
      pl.kernel,
      out_type=jax.ShapeDtypeStruct((B, T, EMBED_DIM), jnp.float32),
      mesh=mesh,
      scratch_types=[
          pltpu.VMEM((IDXROWS, B), jnp.int32),
          pltpu.VMEM((NBUF, CHUNK, EMBED_DIM), jnp.float32),
          pltpu.SemaphoreType.DMA((NBUF,)),
          pltpu.SemaphoreType.DMA((NBUF,)),
      ],
      compiler_params=pltpu.CompilerParams(use_tc_tiling_on_sc=False),
  )
  def gather_kernel(idx_hbm, table_hbm, out_hbm, idx_all, rows_v, sem_g,
                    sem_o):
    wid = lax.axis_index("s") * NC + lax.axis_index("c")
    t0 = (wid * PER_W) // B
    off0 = wid * PER_W - t0 * B
    pltpu.sync_copy(idx_hbm.at[pl.ds(t0, IDXROWS)], idx_all)

    def gather(c, b):
      p = off0 + c * CHUNK
      return pltpu.make_async_copy(
          table_hbm.at[idx_all.at[p // B, pl.ds(p % B, CHUNK)]],
          rows_v.at[b], sem_g.at[b])

    def writeback(c, b):
      g = wid * N_CHUNKS + c
      return pltpu.make_async_copy(
          rows_v.at[b],
          out_hbm.at[pl.ds((g % BLK) * CHUNK, CHUNK), g // BLK],
          sem_o.at[b])

    for c in range(NBUF):
      gather(c, c).start()
    gather(0, 0).wait()
    writeback(0, 0).start()

    @pl.loop(1, N_CHUNKS - NBUF + 1, step=NBUF)
    def _grp(g):
      for i in range(NBUF):
        c = g + i
        b = (1 + i) % NBUF
        bp = (b - 1) % NBUF
        writeback(c - 1, bp).wait()
        gather(c + NBUF - 1, bp).start()
        gather(c, b).wait()
        writeback(c, b).start()

    for c in range(N_CHUNKS - NBUF + 1, N_CHUNKS):
      b = c % NBUF
      writeback(c - 1, (b - 1) % NBUF).wait()
      gather(c, b).wait()
      writeback(c, b).start()
    writeback(N_CHUNKS - 1, (N_CHUNKS - 1) % NBUF).wait()

  return gather_kernel


_gather = _make_kernel()


@jax.jit
def kernel(token_indices, embedding_table):
  idx_t = token_indices.T.astype(jnp.int32)
  return _gather(idx_t, embedding_table)

# --- scband reference (transcript-rebuilt; emitter-appended) ---
"""Pipeline reference for scband-token-embedding-31920196943951 (READ-ONLY COPY).

The authoritative reference and input builder live on the scoring server;
editing this copy changes nothing except your own understanding.
"""

import jax, jax.numpy as jnp
import numpy as np

VOCAB = 1000000
EMBED_DIM = 32

def setup_inputs(seed: int = 0) -> dict:
    key = jax.random.key(seed)
    k_idx, k_tab = jax.random.split(key)
    token_indices = jax.random.randint(k_idx, (4096, 200), 0, VOCAB, dtype=jnp.int64 if jax.config.jax_enable_x64 else jnp.int32)
    embedding_table = jax.random.normal(k_tab, (VOCAB, EMBED_DIM), dtype=jnp.float32)
    return {"token_indices": token_indices, "embedding_table": embedding_table}

def reference(token_indices, embedding_table):
    # nn.Embedding forward: row gather from the embedding table
    return jnp.take(embedding_table, token_indices, axis=0)

if __name__ == "__main__":
    import jax
    _d = setup_inputs()
    print(jax.jit(kernel)(*tuple(_d.values())))

</pallas_src>

<mosaic_0001>
#map = affine_map<(d0, d1) -> (0, 0)>
#map1 = affine_map<(d0, d1) -> (0, 0, 0)>
module attributes {stable_mosaic.version = 14 : i64} {
  func.func @gather_kernel(%arg0: i32, %arg1: i32, %arg2: memref<200x4096xi32, #tpu.memory_space<hbm>>, %arg3: memref<1000000x32xf32, #tpu.memory_space<hbm>>, %arg4: memref<4096x200x32xf32, #tpu.memory_space<hbm>>, %arg5: memref<7x4096xi32, #tpu.memory_space<vmem>>, %arg6: memref<5x512x32xf32, #tpu.memory_space<vmem>>, %arg7: memref<5x!tpu.dma_semaphore, #tpu.memory_space<semaphore_mem>>, %arg8: memref<5x!tpu.dma_semaphore, #tpu.memory_space<semaphore_mem>>) attributes {dimension_semantics = [#tpu.dimension_semantics<core_parallel>, #tpu.dimension_semantics<subcore_parallel>], iteration_bounds = array<i64: 2, 16>, scalar_prefetch = 0 : i64, scratch_operands = 4 : i64, tpu.core_type = #tpu.core_type<sc_vector_subcore>, window_params = [{transform_indices = #map}, {transform_indices = #map}, {transform_indices = #map1}]} {
    %mul3A = arith.constant 2 : i32
    %mul3A_0 = arith.muli %arg1, %mul3A : i32
    %add3A = arith.addi %mul3A_0, %arg0 : i32
    %mul3A_1 = arith.constant 25600 : i32
    %mul3A_2 = arith.muli %add3A, %mul3A_1 : i32
    %jit3A = arith.constant 4096 : i32
    %div3A = arith.divsi %mul3A_2, %jit3A : i32
    %sign3A = arith.constant 0 : i32
    %sign3A_3 = arith.cmpi sgt, %mul3A_2, %sign3A : i32
    %sign3A_4 = arith.extui %sign3A_3 : i1 to i32
    %sign3A_5 = arith.constant 0 : i32
    %sign3A_6 = arith.cmpi slt, %mul3A_2, %sign3A_5 : i32
    %sign3A_7 = arith.extui %sign3A_6 : i1 to i32
    %sign3A_8 = arith.subi %sign3A_4, %sign3A_7 : i32
    %sign3A_9 = arith.constant 0 : i32
    %sign3A_10 = arith.cmpi sgt, %jit3A, %sign3A_9 : i32
    %sign3A_11 = arith.extui %sign3A_10 : i1 to i32
    %sign3A_12 = arith.constant 0 : i32
    %sign3A_13 = arith.cmpi slt, %jit3A, %sign3A_12 : i32
    %sign3A_14 = arith.extui %sign3A_13 : i1 to i32
    %sign3A_15 = arith.subi %sign3A_11, %sign3A_14 : i32
    %ne3A = arith.cmpi ne, %sign3A_8, %sign3A_15 : i32
    %rem3A = arith.remsi %mul3A_2, %jit3A : i32
    %ne3A_16 = arith.constant 0 : i32
    %ne3A_17 = arith.cmpi ne, %rem3A, %ne3A_16 : i32
    %and3A = arith.andi %ne3A, %ne3A_17 : i1
    %sub3A = arith.constant 1 : i32
    %sub3A_18 = arith.subi %div3A, %sub3A : i32
    %select_n3A = arith.select %and3A, %sub3A_18, %div3A : i32
    %mul3A_19 = arith.constant 25600 : i32
    %mul3A_20 = arith.muli %add3A, %mul3A_19 : i32
    %mul3A_21 = arith.constant 4096 : i32
    %mul3A_22 = arith.muli %select_n3A, %mul3A_21 : i32
    %sub3A_23 = arith.subi %mul3A_20, %mul3A_22 : i32
    "tpu.region"() ({
      %run_scoped3A = tpu.sem_alloc : memref<!tpu.dma_semaphore, #tpu.memory_space<semaphore_mem>>
      %dma_start3A_1214 = arith.constant 0 : i32
      %dma_start3A_1215 = tpu.memref_slice %arg2[%select_n3A, %dma_start3A_1214] : memref<200x4096xi32, #tpu.memory_space<hbm>> -> memref<7x4096xi32, #tpu.memory_space<hbm>>
      %dma_start3A_1216 = arith.constant 0 : i32
      %dma_start3A_1217 = tpu.memref_slice %arg2[%select_n3A, %dma_start3A_1216] : memref<200x4096xi32, #tpu.memory_space<hbm>> -> memref<7x4096xi32, #tpu.memory_space<hbm>>
      tpu.enqueue_dma source(%dma_start3A_1217 : memref<7x4096xi32, #tpu.memory_space<hbm>>) target(%arg5 : memref<7x4096xi32, #tpu.memory_space<vmem>>) target_semaphore(%run_scoped3A : memref<!tpu.dma_semaphore, #tpu.memory_space<semaphore_mem>>)
      %dma_wait3A_1218 = arith.constant 0 : i32
      %dma_wait3A_1219 = tpu.memref_slice %arg2[%select_n3A, %dma_wait3A_1218] : memref<200x4096xi32, #tpu.memory_space<hbm>> -> memref<7x4096xi32, #tpu.memory_space<hbm>>
      %dma_wait3A_1220 = arith.constant 0 : i32
      %dma_wait3A_1221 = tpu.memref_slice %arg2[%select_n3A, %dma_wait3A_1220] : memref<200x4096xi32, #tpu.memory_space<hbm>> -> memref<7x4096xi32, #tpu.memory_space<hbm>>
      tpu.wait_dma2 semaphore(%run_scoped3A : memref<!tpu.dma_semaphore, #tpu.memory_space<semaphore_mem>>) src(%dma_wait3A_1221 : memref<7x4096xi32, #tpu.memory_space<hbm>>) dst(%arg5 : memref<7x4096xi32, #tpu.memory_space<vmem>>)
      tpu.yield
    }) : () -> ()
    %add3A_24 = arith.constant 0 : i32
    %add3A_25 = arith.addi %sub3A_23, %add3A_24 : i32
    %jit3A_26 = arith.constant 4096 : i32
    %div3A_27 = arith.divsi %add3A_25, %jit3A_26 : i32
    %sign3A_28 = arith.constant 0 : i32
    %sign3A_29 = arith.cmpi sgt, %add3A_25, %sign3A_28 : i32
    %sign3A_30 = arith.extui %sign3A_29 : i1 to i32
    %sign3A_31 = arith.constant 0 : i32
    %sign3A_32 = arith.cmpi slt, %add3A_25, %sign3A_31 : i32
    %sign3A_33 = arith.extui %sign3A_32 : i1 to i32
    %sign3A_34 = arith.subi %sign3A_30, %sign3A_33 : i32
    %sign3A_35 = arith.constant 0 : i32
    %sign3A_36 = arith.cmpi sgt, %jit3A_26, %sign3A_35 : i32
    %sign3A_37 = arith.extui %sign3A_36 : i1 to i32
    %sign3A_38 = arith.constant 0 : i32
    %sign3A_39 = arith.cmpi slt, %jit3A_26, %sign3A_38 : i32
    %sign3A_40 = arith.extui %sign3A_39 : i1 to i32
    %sign3A_41 = arith.subi %sign3A_37, %sign3A_40 : i32
    %ne3A_42 = arith.cmpi ne, %sign3A_34, %sign3A_41 : i32
    %rem3A_43 = arith.remsi %add3A_25, %jit3A_26 : i32
    %ne3A_44 = arith.constant 0 : i32
    %ne3A_45 = arith.cmpi ne, %rem3A_43, %ne3A_44 : i32
    %and3A_46 = arith.andi %ne3A_42, %ne3A_45 : i1
    %sub3A_47 = arith.constant 1 : i32
    %sub3A_48 = arith.subi %div3A_27, %sub3A_47 : i32
    %select_n3A_49 = arith.select %and3A_46, %sub3A_48, %div3A_27 : i32
    %jit3A_50 = arith.constant 4096 : i32
    %eq3A = arith.constant 0 : i32
    %eq3A_51 = arith.cmpi eq, %jit3A_50, %eq3A : i32
    %jit3A_52 = arith.constant 1 : i32
    %select_n3A_53 = arith.select %eq3A_51, %jit3A_52, %jit3A_50 : i32
    %rem3A_54 = arith.remsi %add3A_25, %select_n3A_53 : i32
    %ne3A_55 = arith.constant 0 : i32
    %ne3A_56 = arith.cmpi ne, %rem3A_54, %ne3A_55 : i32
    %lt3A = arith.constant 0 : i32
    %lt3A_57 = arith.cmpi slt, %rem3A_54, %lt3A : i32
    %lt3A_58 = arith.constant 0 : i32
    %lt3A_59 = arith.cmpi slt, %select_n3A_53, %lt3A_58 : i32
    %ne3A_60 = arith.xori %lt3A_57, %lt3A_59 : i1
    %and3A_61 = arith.andi %ne3A_60, %ne3A_56 : i1
    %add3A_62 = arith.addi %rem3A_54, %select_n3A_53 : i32
    %select_n3A_63 = arith.select %and3A_61, %add3A_62, %rem3A_54 : i32
    %dma_start3A = arith.constant 0 : i32
    %dma_start3A_64 = arith.constant 0 : i32
    %dma_start3A_65 = arith.constant 0 : i32
    %dma_start3A_66 = arith.constant 0 : i32
    %dma_start3A_67 = tpu.memref_slice %arg6[%dma_start3A, %dma_start3A_65, %dma_start3A_66] : memref<5x512x32xf32, #tpu.memory_space<vmem>> -> memref<1x512x32xf32, #tpu.memory_space<vmem>>
    %dma_start3A_68 = tpu.memref_squeeze %dma_start3A_67 : memref<1x512x32xf32, #tpu.memory_space<vmem>> -> memref<512x32xf32, #tpu.memory_space<vmem>>
    %dma_start3A_69 = tpu.memref_slice %arg5[%select_n3A_49, %select_n3A_63] : memref<7x4096xi32, #tpu.memory_space<vmem>> -> memref<1x512xi32, #tpu.memory_space<vmem>>
    %dma_start3A_70 = tpu.memref_squeeze %dma_start3A_69 : memref<1x512xi32, #tpu.memory_space<vmem>> -> memref<512xi32, #tpu.memory_space<vmem>>
    %dma_start3A_71 = arith.constant 0 : i32
    %dma_start3A_72 = arith.constant 0 : i32
    %dma_start3A_73 = tpu.memref_slice %arg3[%dma_start3A_71, %dma_start3A_72] : memref<1000000x32xf32, #tpu.memory_space<hbm>> -> memref<1000000x32xf32, #tpu.memory_space<hbm>>
    %dma_start3A_74 = tpu.memref_slice %arg7[%dma_start3A_64] : memref<5x!tpu.dma_semaphore, #tpu.memory_space<semaphore_mem>> -> memref<1x!tpu.dma_semaphore, #tpu.memory_space<semaphore_mem>>
    %dma_start3A_75 = tpu.memref_squeeze %dma_start3A_74 : memref<1x!tpu.dma_semaphore, #tpu.memory_space<semaphore_mem>> -> memref<!tpu.dma_semaphore, #tpu.memory_space<semaphore_mem>>
    tpu.enqueue_indirect_dma source(%dma_start3A_73 : memref<1000000x32xf32, #tpu.memory_space<hbm>>) target(%dma_start3A_68 : memref<512x32xf32, #tpu.memory_space<vmem>>) offsets(%dma_start3A_70 : memref<512xi32, #tpu.memory_space<vmem>>) semaphore(%dma_start3A_75 : memref<!tpu.dma_semaphore, #tpu.memory_space<semaphore_mem>>)
    %add3A_76 = arith.constant 512 : i32
    %add3A_77 = arith.addi %sub3A_23, %add3A_76 : i32
    %jit3A_78 = arith.constant 4096 : i32
    %div3A_79 = arith.divsi %add3A_77, %jit3A_78 : i32
    %sign3A_80 = arith.constant 0 : i32
    %sign3A_81 = arith.cmpi sgt, %add3A_77, %sign3A_80 : i32
    %sign3A_82 = arith.extui %sign3A_81 : i1 to i32
    %sign3A_83 = arith.constant 0 : i32
    %sign3A_84 = arith.cmpi slt, %add3A_77, %sign3A_83 : i32
    %sign3A_85 = arith.extui %sign3A_84 : i1 to i32
    %sign3A_86 = arith.subi %sign3A_82, %sign3A_85 : i32
    %sign3A_87 = arith.constant 0 : i32
    %sign3A_88 = arith.cmpi sgt, %jit3A_78, %sign3A_87 : i32
    %sign3A_89 = arith.extui %sign3A_88 : i1 to i32
    %sign3A_90 = arith.constant 0 : i32
    %sign3A_91 = arith.cmpi slt, %jit3A_78, %sign3A_90 : i32
    %sign3A_92 = arith.extui %sign3A_91 : i1 to i32
    %sign3A_93 = arith.subi %sign3A_89, %sign3A_92 : i32
    %ne3A_94 = arith.cmpi ne, %sign3A_86, %sign3A_93 : i32
    %rem3A_95 = arith.remsi %add3A_77, %jit3A_78 : i32
    %ne3A_96 = arith.constant 0 : i32
    %ne3A_97 = arith.cmpi ne, %rem3A_95, %ne3A_96 : i32
    %and3A_98 = arith.andi %ne3A_94, %ne3A_97 : i1
    %sub3A_99 = arith.constant 1 : i32
    %sub3A_100 = arith.subi %div3A_79, %sub3A_99 : i32
    %select_n3A_101 = arith.select %and3A_98, %sub3A_100, %div3A_79 : i32
    %jit3A_102 = arith.constant 4096 : i32
    %eq3A_103 = arith.constant 0 : i32
    %eq3A_104 = arith.cmpi eq, %jit3A_102, %eq3A_103 : i32
    %jit3A_105 = arith.constant 1 : i32
    %select_n3A_106 = arith.select %eq3A_104, %jit3A_105, %jit3A_102 : i32
    %rem3A_107 = arith.remsi %add3A_77, %select_n3A_106 : i32
    %ne3A_108 = arith.constant 0 : i32
    %ne3A_109 = arith.cmpi ne, %rem3A_107, %ne3A_108 : i32
    %lt3A_110 = arith.constant 0 : i32
    %lt3A_111 = arith.cmpi slt, %rem3A_107, %lt3A_110 : i32
    %lt3A_112 = arith.constant 0 : i32
    %lt3A_113 = arith.cmpi slt, %select_n3A_106, %lt3A_112 : i32
    %ne3A_114 = arith.xori %lt3A_111, %lt3A_113 : i1
    %and3A_115 = arith.andi %ne3A_114, %ne3A_109 : i1
    %add3A_116 = arith.addi %rem3A_107, %select_n3A_106 : i32
    %select_n3A_117 = arith.select %and3A_115, %add3A_116, %rem3A_107 : i32
    %dma_start3A_118 = arith.constant 1 : i32
    %dma_start3A_119 = arith.constant 1 : i32
    %dma_start3A_120 = arith.constant 0 : i32
    %dma_start3A_121 = arith.constant 0 : i32
    %dma_start3A_122 = tpu.memref_slice %arg6[%dma_start3A_118, %dma_start3A_120, %dma_start3A_121] : memref<5x512x32xf32, #tpu.memory_space<vmem>> -> memref<1x512x32xf32, #tpu.memory_space<vmem>>
    %dma_start3A_123 = tpu.memref_squeeze %dma_start3A_122 : memref<1x512x32xf32, #tpu.memory_space<vmem>> -> memref<512x32xf32, #tpu.memory_space<vmem>>
    %dma_start3A_124 = tpu.memref_slice %arg5[%select_n3A_101, %select_n3A_117] : memref<7x4096xi32, #tpu.memory_space<vmem>> -> memref<1x512xi32, #tpu.memory_space<vmem>>
    %dma_start3A_125 = tpu.memref_squeeze %dma_start3A_124 : memref<1x512xi32, #tpu.memory_space<vmem>> -> memref<512xi32, #tpu.memory_space<vmem>>
    %dma_start3A_126 = arith.constant 0 : i32
    %dma_start3A_127 = arith.constant 0 : i32
    %dma_start3A_128 = tpu.memref_slice %arg3[%dma_start3A_126, %dma_start3A_127] : memref<1000000x32xf32, #tpu.memory_space<hbm>> -> memref<1000000x32xf32, #tpu.memory_space<hbm>>
    %dma_start3A_129 = tpu.memref_slice %arg7[%dma_start3A_119] : memref<5x!tpu.dma_semaphore, #tpu.memory_space<semaphore_mem>> -> memref<1x!tpu.dma_semaphore, #tpu.memory_space<semaphore_mem>>
    %dma_start3A_130 = tpu.memref_squeeze %dma_start3A_129 : memref<1x!tpu.dma_semaphore, #tpu.memory_space<semaphore_mem>> -> memref<!tpu.dma_semaphore, #tpu.memory_space<semaphore_mem>>
    tpu.enqueue_indirect_dma source(%dma_start3A_128 : memref<1000000x32xf32, #tpu.memory_space<hbm>>) target(%dma_start3A_123 : memref<512x32xf32, #tpu.memory_space<vmem>>) offsets(%dma_start3A_125 : memref<512xi32, #tpu.memory_space<vmem>>) semaphore(%dma_start3A_130 : memref<!tpu.dma_semaphore, #tpu.memory_space<semaphore_mem>>)
    %add3A_131 = arith.constant 1024 : i32
    %add3A_132 = arith.addi %sub3A_23, %add3A_131 : i32
    %jit3A_133 = arith.constant 4096 : i32
    %div3A_134 = arith.divsi %add3A_132, %jit3A_133 : i32
    %sign3A_135 = arith.constant 0 : i32
    %sign3A_136 = arith.cmpi sgt, %add3A_132, %sign3A_135 : i32
    %sign3A_137 = arith.extui %sign3A_136 : i1 to i32
    %sign3A_138 = arith.constant 0 : i32
    %sign3A_139 = arith.cmpi slt, %add3A_132, %sign3A_138 : i32
    %sign3A_140 = arith.extui %sign3A_139 : i1 to i32
    %sign3A_141 = arith.subi %sign3A_137, %sign3A_140 : i32
    %sign3A_142 = arith.constant 0 : i32
    %sign3A_143 = arith.cmpi sgt, %jit3A_133, %sign3A_142 : i32
    %sign3A_144 = arith.extui %sign3A_143 : i1 to i32
    %sign3A_145 = arith.constant 0 : i32
    %sign3A_146 = arith.cmpi slt, %jit3A_133, %sign3A_145 : i32
    %sign3A_147 = arith.extui %sign3A_146 : i1 to i32
    %sign3A_148 = arith.subi %sign3A_144, %sign3A_147 : i32
    %ne3A_149 = arith.cmpi ne, %sign3A_141, %sign3A_148 : i32
    %rem3A_150 = arith.remsi %add3A_132, %jit3A_133 : i32
    %ne3A_151 = arith.constant 0 : i32
    %ne3A_152 = arith.cmpi ne, %rem3A_150, %ne3A_151 : i32
    %and3A_153 = arith.andi %ne3A_149, %ne3A_152 : i1
    %sub3A_154 = arith.constant 1 : i32
    %sub3A_155 = arith.subi %div3A_134, %sub3A_154 : i32
    %select_n3A_156 = arith.select %and3A_153, %sub3A_155, %div3A_134 : i32
    %jit3A_157 = arith.constant 4096 : i32
    %eq3A_158 = arith.constant 0 : i32
    %eq3A_159 = arith.cmpi eq, %jit3A_157, %eq3A_158 : i32
    %jit3A_160 = arith.constant 1 : i32
    %select_n3A_161 = arith.select %eq3A_159, %jit3A_160, %jit3A_157 : i32
    %rem3A_162 = arith.remsi %add3A_132, %select_n3A_161 : i32
    %ne3A_163 = arith.constant 0 : i32
    %ne3A_164 = arith.cmpi ne, %rem3A_162, %ne3A_163 : i32
    %lt3A_165 = arith.constant 0 : i32
    %lt3A_166 = arith.cmpi slt, %rem3A_162, %lt3A_165 : i32
    %lt3A_167 = arith.constant 0 : i32
    %lt3A_168 = arith.cmpi slt, %select_n3A_161, %lt3A_167 : i32
    %ne3A_169 = arith.xori %lt3A_166, %lt3A_168 : i1
    %and3A_170 = arith.andi %ne3A_169, %ne3A_164 : i1
    %add3A_171 = arith.addi %rem3A_162, %select_n3A_161 : i32
    %select_n3A_172 = arith.select %and3A_170, %add3A_171, %rem3A_162 : i32
    %dma_start3A_173 = arith.constant 2 : i32
    %dma_start3A_174 = arith.constant 2 : i32
    %dma_start3A_175 = arith.constant 0 : i32
    %dma_start3A_176 = arith.constant 0 : i32
    %dma_start3A_177 = tpu.memref_slice %arg6[%dma_start3A_173, %dma_start3A_175, %dma_start3A_176] : memref<5x512x32xf32, #tpu.memory_space<vmem>> -> memref<1x512x32xf32, #tpu.memory_space<vmem>>
    %dma_start3A_178 = tpu.memref_squeeze %dma_start3A_177 : memref<1x512x32xf32, #tpu.memory_space<vmem>> -> memref<512x32xf32, #tpu.memory_space<vmem>>
    %dma_start3A_179 = tpu.memref_slice %arg5[%select_n3A_156, %select_n3A_172] : memref<7x4096xi32, #tpu.memory_space<vmem>> -> memref<1x512xi32, #tpu.memory_space<vmem>>
    %dma_start3A_180 = tpu.memref_squeeze %dma_start3A_179 : memref<1x512xi32, #tpu.memory_space<vmem>> -> memref<512xi32, #tpu.memory_space<vmem>>
    %dma_start3A_181 = arith.constant 0 : i32
    %dma_start3A_182 = arith.constant 0 : i32
    %dma_start3A_183 = tpu.memref_slice %arg3[%dma_start3A_181, %dma_start3A_182] : memref<1000000x32xf32, #tpu.memory_space<hbm>> -> memref<1000000x32xf32, #tpu.memory_space<hbm>>
    %dma_start3A_184 = tpu.memref_slice %arg7[%dma_start3A_174] : memref<5x!tpu.dma_semaphore, #tpu.memory_space<semaphore_mem>> -> memref<1x!tpu.dma_semaphore, #tpu.memory_space<semaphore_mem>>
    %dma_start3A_185 = tpu.memref_squeeze %dma_start3A_184 : memref<1x!tpu.dma_semaphore, #tpu.memory_space<semaphore_mem>> -> memref<!tpu.dma_semaphore, #tpu.memory_space<semaphore_mem>>
    tpu.enqueue_indirect_dma source(%dma_start3A_183 : memref<1000000x32xf32, #tpu.memory_space<hbm>>) target(%dma_start3A_178 : memref<512x32xf32, #tpu.memory_space<vmem>>) offsets(%dma_start3A_180 : memref<512xi32, #tpu.memory_space<vmem>>) semaphore(%dma_start3A_185 : memref<!tpu.dma_semaphore, #tpu.memory_space<semaphore_mem>>)
    %add3A_186 = arith.constant 1536 : i32
    %add3A_187 = arith.addi %sub3A_23, %add3A_186 : i32
    %jit3A_188 = arith.constant 4096 : i32
    %div3A_189 = arith.divsi %add3A_187, %jit3A_188 : i32
    %sign3A_190 = arith.constant 0 : i32
    %sign3A_191 = arith.cmpi sgt, %add3A_187, %sign3A_190 : i32
    %sign3A_192 = arith.extui %sign3A_191 : i1 to i32
    %sign3A_193 = arith.constant 0 : i32
    %sign3A_194 = arith.cmpi slt, %add3A_187, %sign3A_193 : i32
    %sign3A_195 = arith.extui %sign3A_194 : i1 to i32
    %sign3A_196 = arith.subi %sign3A_192, %sign3A_195 : i32
    %sign3A_197 = arith.constant 0 : i32
    %sign3A_198 = arith.cmpi sgt, %jit3A_188, %sign3A_197 : i32
    %sign3A_199 = arith.extui %sign3A_198 : i1 to i32
    %sign3A_200 = arith.constant 0 : i32
    %sign3A_201 = arith.cmpi slt, %jit3A_188, %sign3A_200 : i32
    %sign3A_202 = arith.extui %sign3A_201 : i1 to i32
    %sign3A_203 = arith.subi %sign3A_199, %sign3A_202 : i32
    %ne3A_204 = arith.cmpi ne, %sign3A_196, %sign3A_203 : i32
    %rem3A_205 = arith.remsi %add3A_187, %jit3A_188 : i32
    %ne3A_206 = arith.constant 0 : i32
    %ne3A_207 = arith.cmpi ne, %rem3A_205, %ne3A_206 : i32
    %and3A_208 = arith.andi %ne3A_204, %ne3A_207 : i1
    %sub3A_209 = arith.constant 1 : i32
    %sub3A_210 = arith.subi %div3A_189, %sub3A_209 : i32
    %select_n3A_211 = arith.select %and3A_208, %sub3A_210, %div3A_189 : i32
    %jit3A_212 = arith.constant 4096 : i32
    %eq3A_213 = arith.constant 0 : i32
    %eq3A_214 = arith.cmpi eq, %jit3A_212, %eq3A_213 : i32
    %jit3A_215 = arith.constant 1 : i32
    %select_n3A_216 = arith.select %eq3A_214, %jit3A_215, %jit3A_212 : i32
    %rem3A_217 = arith.remsi %add3A_187, %select_n3A_216 : i32
    %ne3A_218 = arith.constant 0 : i32
    %ne3A_219 = arith.cmpi ne, %rem3A_217, %ne3A_218 : i32
    %lt3A_220 = arith.constant 0 : i32
    %lt3A_221 = arith.cmpi slt, %rem3A_217, %lt3A_220 : i32
    %lt3A_222 = arith.constant 0 : i32
    %lt3A_223 = arith.cmpi slt, %select_n3A_216, %lt3A_222 : i32
    %ne3A_224 = arith.xori %lt3A_221, %lt3A_223 : i1
    %and3A_225 = arith.andi %ne3A_224, %ne3A_219 : i1
    %add3A_226 = arith.addi %rem3A_217, %select_n3A_216 : i32
    %select_n3A_227 = arith.select %and3A_225, %add3A_226, %rem3A_217 : i32
    %dma_start3A_228 = arith.constant 3 : i32
    %dma_start3A_229 = arith.constant 3 : i32
    %dma_start3A_230 = arith.constant 0 : i32
    %dma_start3A_231 = arith.constant 0 : i32
    %dma_start3A_232 = tpu.memref_slice %arg6[%dma_start3A_228, %dma_start3A_230, %dma_start3A_231] : memref<5x512x32xf32, #tpu.memory_space<vmem>> -> memref<1x512x32xf32, #tpu.memory_space<vmem>>
    %dma_start3A_233 = tpu.memref_squeeze %dma_start3A_232 : memref<1x512x32xf32, #tpu.memory_space<vmem>> -> memref<512x32xf32, #tpu.memory_space<vmem>>
    %dma_start3A_234 = tpu.memref_slice %arg5[%select_n3A_211, %select_n3A_227] : memref<7x4096xi32, #tpu.memory_space<vmem>> -> memref<1x512xi32, #tpu.memory_space<vmem>>
    %dma_start3A_235 = tpu.memref_squeeze %dma_start3A_234 : memref<1x512xi32, #tpu.memory_space<vmem>> -> memref<512xi32, #tpu.memory_space<vmem>>
    %dma_start3A_236 = arith.constant 0 : i32
    %dma_start3A_237 = arith.constant 0 : i32
    %dma_start3A_238 = tpu.memref_slice %arg3[%dma_start3A_236, %dma_start3A_237] : memref<1000000x32xf32, #tpu.memory_space<hbm>> -> memref<1000000x32xf32, #tpu.memory_space<hbm>>
    %dma_start3A_239 = tpu.memref_slice %arg7[%dma_start3A_229] : memref<5x!tpu.dma_semaphore, #tpu.memory_space<semaphore_mem>> -> memref<1x!tpu.dma_semaphore, #tpu.memory_space<semaphore_mem>>
    %dma_start3A_240 = tpu.memref_squeeze %dma_start3A_239 : memref<1x!tpu.dma_semaphore, #tpu.memory_space<semaphore_mem>> -> memref<!tpu.dma_semaphore, #tpu.memory_space<semaphore_mem>>
    tpu.enqueue_indirect_dma source(%dma_start3A_238 : memref<1000000x32xf32, #tpu.memory_space<hbm>>) target(%dma_start3A_233 : memref<512x32xf32, #tpu.memory_space<vmem>>) offsets(%dma_start3A_235 : memref<512xi32, #tpu.memory_space<vmem>>) semaphore(%dma_start3A_240 : memref<!tpu.dma_semaphore, #tpu.memory_space<semaphore_mem>>)
    %add3A_241 = arith.constant 2048 : i32
    %add3A_242 = arith.addi %sub3A_23, %add3A_241 : i32
    %jit3A_243 = arith.constant 4096 : i32
    %div3A_244 = arith.divsi %add3A_242, %jit3A_243 : i32
    %sign3A_245 = arith.constant 0 : i32
    %sign3A_246 = arith.cmpi sgt, %add3A_242, %sign3A_245 : i32
    %sign3A_247 = arith.extui %sign3A_246 : i1 to i32
    %sign3A_248 = arith.constant 0 : i32
    %sign3A_249 = arith.cmpi slt, %add3A_242, %sign3A_248 : i32
    %sign3A_250 = arith.extui %sign3A_249 : i1 to i32
    %sign3A_251 = arith.subi %sign3A_247, %sign3A_250 : i32
    %sign3A_252 = arith.constant 0 : i32
    %sign3A_253 = arith.cmpi sgt, %jit3A_243, %sign3A_252 : i32
    %sign3A_254 = arith.extui %sign3A_253 : i1 to i32
    %sign3A_255 = arith.constant 0 : i32
    %sign3A_256 = arith.cmpi slt, %jit3A_243, %sign3A_255 : i32
    %sign3A_257 = arith.extui %sign3A_256 : i1 to i32
    %sign3A_258 = arith.subi %sign3A_254, %sign3A_257 : i32
    %ne3A_259 = arith.cmpi ne, %sign3A_251, %sign3A_258 : i32
    %rem3A_260 = arith.remsi %add3A_242, %jit3A_243 : i32
    %ne3A_261 = arith.constant 0 : i32
    %ne3A_262 = arith.cmpi ne, %rem3A_260, %ne3A_261 : i32
    %and3A_263 = arith.andi %ne3A_259, %ne3A_262 : i1
    %sub3A_264 = arith.constant 1 : i32
    %sub3A_265 = arith.subi %div3A_244, %sub3A_264 : i32
    %select_n3A_266 = arith.select %and3A_263, %sub3A_265, %div3A_244 : i32
    %jit3A_267 = arith.constant 4096 : i32
    %eq3A_268 = arith.constant 0 : i32
    %eq3A_269 = arith.cmpi eq, %jit3A_267, %eq3A_268 : i32
    %jit3A_270 = arith.constant 1 : i32
    %select_n3A_271 = arith.select %eq3A_269, %jit3A_270, %jit3A_267 : i32
    %rem3A_272 = arith.remsi %add3A_242, %select_n3A_271 : i32
    %ne3A_273 = arith.constant 0 : i32
    %ne3A_274 = arith.cmpi ne, %rem3A_272, %ne3A_273 : i32
    %lt3A_275 = arith.constant 0 : i32
    %lt3A_276 = arith.cmpi slt, %rem3A_272, %lt3A_275 : i32
    %lt3A_277 = arith.constant 0 : i32
    %lt3A_278 = arith.cmpi slt, %select_n3A_271, %lt3A_277 : i32
    %ne3A_279 = arith.xori %lt3A_276, %lt3A_278 : i1
    %and3A_280 = arith.andi %ne3A_279, %ne3A_274 : i1
    %add3A_281 = arith.addi %rem3A_272, %select_n3A_271 : i32
    %select_n3A_282 = arith.select %and3A_280, %add3A_281, %rem3A_272 : i32
    %dma_start3A_283 = arith.constant 4 : i32
    %dma_start3A_284 = arith.constant 4 : i32
    %dma_start3A_285 = arith.constant 0 : i32
    %dma_start3A_286 = arith.constant 0 : i32
    %dma_start3A_287 = tpu.memref_slice %arg6[%dma_start3A_283, %dma_start3A_285, %dma_start3A_286] : memref<5x512x32xf32, #tpu.memory_space<vmem>> -> memref<1x512x32xf32, #tpu.memory_space<vmem>>
    %dma_start3A_288 = tpu.memref_squeeze %dma_start3A_287 : memref<1x512x32xf32, #tpu.memory_space<vmem>> -> memref<512x32xf32, #tpu.memory_space<vmem>>
    %dma_start3A_289 = tpu.memref_slice %arg5[%select_n3A_266, %select_n3A_282] : memref<7x4096xi32, #tpu.memory_space<vmem>> -> memref<1x512xi32, #tpu.memory_space<vmem>>
    %dma_start3A_290 = tpu.memref_squeeze %dma_start3A_289 : memref<1x512xi32, #tpu.memory_space<vmem>> -> memref<512xi32, #tpu.memory_space<vmem>>
    %dma_start3A_291 = arith.constant 0 : i32
    %dma_start3A_292 = arith.constant 0 : i32
    %dma_start3A_293 = tpu.memref_slice %arg3[%dma_start3A_291, %dma_start3A_292] : memref<1000000x32xf32, #tpu.memory_space<hbm>> -> memref<1000000x32xf32, #tpu.memory_space<hbm>>
    %dma_start3A_294 = tpu.memref_slice %arg7[%dma_start3A_284] : memref<5x!tpu.dma_semaphore, #tpu.memory_space<semaphore_mem>> -> memref<1x!tpu.dma_semaphore, #tpu.memory_space<semaphore_mem>>
    %dma_start3A_295 = tpu.memref_squeeze %dma_start3A_294 : memref<1x!tpu.dma_semaphore, #tpu.memory_space<semaphore_mem>> -> memref<!tpu.dma_semaphore, #tpu.memory_space<semaphore_mem>>
    tpu.enqueue_indirect_dma source(%dma_start3A_293 : memref<1000000x32xf32, #tpu.memory_space<hbm>>) target(%dma_start3A_288 : memref<512x32xf32, #tpu.memory_space<vmem>>) offsets(%dma_start3A_290 : memref<512xi32, #tpu.memory_space<vmem>>) semaphore(%dma_start3A_295 : memref<!tpu.dma_semaphore, #tpu.memory_space<semaphore_mem>>)
    %add3A_296 = arith.constant 0 : i32
    %add3A_297 = arith.addi %sub3A_23, %add3A_296 : i32
    %jit3A_298 = arith.constant 4096 : i32
    %div3A_299 = arith.divsi %add3A_297, %jit3A_298 : i32
    %sign3A_300 = arith.constant 0 : i32
    %sign3A_301 = arith.cmpi sgt, %add3A_297, %sign3A_300 : i32
    %sign3A_302 = arith.extui %sign3A_301 : i1 to i32
    %sign3A_303 = arith.constant 0 : i32
    %sign3A_304 = arith.cmpi slt, %add3A_297, %sign3A_303 : i32
    %sign3A_305 = arith.extui %sign3A_304 : i1 to i32
    %sign3A_306 = arith.subi %sign3A_302, %sign3A_305 : i32
    %sign3A_307 = arith.constant 0 : i32
    %sign3A_308 = arith.cmpi sgt, %jit3A_298, %sign3A_307 : i32
    %sign3A_309 = arith.extui %sign3A_308 : i1 to i32
    %sign3A_310 = arith.constant 0 : i32
    %sign3A_311 = arith.cmpi slt, %jit3A_298, %sign3A_310 : i32
    %sign3A_312 = arith.extui %sign3A_311 : i1 to i32
    %sign3A_313 = arith.subi %sign3A_309, %sign3A_312 : i32
    %ne3A_314 = arith.cmpi ne, %sign3A_306, %sign3A_313 : i32
    %rem3A_315 = arith.remsi %add3A_297, %jit3A_298 : i32
    %ne3A_316 = arith.constant 0 : i32
    %ne3A_317 = arith.cmpi ne, %rem3A_315, %ne3A_316 : i32
    %and3A_318 = arith.andi %ne3A_314, %ne3A_317 : i1
    %sub3A_319 = arith.constant 1 : i32
    %sub3A_320 = arith.subi %div3A_299, %sub3A_319 : i32
    %select_n3A_321 = arith.select %and3A_318, %sub3A_320, %div3A_299 : i32
    %jit3A_322 = arith.constant 4096 : i32
    %eq3A_323 = arith.constant 0 : i32
    %eq3A_324 = arith.cmpi eq, %jit3A_322, %eq3A_323 : i32
    %jit3A_325 = arith.constant 1 : i32
    %select_n3A_326 = arith.select %eq3A_324, %jit3A_325, %jit3A_322 : i32
    %rem3A_327 = arith.remsi %add3A_297, %select_n3A_326 : i32
    %ne3A_328 = arith.constant 0 : i32
    %ne3A_329 = arith.cmpi ne, %rem3A_327, %ne3A_328 : i32
    %lt3A_330 = arith.constant 0 : i32
    %lt3A_331 = arith.cmpi slt, %rem3A_327, %lt3A_330 : i32
    %lt3A_332 = arith.constant 0 : i32
    %lt3A_333 = arith.cmpi slt, %select_n3A_326, %lt3A_332 : i32
    %ne3A_334 = arith.xori %lt3A_331, %lt3A_333 : i1
    %and3A_335 = arith.andi %ne3A_334, %ne3A_329 : i1
    %add3A_336 = arith.addi %rem3A_327, %select_n3A_326 : i32
    %select_n3A_337 = arith.select %and3A_335, %add3A_336, %rem3A_327 : i32
    %dma_wait3A = arith.constant 0 : i32
    %dma_wait3A_338 = arith.constant 0 : i32
    %dma_wait3A_339 = arith.constant 0 : i32
    %dma_wait3A_340 = arith.constant 0 : i32
    %dma_wait3A_341 = tpu.memref_slice %arg6[%dma_wait3A, %dma_wait3A_339, %dma_wait3A_340] : memref<5x512x32xf32, #tpu.memory_space<vmem>> -> memref<1x512x32xf32, #tpu.memory_space<vmem>>
    %dma_wait3A_342 = tpu.memref_squeeze %dma_wait3A_341 : memref<1x512x32xf32, #tpu.memory_space<vmem>> -> memref<512x32xf32, #tpu.memory_space<vmem>>
    %dma_wait3A_343 = tpu.memref_slice %arg5[%select_n3A_321, %select_n3A_337] : memref<7x4096xi32, #tpu.memory_space<vmem>> -> memref<1x512xi32, #tpu.memory_space<vmem>>
    %dma_wait3A_344 = tpu.memref_squeeze %dma_wait3A_343 : memref<1x512xi32, #tpu.memory_space<vmem>> -> memref<512xi32, #tpu.memory_space<vmem>>
    %dma_wait3A_345 = arith.constant 0 : i32
    %dma_wait3A_346 = arith.constant 0 : i32
    %dma_wait3A_347 = tpu.memref_slice %arg3[%dma_wait3A_345, %dma_wait3A_346] : memref<1000000x32xf32, #tpu.memory_space<hbm>> -> memref<1000000x32xf32, #tpu.memory_space<hbm>>
    %dma_wait3A_348 = tpu.memref_slice %arg7[%dma_wait3A_338] : memref<5x!tpu.dma_semaphore, #tpu.memory_space<semaphore_mem>> -> memref<1x!tpu.dma_semaphore, #tpu.memory_space<semaphore_mem>>
    %dma_wait3A_349 = tpu.memref_squeeze %dma_wait3A_348 : memref<1x!tpu.dma_semaphore, #tpu.memory_space<semaphore_mem>> -> memref<!tpu.dma_semaphore, #tpu.memory_space<semaphore_mem>>
    tpu.wait_indirect_dma semaphore(%dma_wait3A_349 : memref<!tpu.dma_semaphore, #tpu.memory_space<semaphore_mem>>) src(%dma_wait3A_347 : memref<1000000x32xf32, #tpu.memory_space<hbm>>) dst(%dma_wait3A_342 : memref<512x32xf32, #tpu.memory_space<vmem>>)
    %mul3A_350 = arith.constant 50 : i32
    %mul3A_351 = arith.muli %add3A, %mul3A_350 : i32
    %add3A_352 = arith.constant 0 : i32
    %add3A_353 = arith.addi %mul3A_351, %add3A_352 : i32
    %jit3A_354 = arith.constant 8 : i32
    %eq3A_355 = arith.constant 0 : i32
    %eq3A_356 = arith.cmpi eq, %jit3A_354, %eq3A_355 : i32
    %jit3A_357 = arith.constant 1 : i32
    %select_n3A_358 = arith.select %eq3A_356, %jit3A_357, %jit3A_354 : i32
    %rem3A_359 = arith.remsi %add3A_353, %select_n3A_358 : i32
    %ne3A_360 = arith.constant 0 : i32
    %ne3A_361 = arith.cmpi ne, %rem3A_359, %ne3A_360 : i32
    %lt3A_362 = arith.constant 0 : i32
    %lt3A_363 = arith.cmpi slt, %rem3A_359, %lt3A_362 : i32
    %lt3A_364 = arith.constant 0 : i32
    %lt3A_365 = arith.cmpi slt, %select_n3A_358, %lt3A_364 : i32
    %ne3A_366 = arith.xori %lt3A_363, %lt3A_365 : i1
    %and3A_367 = arith.andi %ne3A_366, %ne3A_361 : i1
    %add3A_368 = arith.addi %rem3A_359, %select_n3A_358 : i32
    %select_n3A_369 = arith.select %and3A_367, %add3A_368, %rem3A_359 : i32
    %mul3A_370 = arith.constant 512 : i32
    %mul3A_371 = arith.muli %select_n3A_369, %mul3A_370 : i32
    %jit3A_372 = arith.constant 8 : i32
    %div3A_373 = arith.divsi %add3A_353, %jit3A_372 : i32
    %sign3A_374 = arith.constant 0 : i32
    %sign3A_375 = arith.cmpi sgt, %add3A_353, %sign3A_374 : i32
    %sign3A_376 = arith.extui %sign3A_375 : i1 to i32
    %sign3A_377 = arith.constant 0 : i32
    %sign3A_378 = arith.cmpi slt, %add3A_353, %sign3A_377 : i32
    %sign3A_379 = arith.extui %sign3A_378 : i1 to i32
    %sign3A_380 = arith.subi %sign3A_376, %sign3A_379 : i32
    %sign3A_381 = arith.constant 0 : i32
    %sign3A_382 = arith.cmpi sgt, %jit3A_372, %sign3A_381 : i32
    %sign3A_383 = arith.extui %sign3A_382 : i1 to i32
    %sign3A_384 = arith.constant 0 : i32
    %sign3A_385 = arith.cmpi slt, %jit3A_372, %sign3A_384 : i32
    %sign3A_386 = arith.extui %sign3A_385 : i1 to i32
    %sign3A_387 = arith.subi %sign3A_383, %sign3A_386 : i32
    %ne3A_388 = arith.cmpi ne, %sign3A_380, %sign3A_387 : i32
    %rem3A_389 = arith.remsi %add3A_353, %jit3A_372 : i32
    %ne3A_390 = arith.constant 0 : i32
    %ne3A_391 = arith.cmpi ne, %rem3A_389, %ne3A_390 : i32
    %and3A_392 = arith.andi %ne3A_388, %ne3A_391 : i1
    %sub3A_393 = arith.constant 1 : i32
    %sub3A_394 = arith.subi %div3A_373, %sub3A_393 : i32
    %select_n3A_395 = arith.select %and3A_392, %sub3A_394, %div3A_373 : i32
    %dma_start3A_396 = arith.constant 0 : i32
    %dma_start3A_397 = arith.constant 0 : i32
    %dma_start3A_398 = arith.constant 0 : i32
    %dma_start3A_399 = arith.constant 0 : i32
    %dma_start3A_400 = tpu.memref_slice %arg6[%dma_start3A_396, %dma_start3A_398, %dma_start3A_399] : memref<5x512x32xf32, #tpu.memory_space<vmem>> -> memref<1x512x32xf32, #tpu.memory_space<vmem>>
    %dma_start3A_401 = tpu.memref_squeeze %dma_start3A_400 : memref<1x512x32xf32, #tpu.memory_space<vmem>> -> memref<512x32xf32, #tpu.memory_space<vmem>>
    %dma_start3A_402 = arith.constant 0 : i32
    %dma_start3A_403 = tpu.memref_slice %arg4[%mul3A_371, %select_n3A_395, %dma_start3A_402] : memref<4096x200x32xf32, #tpu.memory_space<hbm>> -> memref<512x1x32xf32, #tpu.memory_space<hbm>>
    %dma_start3A_404 = tpu.memref_squeeze %dma_start3A_403 : memref<512x1x32xf32, #tpu.memory_space<hbm>> -> memref<512x32xf32, #tpu.memory_space<hbm>>
    %dma_start3A_405 = tpu.memref_slice %arg8[%dma_start3A_397] : memref<5x!tpu.dma_semaphore, #tpu.memory_space<semaphore_mem>> -> memref<1x!tpu.dma_semaphore, #tpu.memory_space<semaphore_mem>>
    %dma_start3A_406 = tpu.memref_squeeze %dma_start3A_405 : memref<1x!tpu.dma_semaphore, #tpu.memory_space<semaphore_mem>> -> memref<!tpu.dma_semaphore, #tpu.memory_space<semaphore_mem>>
    %dma_start3A_407 = arith.constant 0 : i32
    %dma_start3A_408 = tpu.memref_slice %arg4[%mul3A_371, %select_n3A_395, %dma_start3A_407] : memref<4096x200x32xf32, #tpu.memory_space<hbm>> -> memref<512x1x32xf32, #tpu.memory_space<hbm>>
    %dma_start3A_409 = tpu.memref_squeeze %dma_start3A_408 : memref<512x1x32xf32, #tpu.memory_space<hbm>> -> memref<512x32xf32, #tpu.memory_space<hbm>>
    %dma_start3A_410 = arith.constant 0 : i32
    %dma_start3A_411 = arith.constant 0 : i32
    %dma_start3A_412 = tpu.memref_slice %arg6[%dma_start3A_396, %dma_start3A_410, %dma_start3A_411] : memref<5x512x32xf32, #tpu.memory_space<vmem>> -> memref<1x512x32xf32, #tpu.memory_space<vmem>>
    %dma_start3A_413 = tpu.memref_squeeze %dma_start3A_412 : memref<1x512x32xf32, #tpu.memory_space<vmem>> -> memref<512x32xf32, #tpu.memory_space<vmem>>
    tpu.enqueue_dma source(%dma_start3A_413 : memref<512x32xf32, #tpu.memory_space<vmem>>) target(%dma_start3A_409 : memref<512x32xf32, #tpu.memory_space<hbm>>) target_semaphore(%dma_start3A_406 : memref<!tpu.dma_semaphore, #tpu.memory_space<semaphore_mem>>)
    %scan3A = arith.constant 0 : i32
    %scan3A_414 = arith.constant 9 : i32
    %scan3A_415 = arith.addi %scan3A, %scan3A_414 : i32
    %scan3A_416 = arith.constant 1 : i32
    scf.for %scan3A_1214 = %scan3A to %scan3A_415 step %scan3A_416  : i32 {
      %mul3A_1215 = arith.constant 5 : i32
      %mul3A_1216 = arith.muli %scan3A_1214, %mul3A_1215 : i32
      %add3A_1217 = arith.constant 1 : i32
      %add3A_1218 = arith.addi %add3A_1217, %mul3A_1216 : i32
      %add3A_1219 = arith.constant 0 : i32
      %add3A_1220 = arith.addi %add3A_1218, %add3A_1219 : i32
      %sub3A_1221 = arith.constant 1 : i32
      %sub3A_1222 = arith.subi %add3A_1220, %sub3A_1221 : i32
      %mul3A_1223 = arith.constant 50 : i32
      %mul3A_1224 = arith.muli %add3A, %mul3A_1223 : i32
      %add3A_1225 = arith.addi %mul3A_1224, %sub3A_1222 : i32
      %jit3A_1226 = arith.constant 8 : i32
      %eq3A_1227 = arith.constant 0 : i32
      %eq3A_1228 = arith.cmpi eq, %jit3A_1226, %eq3A_1227 : i32
      %jit3A_1229 = arith.constant 1 : i32
      %select_n3A_1230 = arith.select %eq3A_1228, %jit3A_1229, %jit3A_1226 : i32
      %rem3A_1231 = arith.remsi %add3A_1225, %select_n3A_1230 : i32
      %ne3A_1232 = arith.constant 0 : i32
      %ne3A_1233 = arith.cmpi ne, %rem3A_1231, %ne3A_1232 : i32
      %lt3A_1234 = arith.constant 0 : i32
      %lt3A_1235 = arith.cmpi slt, %rem3A_1231, %lt3A_1234 : i32
      %lt3A_1236 = arith.constant 0 : i32
      %lt3A_1237 = arith.cmpi slt, %select_n3A_1230, %lt3A_1236 : i32
      %ne3A_1238 = arith.xori %lt3A_1235, %lt3A_1237 : i1
      %and3A_1239 = arith.andi %ne3A_1238, %ne3A_1233 : i1
      %add3A_1240 = arith.addi %rem3A_1231, %select_n3A_1230 : i32
      %select_n3A_1241 = arith.select %and3A_1239, %add3A_1240, %rem3A_1231 : i32
      %mul3A_1242 = arith.constant 512 : i32
      %mul3A_1243 = arith.muli %select_n3A_1241, %mul3A_1242 : i32
      %jit3A_1244 = arith.constant 8 : i32
      %div3A_1245 = arith.divsi %add3A_1225, %jit3A_1244 : i32
      %sign3A_1246 = arith.constant 0 : i32
      %sign3A_1247 = arith.cmpi sgt, %add3A_1225, %sign3A_1246 : i32
      %sign3A_1248 = arith.extui %sign3A_1247 : i1 to i32
      %sign3A_1249 = arith.constant 0 : i32
      %sign3A_1250 = arith.cmpi slt, %add3A_1225, %sign3A_1249 : i32
      %sign3A_1251 = arith.extui %sign3A_1250 : i1 to i32
      %sign3A_1252 = arith.subi %sign3A_1248, %sign3A_1251 : i32
      %sign3A_1253 = arith.constant 0 : i32
      %sign3A_1254 = arith.cmpi sgt, %jit3A_1244, %sign3A_1253 : i32
      %sign3A_1255 = arith.extui %sign3A_1254 : i1 to i32
      %sign3A_1256 = arith.constant 0 : i32
      %sign3A_1257 = arith.cmpi slt, %jit3A_1244, %sign3A_1256 : i32
      %sign3A_1258 = arith.extui %sign3A_1257 : i1 to i32
      %sign3A_1259 = arith.subi %sign3A_1255, %sign3A_1258 : i32
      %ne3A_1260 = arith.cmpi ne, %sign3A_1252, %sign3A_1259 : i32
      %rem3A_1261 = arith.remsi %add3A_1225, %jit3A_1244 : i32
      %ne3A_1262 = arith.constant 0 : i32
      %ne3A_1263 = arith.cmpi ne, %rem3A_1261, %ne3A_1262 : i32
      %and3A_1264 = arith.andi %ne3A_1260, %ne3A_1263 : i1
      %sub3A_1265 = arith.constant 1 : i32
      %sub3A_1266 = arith.subi %div3A_1245, %sub3A_1265 : i32
      %select_n3A_1267 = arith.select %and3A_1264, %sub3A_1266, %div3A_1245 : i32
      %dma_wait3A_1268 = arith.constant 0 : i32
      %dma_wait3A_1269 = arith.constant 0 : i32
      %dma_wait3A_1270 = arith.constant 0 : i32
      %dma_wait3A_1271 = arith.constant 0 : i32
      %dma_wait3A_1272 = tpu.memref_slice %arg6[%dma_wait3A_1268, %dma_wait3A_1270, %dma_wait3A_1271] : memref<5x512x32xf32, #tpu.memory_space<vmem>> -> memref<1x512x32xf32, #tpu.memory_space<vmem>>
      %dma_wait3A_1273 = tpu.memref_squeeze %dma_wait3A_1272 : memref<1x512x32xf32, #tpu.memory_space<vmem>> -> memref<512x32xf32, #tpu.memory_space<vmem>>
      %dma_wait3A_1274 = arith.constant 0 : i32
      %dma_wait3A_1275 = tpu.memref_slice %arg4[%mul3A_1243, %select_n3A_1267, %dma_wait3A_1274] : memref<4096x200x32xf32, #tpu.memory_space<hbm>> -> memref<512x1x32xf32, #tpu.memory_space<hbm>>
      %dma_wait3A_1276 = tpu.memref_squeeze %dma_wait3A_1275 : memref<512x1x32xf32, #tpu.memory_space<hbm>> -> memref<512x32xf32, #tpu.memory_space<hbm>>
      %dma_wait3A_1277 = tpu.memref_slice %arg8[%dma_wait3A_1269] : memref<5x!tpu.dma_semaphore, #tpu.memory_space<semaphore_mem>> -> memref<1x!tpu.dma_semaphore, #tpu.memory_space<semaphore_mem>>
      %dma_wait3A_1278 = tpu.memref_squeeze %dma_wait3A_1277 : memref<1x!tpu.dma_semaphore, #tpu.memory_space<semaphore_mem>> -> memref<!tpu.dma_semaphore, #tpu.memory_space<semaphore_mem>>
      %dma_wait3A_1279 = arith.constant 0 : i32
      %dma_wait3A_1280 = tpu.memref_slice %arg4[%mul3A_1243, %select_n3A_1267, %dma_wait3A_1279] : memref<4096x200x32xf32, #tpu.memory_space<hbm>> -> memref<512x1x32xf32, #tpu.memory_space<hbm>>
      %dma_wait3A_1281 = tpu.memref_squeeze %dma_wait3A_1280 : memref<512x1x32xf32, #tpu.memory_space<hbm>> -> memref<512x32xf32, #tpu.memory_space<hbm>>
      %dma_wait3A_1282 = arith.constant 0 : i32
      %dma_wait3A_1283 = arith.constant 0 : i32
      %dma_wait3A_1284 = tpu.memref_slice %arg6[%dma_wait3A_1268, %dma_wait3A_1282, %dma_wait3A_1283] : memref<5x512x32xf32, #tpu.memory_space<vmem>> -> memref<1x512x32xf32, #tpu.memory_space<vmem>>
      %dma_wait3A_1285 = tpu.memref_squeeze %dma_wait3A_1284 : memref<1x512x32xf32, #tpu.memory_space<vmem>> -> memref<512x32xf32, #tpu.memory_space<vmem>>
      tpu.wait_dma2 semaphore(%dma_wait3A_1278 : memref<!tpu.dma_semaphore, #tpu.memory_space<semaphore_mem>>) src(%dma_wait3A_1285 : memref<512x32xf32, #tpu.memory_space<vmem>>) dst(%dma_wait3A_1281 : memref<512x32xf32, #tpu.memory_space<hbm>>)
      %add3A_1286 = arith.constant 5 : i32
      %add3A_1287 = arith.addi %add3A_1220, %add3A_1286 : i32
      %sub3A_1288 = arith.constant 1 : i32
      %sub3A_1289 = arith.subi %add3A_1287, %sub3A_1288 : i32
      %mul3A_1290 = arith.constant 512 : i32
      %mul3A_1291 = arith.muli %sub3A_1289, %mul3A_1290 : i32
      %add3A_1292 = arith.addi %sub3A_23, %mul3A_1291 : i32
      %jit3A_1293 = arith.constant 4096 : i32
      %div3A_1294 = arith.divsi %add3A_1292, %jit3A_1293 : i32
      %sign3A_1295 = arith.constant 0 : i32
      %sign3A_1296 = arith.cmpi sgt, %add3A_1292, %sign3A_1295 : i32
      %sign3A_1297 = arith.extui %sign3A_1296 : i1 to i32
      %sign3A_1298 = arith.constant 0 : i32
      %sign3A_1299 = arith.cmpi slt, %add3A_1292, %sign3A_1298 : i32
      %sign3A_1300 = arith.extui %sign3A_1299 : i1 to i32
      %sign3A_1301 = arith.subi %sign3A_1297, %sign3A_1300 : i32
      %sign3A_1302 = arith.constant 0 : i32
      %sign3A_1303 = arith.cmpi sgt, %jit3A_1293, %sign3A_1302 : i32
      %sign3A_1304 = arith.extui %sign3A_1303 : i1 to i32
      %sign3A_1305 = arith.constant 0 : i32
      %sign3A_1306 = arith.cmpi slt, %jit3A_1293, %sign3A_1305 : i32
      %sign3A_1307 = arith.extui %sign3A_1306 : i1 to i32
      %sign3A_1308 = arith.subi %sign3A_1304, %sign3A_1307 : i32
      %ne3A_1309 = arith.cmpi ne, %sign3A_1301, %sign3A_1308 : i32
      %rem3A_1310 = arith.remsi %add3A_1292, %jit3A_1293 : i32
      %ne3A_1311 = arith.constant 0 : i32
      %ne3A_1312 = arith.cmpi ne, %rem3A_1310, %ne3A_1311 : i32
      %and3A_1313 = arith.andi %ne3A_1309, %ne3A_1312 : i1
      %sub3A_1314 = arith.constant 1 : i32
      %sub3A_1315 = arith.subi %div3A_1294, %sub3A_1314 : i32
      %select_n3A_1316 = arith.select %and3A_1313, %sub3A_1315, %div3A_1294 : i32
      %jit3A_1317 = arith.constant 4096 : i32
      %eq3A_1318 = arith.constant 0 : i32
      %eq3A_1319 = arith.cmpi eq, %jit3A_1317, %eq3A_1318 : i32
      %jit3A_1320 = arith.constant 1 : i32
      %select_n3A_1321 = arith.select %eq3A_1319, %jit3A_1320, %jit3A_1317 : i32
      %rem3A_1322 = arith.remsi %add3A_1292, %select_n3A_1321 : i32
      %ne3A_1323 = arith.constant 0 : i32
      %ne3A_1324 = arith.cmpi ne, %rem3A_1322, %ne3A_1323 : i32
      %lt3A_1325 = arith.constant 0 : i32
      %lt3A_1326 = arith.cmpi slt, %rem3A_1322, %lt3A_1325 : i32
      %lt3A_1327 = arith.constant 0 : i32
      %lt3A_1328 = arith.cmpi slt, %select_n3A_1321, %lt3A_1327 : i32
      %ne3A_1329 = arith.xori %lt3A_1326, %lt3A_1328 : i1
      %and3A_1330 = arith.andi %ne3A_1329, %ne3A_1324 : i1
      %add3A_1331 = arith.addi %rem3A_1322, %select_n3A_1321 : i32
      %select_n3A_1332 = arith.select %and3A_1330, %add3A_1331, %rem3A_1322 : i32
      %dma_start3A_1333 = arith.constant 0 : i32
      %dma_start3A_1334 = arith.constant 0 : i32
      %dma_start3A_1335 = arith.constant 0 : i32
      %dma_start3A_1336 = arith.constant 0 : i32
      %dma_start3A_1337 = tpu.memref_slice %arg6[%dma_start3A_1333, %dma_start3A_1335, %dma_start3A_1336] : memref<5x512x32xf32, #tpu.memory_space<vmem>> -> memref<1x512x32xf32, #tpu.memory_space<vmem>>
      %dma_start3A_1338 = tpu.memref_squeeze %dma_start3A_1337 : memref<1x512x32xf32, #tpu.memory_space<vmem>> -> memref<512x32xf32, #tpu.memory_space<vmem>>
      %dma_start3A_1339 = tpu.memref_slice %arg5[%select_n3A_1316, %select_n3A_1332] : memref<7x4096xi32, #tpu.memory_space<vmem>> -> memref<1x512xi32, #tpu.memory_space<vmem>>
      %dma_start3A_1340 = tpu.memref_squeeze %dma_start3A_1339 : memref<1x512xi32, #tpu.memory_space<vmem>> -> memref<512xi32, #tpu.memory_space<vmem>>
      %dma_start3A_1341 = arith.constant 0 : i32
      %dma_start3A_1342 = arith.constant 0 : i32
      %dma_start3A_1343 = tpu.memref_slice %arg3[%dma_start3A_1341, %dma_start3A_1342] : memref<1000000x32xf32, #tpu.memory_space<hbm>> -> memref<1000000x32xf32, #tpu.memory_space<hbm>>
      %dma_start3A_1344 = tpu.memref_slice %arg7[%dma_start3A_1334] : memref<5x!tpu.dma_semaphore, #tpu.memory_space<semaphore_mem>> -> memref<1x!tpu.dma_semaphore, #tpu.memory_space<semaphore_mem>>
      %dma_start3A_1345 = tpu.memref_squeeze %dma_start3A_1344 : memref<1x!tpu.dma_semaphore, #tpu.memory_space<semaphore_mem>> -> memref<!tpu.dma_semaphore, #tpu.memory_space<semaphore_mem>>
      tpu.enqueue_indirect_dma source(%dma_start3A_1343 : memref<1000000x32xf32, #tpu.memory_space<hbm>>) target(%dma_start3A_1338 : memref<512x32xf32, #tpu.memory_space<vmem>>) offsets(%dma_start3A_1340 : memref<512xi32, #tpu.memory_space<vmem>>) semaphore(%dma_start3A_1345 : memref<!tpu.dma_semaphore, #tpu.memory_space<semaphore_mem>>)
      %mul3A_1346 = arith.constant 512 : i32
      %mul3A_1347 = arith.muli %add3A_1220, %mul3A_1346 : i32
      %add3A_1348 = arith.addi %sub3A_23, %mul3A_1347 : i32
      %jit3A_1349 = arith.constant 4096 : i32
      %div3A_1350 = arith.divsi %add3A_1348, %jit3A_1349 : i32
      %sign3A_1351 = arith.constant 0 : i32
      %sign3A_1352 = arith.cmpi sgt, %add3A_1348, %sign3A_1351 : i32
      %sign3A_1353 = arith.extui %sign3A_1352 : i1 to i32
      %sign3A_1354 = arith.constant 0 : i32
      %sign3A_1355 = arith.cmpi slt, %add3A_1348, %sign3A_1354 : i32
      %sign3A_1356 = arith.extui %sign3A_1355 : i1 to i32
      %sign3A_1357 = arith.subi %sign3A_1353, %sign3A_1356 : i32
      %sign3A_1358 = arith.constant 0 : i32
      %sign3A_1359 = arith.cmpi sgt, %jit3A_1349, %sign3A_1358 : i32
      %sign3A_1360 = arith.extui %sign3A_1359 : i1 to i32
      %sign3A_1361 = arith.constant 0 : i32
      %sign3A_1362 = arith.cmpi slt, %jit3A_1349, %sign3A_1361 : i32
      %sign3A_1363 = arith.extui %sign3A_1362 : i1 to i32
      %sign3A_1364 = arith.subi %sign3A_1360, %sign3A_1363 : i32
      %ne3A_1365 = arith.cmpi ne, %sign3A_1357, %sign3A_1364 : i32
      %rem3A_1366 = arith.remsi %add3A_1348, %jit3A_1349 : i32
      %ne3A_1367 = arith.constant 0 : i32
      %ne3A_1368 = arith.cmpi ne, %rem3A_1366, %ne3A_1367 : i32
      %and3A_1369 = arith.andi %ne3A_1365, %ne3A_1368 : i1
      %sub3A_1370 = arith.constant 1 : i32
      %sub3A_1371 = arith.subi %div3A_1350, %sub3A_1370 : i32
      %select_n3A_1372 = arith.select %and3A_1369, %sub3A_1371, %div3A_1350 : i32
      %jit3A_1373 = arith.constant 4096 : i32
      %eq3A_1374 = arith.constant 0 : i32
      %eq3A_1375 = arith.cmpi eq, %jit3A_1373, %eq3A_1374 : i32
      %jit3A_1376 = arith.constant 1 : i32
      %select_n3A_1377 = arith.select %eq3A_1375, %jit3A_1376, %jit3A_1373 : i32
      %rem3A_1378 = arith.remsi %add3A_1348, %select_n3A_1377 : i32
      %ne3A_1379 = arith.constant 0 : i32
      %ne3A_1380 = arith.cmpi ne, %rem3A_1378, %ne3A_1379 : i32
      %lt3A_1381 = arith.constant 0 : i32
      %lt3A_1382 = arith.cmpi slt, %rem3A_1378, %lt3A_1381 : i32
      %lt3A_1383 = arith.constant 0 : i32
      %lt3A_1384 = arith.cmpi slt, %select_n3A_1377, %lt3A_1383 : i32
      %ne3A_1385 = arith.xori %lt3A_1382, %lt3A_1384 : i1
      %and3A_1386 = arith.andi %ne3A_1385, %ne3A_1380 : i1
      %add3A_1387 = arith.addi %rem3A_1378, %select_n3A_1377 : i32
      %select_n3A_1388 = arith.select %and3A_1386, %add3A_1387, %rem3A_1378 : i32
      %dma_wait3A_1389 = arith.constant 1 : i32
      %dma_wait3A_1390 = arith.constant 1 : i32
      %dma_wait3A_1391 = arith.constant 0 : i32
      %dma_wait3A_1392 = arith.constant 0 : i32
      %dma_wait3A_1393 = tpu.memref_slice %arg6[%dma_wait3A_1389, %dma_wait3A_1391, %dma_wait3A_1392] : memref<5x512x32xf32, #tpu.memory_space<vmem>> -> memref<1x512x32xf32, #tpu.memory_space<vmem>>
      %dma_wait3A_1394 = tpu.memref_squeeze %dma_wait3A_1393 : memref<1x512x32xf32, #tpu.memory_space<vmem>> -> memref<512x32xf32, #tpu.memory_space<vmem>>
      %dma_wait3A_1395 = tpu.memref_slice %arg5[%select_n3A_1372, %select_n3A_1388] : memref<7x4096xi32, #tpu.memory_space<vmem>> -> memref<1x512xi32, #tpu.memory_space<vmem>>
      %dma_wait3A_1396 = tpu.memref_squeeze %dma_wait3A_1395 : memref<1x512xi32, #tpu.memory_space<vmem>> -> memref<512xi32, #tpu.memory_space<vmem>>
      %dma_wait3A_1397 = arith.constant 0 : i32
      %dma_wait3A_1398 = arith.constant 0 : i32
      %dma_wait3A_1399 = tpu.memref_slice %arg3[%dma_wait3A_1397, %dma_wait3A_1398] : memref<1000000x32xf32, #tpu.memory_space<hbm>> -> memref<1000000x32xf32, #tpu.memory_space<hbm>>
      %dma_wait3A_1400 = tpu.memref_slice %arg7[%dma_wait3A_1390] : memref<5x!tpu.dma_semaphore, #tpu.memory_space<semaphore_mem>> -> memref<1x!tpu.dma_semaphore, #tpu.memory_space<semaphore_mem>>
      %dma_wait3A_1401 = tpu.memref_squeeze %dma_wait3A_1400 : memref<1x!tpu.dma_semaphore, #tpu.memory_space<semaphore_mem>> -> memref<!tpu.dma_semaphore, #tpu.memory_space<semaphore_mem>>
      tpu.wait_indirect_dma semaphore(%dma_wait3A_1401 : memref<!tpu.dma_semaphore, #tpu.memory_space<semaphore_mem>>) src(%dma_wait3A_1399 : memref<1000000x32xf32, #tpu.memory_space<hbm>>) dst(%dma_wait3A_1394 : memref<512x32xf32, #tpu.memory_space<vmem>>)
      %mul3A_1402 = arith.constant 50 : i32
      %mul3A_1403 = arith.muli %add3A, %mul3A_1402 : i32
      %add3A_1404 = arith.addi %mul3A_1403, %add3A_1220 : i32
      %jit3A_1405 = arith.constant 8 : i32
      %eq3A_1406 = arith.constant 0 : i32
      %eq3A_1407 = arith.cmpi eq, %jit3A_1405, %eq3A_1406 : i32
      %jit3A_1408 = arith.constant 1 : i32
      %select_n3A_1409 = arith.select %eq3A_1407, %jit3A_1408, %jit3A_1405 : i32
      %rem3A_1410 = arith.remsi %add3A_1404, %select_n3A_1409 : i32
      %ne3A_1411 = arith.constant 0 : i32
      %ne3A_1412 = arith.cmpi ne, %rem3A_1410, %ne3A_1411 : i32
      %lt3A_1413 = arith.constant 0 : i32
      %lt3A_1414 = arith.cmpi slt, %rem3A_1410, %lt3A_1413 : i32
      %lt3A_1415 = arith.constant 0 : i32
      %lt3A_1416 = arith.cmpi slt, %select_n3A_1409, %lt3A_1415 : i32
      %ne3A_1417 = arith.xori %lt3A_1414, %lt3A_1416 : i1
      %and3A_1418 = arith.andi %ne3A_1417, %ne3A_1412 : i1
      %add3A_1419 = arith.addi %rem3A_1410, %select_n3A_1409 : i32
      %select_n3A_1420 = arith.select %and3A_1418, %add3A_1419, %rem3A_1410 : i32
      %mul3A_1421 = arith.constant 512 : i32
      %mul3A_1422 = arith.muli %select_n3A_1420, %mul3A_1421 : i32
      %jit3A_1423 = arith.constant 8 : i32
      %div3A_1424 = arith.divsi %add3A_1404, %jit3A_1423 : i32
      %sign3A_1425 = arith.constant 0 : i32
      %sign3A_1426 = arith.cmpi sgt, %add3A_1404, %sign3A_1425 : i32
      %sign3A_1427 = arith.extui %sign3A_1426 : i1 to i32
      %sign3A_1428 = arith.constant 0 : i32
      %sign3A_1429 = arith.cmpi slt, %add3A_1404, %sign3A_1428 : i32
      %sign3A_1430 = arith.extui %sign3A_1429 : i1 to i32
      %sign3A_1431 = arith.subi %sign3A_1427, %sign3A_1430 : i32
      %sign3A_1432 = arith.constant 0 : i32
      %sign3A_1433 = arith.cmpi sgt, %jit3A_1423, %sign3A_1432 : i32
      %sign3A_1434 = arith.extui %sign3A_1433 : i1 to i32
      %sign3A_1435 = arith.constant 0 : i32
      %sign3A_1436 = arith.cmpi slt, %jit3A_1423, %sign3A_1435 : i32
      %sign3A_1437 = arith.extui %sign3A_1436 : i1 to i32
      %sign3A_1438 = arith.subi %sign3A_1434, %sign3A_1437 : i32
      %ne3A_1439 = arith.cmpi ne, %sign3A_1431, %sign3A_1438 : i32
      %rem3A_1440 = arith.remsi %add3A_1404, %jit3A_1423 : i32
      %ne3A_1441 = arith.constant 0 : i32
      %ne3A_1442 = arith.cmpi ne, %rem3A_1440, %ne3A_1441 : i32
      %and3A_1443 = arith.andi %ne3A_1439, %ne3A_1442 : i1
      %sub3A_1444 = arith.constant 1 : i32
      %sub3A_1445 = arith.subi %div3A_1424, %sub3A_1444 : i32
      %select_n3A_1446 = arith.select %and3A_1443, %sub3A_1445, %div3A_1424 : i32
      %dma_start3A_1447 = arith.constant 1 : i32
      %dma_start3A_1448 = arith.constant 1 : i32
      %dma_start3A_1449 = arith.constant 0 : i32
      %dma_start3A_1450 = arith.constant 0 : i32
      %dma_start3A_1451 = tpu.memref_slice %arg6[%dma_start3A_1447, %dma_start3A_1449, %dma_start3A_1450] : memref<5x512x32xf32, #tpu.memory_space<vmem>> -> memref<1x512x32xf32, #tpu.memory_space<vmem>>
      %dma_start3A_1452 = tpu.memref_squeeze %dma_start3A_1451 : memref<1x512x32xf32, #tpu.memory_space<vmem>> -> memref<512x32xf32, #tpu.memory_space<vmem>>
      %dma_start3A_1453 = arith.constant 0 : i32
      %dma_start3A_1454 = tpu.memref_slice %arg4[%mul3A_1422, %select_n3A_1446, %dma_start3A_1453] : memref<4096x200x32xf32, #tpu.memory_space<hbm>> -> memref<512x1x32xf32, #tpu.memory_space<hbm>>
      %dma_start3A_1455 = tpu.memref_squeeze %dma_start3A_1454 : memref<512x1x32xf32, #tpu.memory_space<hbm>> -> memref<512x32xf32, #tpu.memory_space<hbm>>
      %dma_start3A_1456 = tpu.memref_slice %arg8[%dma_start3A_1448] : memref<5x!tpu.dma_semaphore, #tpu.memory_space<semaphore_mem>> -> memref<1x!tpu.dma_semaphore, #tpu.memory_space<semaphore_mem>>
      %dma_start3A_1457 = tpu.memref_squeeze %dma_start3A_1456 : memref<1x!tpu.dma_semaphore, #tpu.memory_space<semaphore_mem>> -> memref<!tpu.dma_semaphore, #tpu.memory_space<semaphore_mem>>
      %dma_start3A_1458 = arith.constant 0 : i32
      %dma_start3A_1459 = tpu.memref_slice %arg4[%mul3A_1422, %select_n3A_1446, %dma_start3A_1458] : memref<4096x200x32xf32, #tpu.memory_space<hbm>> -> memref<512x1x32xf32, #tpu.memory_space<hbm>>
      %dma_start3A_1460 = tpu.memref_squeeze %dma_start3A_1459 : memref<512x1x32xf32, #tpu.memory_space<hbm>> -> memref<512x32xf32, #tpu.memory_space<hbm>>
      %dma_start3A_1461 = arith.constant 0 : i32
      %dma_start3A_1462 = arith.constant 0 : i32
      %dma_start3A_1463 = tpu.memref_slice %arg6[%dma_start3A_1447, %dma_start3A_1461, %dma_start3A_1462] : memref<5x512x32xf32, #tpu.memory_space<vmem>> -> memref<1x512x32xf32, #tpu.memory_space<vmem>>
      %dma_start3A_1464 = tpu.memref_squeeze %dma_start3A_1463 : memref<1x512x32xf32, #tpu.memory_space<vmem>> -> memref<512x32xf32, #tpu.memory_space<vmem>>
      tpu.enqueue_dma source(%dma_start3A_1464 : memref<512x32xf32, #tpu.memory_space<vmem>>) target(%dma_start3A_1460 : memref<512x32xf32, #tpu.memory_space<hbm>>) target_semaphore(%dma_start3A_1457 : memref<!tpu.dma_semaphore, #tpu.memory_space<semaphore_mem>>)
      %add3A_1465 = arith.constant 1 : i32
      %add3A_1466 = arith.addi %add3A_1218, %add3A_1465 : i32
      %sub3A_1467 = arith.constant 1 : i32
      %sub3A_1468 = arith.subi %add3A_1466, %sub3A_1467 : i32
      %mul3A_1469 = arith.constant 50 : i32
      %mul3A_1470 = arith.muli %add3A, %mul3A_1469 : i32
      %add3A_1471 = arith.addi %mul3A_1470, %sub3A_1468 : i32
      %jit3A_1472 = arith.constant 8 : i32
      %eq3A_1473 = arith.constant 0 : i32
      %eq3A_1474 = arith.cmpi eq, %jit3A_1472, %eq3A_1473 : i32
      %jit3A_1475 = arith.constant 1 : i32
      %select_n3A_1476 = arith.select %eq3A_1474, %jit3A_1475, %jit3A_1472 : i32
      %rem3A_1477 = arith.remsi %add3A_1471, %select_n3A_1476 : i32
      %ne3A_1478 = arith.constant 0 : i32
      %ne3A_1479 = arith.cmpi ne, %rem3A_1477, %ne3A_1478 : i32
      %lt3A_1480 = arith.constant 0 : i32
      %lt3A_1481 = arith.cmpi slt, %rem3A_1477, %lt3A_1480 : i32
      %lt3A_1482 = arith.constant 0 : i32
      %lt3A_1483 = arith.cmpi slt, %select_n3A_1476, %lt3A_1482 : i32
      %ne3A_1484 = arith.xori %lt3A_1481, %lt3A_1483 : i1
      %and3A_1485 = arith.andi %ne3A_1484, %ne3A_1479 : i1
      %add3A_1486 = arith.addi %rem3A_1477, %select_n3A_1476 : i32
      %select_n3A_1487 = arith.select %and3A_1485, %add3A_1486, %rem3A_1477 : i32
      %mul3A_1488 = arith.constant 512 : i32
      %mul3A_1489 = arith.muli %select_n3A_1487, %mul3A_1488 : i32
      %jit3A_1490 = arith.constant 8 : i32
      %div3A_1491 = arith.divsi %add3A_1471, %jit3A_1490 : i32
      %sign3A_1492 = arith.constant 0 : i32
      %sign3A_1493 = arith.cmpi sgt, %add3A_1471, %sign3A_1492 : i32
      %sign3A_1494 = arith.extui %sign3A_1493 : i1 to i32
      %sign3A_1495 = arith.constant 0 : i32
      %sign3A_1496 = arith.cmpi slt, %add3A_1471, %sign3A_1495 : i32
      %sign3A_1497 = arith.extui %sign3A_1496 : i1 to i32
      %sign3A_1498 = arith.subi %sign3A_1494, %sign3A_1497 : i32
      %sign3A_1499 = arith.constant 0 : i32
      %sign3A_1500 = arith.cmpi sgt, %jit3A_1490, %sign3A_1499 : i32
      %sign3A_1501 = arith.extui %sign3A_1500 : i1 to i32
      %sign3A_1502 = arith.constant 0 : i32
      %sign3A_1503 = arith.cmpi slt, %jit3A_1490, %sign3A_1502 : i32
      %sign3A_1504 = arith.extui %sign3A_1503 : i1 to i32
      %sign3A_1505 = arith.subi %sign3A_1501, %sign3A_1504 : i32
      %ne3A_1506 = arith.cmpi ne, %sign3A_1498, %sign3A_1505 : i32
      %rem3A_1507 = arith.remsi %add3A_1471, %jit3A_1490 : i32
      %ne3A_1508 = arith.constant 0 : i32
      %ne3A_1509 = arith.cmpi ne, %rem3A_1507, %ne3A_1508 : i32
      %and3A_1510 = arith.andi %ne3A_1506, %ne3A_1509 : i1
      %sub3A_1511 = arith.constant 1 : i32
      %sub3A_1512 = arith.subi %div3A_1491, %sub3A_1511 : i32
      %select_n3A_1513 = arith.select %and3A_1510, %sub3A_1512, %div3A_1491 : i32
      %dma_wait3A_1514 = arith.constant 1 : i32
      %dma_wait3A_1515 = arith.constant 1 : i32
      %dma_wait3A_1516 = arith.constant 0 : i32
      %dma_wait3A_1517 = arith.constant 0 : i32
      %dma_wait3A_1518 = tpu.memref_slice %arg6[%dma_wait3A_1514, %dma_wait3A_1516, %dma_wait3A_1517] : memref<5x512x32xf32, #tpu.memory_space<vmem>> -> memref<1x512x32xf32, #tpu.memory_space<vmem>>
      %dma_wait3A_1519 = tpu.memref_squeeze %dma_wait3A_1518 : memref<1x512x32xf32, #tpu.memory_space<vmem>> -> memref<512x32xf32, #tpu.memory_space<vmem>>
      %dma_wait3A_1520 = arith.constant 0 : i32
      %dma_wait3A_1521 = tpu.memref_slice %arg4[%mul3A_1489, %select_n3A_1513, %dma_wait3A_1520] : memref<4096x200x32xf32, #tpu.memory_space<hbm>> -> memref<512x1x32xf32, #tpu.memory_space<hbm>>
      %dma_wait3A_1522 = tpu.memref_squeeze %dma_wait3A_1521 : memref<512x1x32xf32, #tpu.memory_space<hbm>> -> memref<512x32xf32, #tpu.memory_space<hbm>>
      %dma_wait3A_1523 = tpu.memref_slice %arg8[%dma_wait3A_1515] : memref<5x!tpu.dma_semaphore, #tpu.memory_space<semaphore_mem>> -> memref<1x!tpu.dma_semaphore, #tpu.memory_space<semaphore_mem>>
      %dma_wait3A_1524 = tpu.memref_squeeze %dma_wait3A_1523 : memref<1x!tpu.dma_semaphore, #tpu.memory_space<semaphore_mem>> -> memref<!tpu.dma_semaphore, #tpu.memory_space<semaphore_mem>>
      %dma_wait3A_1525 = arith.constant 0 : i32
      %dma_wait3A_1526 = tpu.memref_slice %arg4[%mul3A_1489, %select_n3A_1513, %dma_wait3A_1525] : memref<4096x200x32xf32, #tpu.memory_space<hbm>> -> memref<512x1x32xf32, #tpu.memory_space<hbm>>
      %dma_wait3A_1527 = tpu.memref_squeeze %dma_wait3A_1526 : memref<512x1x32xf32, #tpu.memory_space<hbm>> -> memref<512x32xf32, #tpu.memory_space<hbm>>
      %dma_wait3A_1528 = arith.constant 0 : i32
      %dma_wait3A_1529 = arith.constant 0 : i32
      %dma_wait3A_1530 = tpu.memref_slice %arg6[%dma_wait3A_1514, %dma_wait3A_1528, %dma_wait3A_1529] : memref<5x512x32xf32, #tpu.memory_space<vmem>> -> memref<1x512x32xf32, #tpu.memory_space<vmem>>
      %dma_wait3A_1531 = tpu.memref_squeeze %dma_wait3A_1530 : memref<1x512x32xf32, #tpu.memory_space<vmem>> -> memref<512x32xf32, #tpu.memory_space<vmem>>
      tpu.wait_dma2 semaphore(%dma_wait3A_1524 : memref<!tpu.dma_semaphore, #tpu.memory_space<semaphore_mem>>) src(%dma_wait3A_1531 : memref<512x32xf32, #tpu.memory_space<vmem>>) dst(%dma_wait3A_1527 : memref<512x32xf32, #tpu.memory_space<hbm>>)
      %add3A_1532 = arith.constant 5 : i32
      %add3A_1533 = arith.addi %add3A_1466, %add3A_1532 : i32
      %sub3A_1534 = arith.constant 1 : i32
      %sub3A_1535 = arith.subi %add3A_1533, %sub3A_1534 : i32
      %mul3A_1536 = arith.constant 512 : i32
      %mul3A_1537 = arith.muli %sub3A_1535, %mul3A_1536 : i32
      %add3A_1538 = arith.addi %sub3A_23, %mul3A_1537 : i32
      %jit3A_1539 = arith.constant 4096 : i32
      %div3A_1540 = arith.divsi %add3A_1538, %jit3A_1539 : i32
      %sign3A_1541 = arith.constant 0 : i32
      %sign3A_1542 = arith.cmpi sgt, %add3A_1538, %sign3A_1541 : i32
      %sign3A_1543 = arith.extui %sign3A_1542 : i1 to i32
      %sign3A_1544 = arith.constant 0 : i32
      %sign3A_1545 = arith.cmpi slt, %add3A_1538, %sign3A_1544 : i32
      %sign3A_1546 = arith.extui %sign3A_1545 : i1 to i32
      %sign3A_1547 = arith.subi %sign3A_1543, %sign3A_1546 : i32
      %sign3A_1548 = arith.constant 0 : i32
      %sign3A_1549 = arith.cmpi sgt, %jit3A_1539, %sign3A_1548 : i32
      %sign3A_1550 = arith.extui %sign3A_1549 : i1 to i32
      %sign3A_1551 = arith.constant 0 : i32
      %sign3A_1552 = arith.cmpi slt, %jit3A_1539, %sign3A_1551 : i32
      %sign3A_1553 = arith.extui %sign3A_1552 : i1 to i32
      %sign3A_1554 = arith.subi %sign3A_1550, %sign3A_1553 : i32
      %ne3A_1555 = arith.cmpi ne, %sign3A_1547, %sign3A_1554 : i32
      %rem3A_1556 = arith.remsi %add3A_1538, %jit3A_1539 : i32
      %ne3A_1557 = arith.constant 0 : i32
      %ne3A_1558 = arith.cmpi ne, %rem3A_1556, %ne3A_1557 : i32
      %and3A_1559 = arith.andi %ne3A_1555, %ne3A_1558 : i1
      %sub3A_1560 = arith.constant 1 : i32
      %sub3A_1561 = arith.subi %div3A_1540, %sub3A_1560 : i32
      %select_n3A_1562 = arith.select %and3A_1559, %sub3A_1561, %div3A_1540 : i32
      %jit3A_1563 = arith.constant 4096 : i32
      %eq3A_1564 = arith.constant 0 : i32
      %eq3A_1565 = arith.cmpi eq, %jit3A_1563, %eq3A_1564 : i32
      %jit3A_1566 = arith.constant 1 : i32
      %select_n3A_1567 = arith.select %eq3A_1565, %jit3A_1566, %jit3A_1563 : i32
      %rem3A_1568 = arith.remsi %add3A_1538, %select_n3A_1567 : i32
      %ne3A_1569 = arith.constant 0 : i32
      %ne3A_1570 = arith.cmpi ne, %rem3A_1568, %ne3A_1569 : i32
      %lt3A_1571 = arith.constant 0 : i32
      %lt3A_1572 = arith.cmpi slt, %rem3A_1568, %lt3A_1571 : i32
      %lt3A_1573 = arith.constant 0 : i32
      %lt3A_1574 = arith.cmpi slt, %select_n3A_1567, %lt3A_1573 : i32
      %ne3A_1575 = arith.xori %lt3A_1572, %lt3A_1574 : i1
      %and3A_1576 = arith.andi %ne3A_1575, %ne3A_1570 : i1
      %add3A_1577 = arith.addi %rem3A_1568, %select_n3A_1567 : i32
      %select_n3A_1578 = arith.select %and3A_1576, %add3A_1577, %rem3A_1568 : i32
      %dma_start3A_1579 = arith.constant 1 : i32
      %dma_start3A_1580 = arith.constant 1 : i32
      %dma_start3A_1581 = arith.constant 0 : i32
      %dma_start3A_1582 = arith.constant 0 : i32
      %dma_start3A_1583 = tpu.memref_slice %arg6[%dma_start3A_1579, %dma_start3A_1581, %dma_start3A_1582] : memref<5x512x32xf32, #tpu.memory_space<vmem>> -> memref<1x512x32xf32, #tpu.memory_space<vmem>>
      %dma_start3A_1584 = tpu.memref_squeeze %dma_start3A_1583 : memref<1x512x32xf32, #tpu.memory_space<vmem>> -> memref<512x32xf32, #tpu.memory_space<vmem>>
      %dma_start3A_1585 = tpu.memref_slice %arg5[%select_n3A_1562, %select_n3A_1578] : memref<7x4096xi32, #tpu.memory_space<vmem>> -> memref<1x512xi32, #tpu.memory_space<vmem>>
      %dma_start3A_1586 = tpu.memref_squeeze %dma_start3A_1585 : memref<1x512xi32, #tpu.memory_space<vmem>> -> memref<512xi32, #tpu.memory_space<vmem>>
      %dma_start3A_1587 = arith.constant 0 : i32
      %dma_start3A_1588 = arith.constant 0 : i32
      %dma_start3A_1589 = tpu.memref_slice %arg3[%dma_start3A_1587, %dma_start3A_1588] : memref<1000000x32xf32, #tpu.memory_space<hbm>> -> memref<1000000x32xf32, #tpu.memory_space<hbm>>
      %dma_start3A_1590 = tpu.memref_slice %arg7[%dma_start3A_1580] : memref<5x!tpu.dma_semaphore, #tpu.memory_space<semaphore_mem>> -> memref<1x!tpu.dma_semaphore, #tpu.memory_space<semaphore_mem>>
      %dma_start3A_1591 = tpu.memref_squeeze %dma_start3A_1590 : memref<1x!tpu.dma_semaphore, #tpu.memory_space<semaphore_mem>> -> memref<!tpu.dma_semaphore, #tpu.memory_space<semaphore_mem>>
      tpu.enqueue_indirect_dma source(%dma_start3A_1589 : memref<1000000x32xf32, #tpu.memory_space<hbm>>) target(%dma_start3A_1584 : memref<512x32xf32, #tpu.memory_space<vmem>>) offsets(%dma_start3A_1586 : memref<512xi32, #tpu.memory_space<vmem>>) semaphore(%dma_start3A_1591 : memref<!tpu.dma_semaphore, #tpu.memory_space<semaphore_mem>>)
      %mul3A_1592 = arith.constant 512 : i32
      %mul3A_1593 = arith.muli %add3A_1466, %mul3A_1592 : i32
      %add3A_1594 = arith.addi %sub3A_23, %mul3A_1593 : i32
      %jit3A_1595 = arith.constant 4096 : i32
      %div3A_1596 = arith.divsi %add3A_1594, %jit3A_1595 : i32
      %sign3A_1597 = arith.constant 0 : i32
      %sign3A_1598 = arith.cmpi sgt, %add3A_1594, %sign3A_1597 : i32
      %sign3A_1599 = arith.extui %sign3A_1598 : i1 to i32
      %sign3A_1600 = arith.constant 0 : i32
      %sign3A_1601 = arith.cmpi slt, %add3A_1594, %sign3A_1600 : i32
      %sign3A_1602 = arith.extui %sign3A_1601 : i1 to i32
      %sign3A_1603 = arith.subi %sign3A_1599, %sign3A_1602 : i32
      %sign3A_1604 = arith.constant 0 : i32
      %sign3A_1605 = arith.cmpi sgt, %jit3A_1595, %sign3A_1604 : i32
      %sign3A_1606 = arith.extui %sign3A_1605 : i1 to i32
      %sign3A_1607 = arith.constant 0 : i32
      %sign3A_1608 = arith.cmpi slt, %jit3A_1595, %sign3A_1607 : i32
      %sign3A_1609 = arith.extui %sign3A_1608 : i1 to i32
      %sign3A_1610 = arith.subi %sign3A_1606, %sign3A_1609 : i32
      %ne3A_1611 = arith.cmpi ne, %sign3A_1603, %sign3A_1610 : i32
      %rem3A_1612 = arith.remsi %add3A_1594, %jit3A_1595 : i32
      %ne3A_1613 = arith.constant 0 : i32
      %ne3A_1614 = arith.cmpi ne, %rem3A_1612, %ne3A_1613 : i32
      %and3A_1615 = arith.andi %ne3A_1611, %ne3A_1614 : i1
      %sub3A_1616 = arith.constant 1 : i32
      %sub3A_1617 = arith.subi %div3A_1596, %sub3A_1616 : i32
      %select_n3A_1618 = arith.select %and3A_1615, %sub3A_1617, %div3A_1596 : i32
      %jit3A_1619 = arith.constant 4096 : i32
      %eq3A_1620 = arith.constant 0 : i32
      %eq3A_1621 = arith.cmpi eq, %jit3A_1619, %eq3A_1620 : i32
      %jit3A_1622 = arith.constant 1 : i32
      %select_n3A_1623 = arith.select %eq3A_1621, %jit3A_1622, %jit3A_1619 : i32
      %rem3A_1624 = arith.remsi %add3A_1594, %select_n3A_1623 : i32
      %ne3A_1625 = arith.constant 0 : i32
      %ne3A_1626 = arith.cmpi ne, %rem3A_1624, %ne3A_1625 : i32
      %lt3A_1627 = arith.constant 0 : i32
      %lt3A_1628 = arith.cmpi slt, %rem3A_1624, %lt3A_1627 : i32
      %lt3A_1629 = arith.constant 0 : i32
      %lt3A_1630 = arith.cmpi slt, %select_n3A_1623, %lt3A_1629 : i32
      %ne3A_1631 = arith.xori %lt3A_1628, %lt3A_1630 : i1
      %and3A_1632 = arith.andi %ne3A_1631, %ne3A_1626 : i1
      %add3A_1633 = arith.addi %rem3A_1624, %select_n3A_1623 : i32
      %select_n3A_1634 = arith.select %and3A_1632, %add3A_1633, %rem3A_1624 : i32
      %dma_wait3A_1635 = arith.constant 2 : i32
      %dma_wait3A_1636 = arith.constant 2 : i32
      %dma_wait3A_1637 = arith.constant 0 : i32
      %dma_wait3A_1638 = arith.constant 0 : i32
      %dma_wait3A_1639 = tpu.memref_slice %arg6[%dma_wait3A_1635, %dma_wait3A_1637, %dma_wait3A_1638] : memref<5x512x32xf32, #tpu.memory_space<vmem>> -> memref<1x512x32xf32, #tpu.memory_space<vmem>>
      %dma_wait3A_1640 = tpu.memref_squeeze %dma_wait3A_1639 : memref<1x512x32xf32, #tpu.memory_space<vmem>> -> memref<512x32xf32, #tpu.memory_space<vmem>>
      %dma_wait3A_1641 = tpu.memref_slice %arg5[%select_n3A_1618, %select_n3A_1634] : memref<7x4096xi32, #tpu.memory_space<vmem>> -> memref<1x512xi32, #tpu.memory_space<vmem>>
      %dma_wait3A_1642 = tpu.memref_squeeze %dma_wait3A_1641 : memref<1x512xi32, #tpu.memory_space<vmem>> -> memref<512xi32, #tpu.memory_space<vmem>>
      %dma_wait3A_1643 = arith.constant 0 : i32
      %dma_wait3A_1644 = arith.constant 0 : i32
      %dma_wait3A_1645 = tpu.memref_slice %arg3[%dma_wait3A_1643, %dma_wait3A_1644] : memref<1000000x32xf32, #tpu.memory_space<hbm>> -> memref<1000000x32xf32, #tpu.memory_space<hbm>>
      %dma_wait3A_1646 = tpu.memref_slice %arg7[%dma_wait3A_1636] : memref<5x!tpu.dma_semaphore, #tpu.memory_space<semaphore_mem>> -> memref<1x!tpu.dma_semaphore, #tpu.memory_space<semaphore_mem>>
      %dma_wait3A_1647 = tpu.memref_squeeze %dma_wait3A_1646 : memref<1x!tpu.dma_semaphore, #tpu.memory_space<semaphore_mem>> -> memref<!tpu.dma_semaphore, #tpu.memory_space<semaphore_mem>>
      tpu.wait_indirect_dma semaphore(%dma_wait3A_1647 : memref<!tpu.dma_semaphore, #tpu.memory_space<semaphore_mem>>) src(%dma_wait3A_1645 : memref<1000000x32xf32, #tpu.memory_space<hbm>>) dst(%dma_wait3A_1640 : memref<512x32xf32, #tpu.memory_space<vmem>>)
      %mul3A_1648 = arith.constant 50 : i32
      %mul3A_1649 = arith.muli %add3A, %mul3A_1648 : i32
      %add3A_1650 = arith.addi %mul3A_1649, %add3A_1466 : i32
      %jit3A_1651 = arith.constant 8 : i32
      %eq3A_1652 = arith.constant 0 : i32
      %eq3A_1653 = arith.cmpi eq, %jit3A_1651, %eq3A_1652 : i32
      %jit3A_1654 = arith.constant 1 : i32
      %select_n3A_1655 = arith.select %eq3A_1653, %jit3A_1654, %jit3A_1651 : i32
      %rem3A_1656 = arith.remsi %add3A_1650, %select_n3A_1655 : i32
      %ne3A_1657 = arith.constant 0 : i32
      %ne3A_1658 = arith.cmpi ne, %rem3A_1656, %ne3A_1657 : i32
      %lt3A_1659 = arith.constant 0 : i32
      %lt3A_1660 = arith.cmpi slt, %rem3A_1656, %lt3A_1659 : i32
      %lt3A_1661 = arith.constant 0 : i32
      %lt3A_1662 = arith.cmpi slt, %select_n3A_1655, %lt3A_1661 : i32
      %ne3A_1663 = arith.xori %lt3A_1660, %lt3A_1662 : i1
      %and3A_1664 = arith.andi %ne3A_1663, %ne3A_1658 : i1
      %add3A_1665 = arith.addi %rem3A_1656, %select_n3A_1655 : i32
      %select_n3A_1666 = arith.select %and3A_1664, %add3A_1665, %rem3A_1656 : i32
      %mul3A_1667 = arith.constant 512 : i32
      %mul3A_1668 = arith.muli %select_n3A_1666, %mul3A_1667 : i32
      %jit3A_1669 = arith.constant 8 : i32
      %div3A_1670 = arith.divsi %add3A_1650, %jit3A_1669 : i32
      %sign3A_1671 = arith.constant 0 : i32
      %sign3A_1672 = arith.cmpi sgt, %add3A_1650, %sign3A_1671 : i32
      %sign3A_1673 = arith.extui %sign3A_1672 : i1 to i32
      %sign3A_1674 = arith.constant 0 : i32
      %sign3A_1675 = arith.cmpi slt, %add3A_1650, %sign3A_1674 : i32
      %sign3A_1676 = arith.extui %sign3A_1675 : i1 to i32
      %sign3A_1677 = arith.subi %sign3A_1673, %sign3A_1676 : i32
      %sign3A_1678 = arith.constant 0 : i32
      %sign3A_1679 = arith.cmpi sgt, %jit3A_1669, %sign3A_1678 : i32
      %sign3A_1680 = arith.extui %sign3A_1679 : i1 to i32
      %sign3A_1681 = arith.constant 0 : i32
      %sign3A_1682 = arith.cmpi slt, %jit3A_1669, %sign3A_1681 : i32
      %sign3A_1683 = arith.extui %sign3A_1682 : i1 to i32
      %sign3A_1684 = arith.subi %sign3A_1680, %sign3A_1683 : i32
      %ne3A_1685 = arith.cmpi ne, %sign3A_1677, %sign3A_1684 : i32
      %rem3A_1686 = arith.remsi %add3A_1650, %jit3A_1669 : i32
      %ne3A_1687 = arith.constant 0 : i32
      %ne3A_1688 = arith.cmpi ne, %rem3A_1686, %ne3A_1687 : i32
      %and3A_1689 = arith.andi %ne3A_1685, %ne3A_1688 : i1
      %sub3A_1690 = arith.constant 1 : i32
      %sub3A_1691 = arith.subi %div3A_1670, %sub3A_1690 : i32
      %select_n3A_1692 = arith.select %and3A_1689, %sub3A_1691, %div3A_1670 : i32
      %dma_start3A_1693 = arith.constant 2 : i32
      %dma_start3A_1694 = arith.constant 2 : i32
      %dma_start3A_1695 = arith.constant 0 : i32
      %dma_start3A_1696 = arith.constant 0 : i32
      %dma_start3A_1697 = tpu.memref_slice %arg6[%dma_start3A_1693, %dma_start3A_1695, %dma_start3A_1696] : memref<5x512x32xf32, #tpu.memory_space<vmem>> -> memref<1x512x32xf32, #tpu.memory_space<vmem>>
      %dma_start3A_1698 = tpu.memref_squeeze %dma_start3A_1697 : memref<1x512x32xf32, #tpu.memory_space<vmem>> -> memref<512x32xf32, #tpu.memory_space<vmem>>
      %dma_start3A_1699 = arith.constant 0 : i32
      %dma_start3A_1700 = tpu.memref_slice %arg4[%mul3A_1668, %select_n3A_1692, %dma_start3A_1699] : memref<4096x200x32xf32, #tpu.memory_space<hbm>> -> memref<512x1x32xf32, #tpu.memory_space<hbm>>
      %dma_start3A_1701 = tpu.memref_squeeze %dma_start3A_1700 : memref<512x1x32xf32, #tpu.memory_space<hbm>> -> memref<512x32xf32, #tpu.memory_space<hbm>>
      %dma_start3A_1702 = tpu.memref_slice %arg8[%dma_start3A_1694] : memref<5x!tpu.dma_semaphore, #tpu.memory_space<semaphore_mem>> -> memref<1x!tpu.dma_semaphore, #tpu.memory_space<semaphore_mem>>
      %dma_start3A_1703 = tpu.memref_squeeze %dma_start3A_1702 : memref<1x!tpu.dma_semaphore, #tpu.memory_space<semaphore_mem>> -> memref<!tpu.dma_semaphore, #tpu.memory_space<semaphore_mem>>
      %dma_start3A_1704 = arith.constant 0 : i32
      %dma_start3A_1705 = tpu.memref_slice %arg4[%mul3A_1668, %select_n3A_1692, %dma_start3A_1704] : memref<4096x200x32xf32, #tpu.memory_space<hbm>> -> memref<512x1x32xf32, #tpu.memory_space<hbm>>
      %dma_start3A_1706 = tpu.memref_squeeze %dma_start3A_1705 : memref<512x1x32xf32, #tpu.memory_space<hbm>> -> memref<512x32xf32, #tpu.memory_space<hbm>>
      %dma_start3A_1707 = arith.constant 0 : i32
      %dma_start3A_1708 = arith.constant 0 : i32
      %dma_start3A_1709 = tpu.memref_slice %arg6[%dma_start3A_1693, %dma_start3A_1707, %dma_start3A_1708] : memref<5x512x32xf32, #tpu.memory_space<vmem>> -> memref<1x512x32xf32, #tpu.memory_space<vmem>>
      %dma_start3A_1710 = tpu.memref_squeeze %dma_start3A_1709 : memref<1x512x32xf32, #tpu.memory_space<vmem>> -> memref<512x32xf32, #tpu.memory_space<vmem>>
      tpu.enqueue_dma source(%dma_start3A_1710 : memref<512x32xf32, #tpu.memory_space<vmem>>) target(%dma_start3A_1706 : memref<512x32xf32, #tpu.memory_space<hbm>>) target_semaphore(%dma_start3A_1703 : memref<!tpu.dma_semaphore, #tpu.memory_space<semaphore_mem>>)
      %add3A_1711 = arith.constant 2 : i32
      %add3A_1712 = arith.addi %add3A_1218, %add3A_1711 : i32
      %sub3A_1713 = arith.constant 1 : i32
      %sub3A_1714 = arith.subi %add3A_1712, %sub3A_1713 : i32
      %mul3A_1715 = arith.constant 50 : i32
      %mul3A_1716 = arith.muli %add3A, %mul3A_1715 : i32
      %add3A_1717 = arith.addi %mul3A_1716, %sub3A_1714 : i32
      %jit3A_1718 = arith.constant 8 : i32
      %eq3A_1719 = arith.constant 0 : i32
      %eq3A_1720 = arith.cmpi eq, %jit3A_1718, %eq3A_1719 : i32
      %jit3A_1721 = arith.constant 1 : i32
      %select_n3A_1722 = arith.select %eq3A_1720, %jit3A_1721, %jit3A_1718 : i32
      %rem3A_1723 = arith.remsi %add3A_1717, %select_n3A_1722 : i32
      %ne3A_1724 = arith.constant 0 : i32
      %ne3A_1725 = arith.cmpi ne, %rem3A_1723, %ne3A_1724 : i32
      %lt3A_1726 = arith.constant 0 : i32
      %lt3A_1727 = arith.cmpi slt, %rem3A_1723, %lt3A_1726 : i32
      %lt3A_1728 = arith.constant 0 : i32
      %lt3A_1729 = arith.cmpi slt, %select_n3A_1722, %lt3A_1728 : i32
      %ne3A_1730 = arith.xori %lt3A_1727, %lt3A_1729 : i1
      %and3A_1731 = arith.andi %ne3A_1730, %ne3A_1725 : i1
      %add3A_1732 = arith.addi %rem3A_1723, %select_n3A_1722 : i32
      %select_n3A_1733 = arith.select %and3A_1731, %add3A_1732, %rem3A_1723 : i32
      %mul3A_1734 = arith.constant 512 : i32
      %mul3A_1735 = arith.muli %select_n3A_1733, %mul3A_1734 : i32
      %jit3A_1736 = arith.constant 8 : i32
      %div3A_1737 = arith.divsi %add3A_1717, %jit3A_1736 : i32
      %sign3A_1738 = arith.constant 0 : i32
      %sign3A_1739 = arith.cmpi sgt, %add3A_1717, %sign3A_1738 : i32
      %sign3A_1740 = arith.extui %sign3A_1739 : i1 to i32
      %sign3A_1741 = arith.constant 0 : i32
      %sign3A_1742 = arith.cmpi slt, %add3A_1717, %sign3A_1741 : i32
      %sign3A_1743 = arith.extui %sign3A_1742 : i1 to i32
      %sign3A_1744 = arith.subi %sign3A_1740, %sign3A_1743 : i32
      %sign3A_1745 = arith.constant 0 : i32
      %sign3A_1746 = arith.cmpi sgt, %jit3A_1736, %sign3A_1745 : i32
      %sign3A_1747 = arith.extui %sign3A_1746 : i1 to i32
      %sign3A_1748 = arith.constant 0 : i32
      %sign3A_1749 = arith.cmpi slt, %jit3A_1736, %sign3A_1748 : i32
      %sign3A_1750 = arith.extui %sign3A_1749 : i1 to i32
      %sign3A_1751 = arith.subi %sign3A_1747, %sign3A_1750 : i32
      %ne3A_1752 = arith.cmpi ne, %sign3A_1744, %sign3A_1751 : i32
      %rem3A_1753 = arith.remsi %add3A_1717, %jit3A_1736 : i32
      %ne3A_1754 = arith.constant 0 : i32
      %ne3A_1755 = arith.cmpi ne, %rem3A_1753, %ne3A_1754 : i32
      %and3A_1756 = arith.andi %ne3A_1752, %ne3A_1755 : i1
      %sub3A_1757 = arith.constant 1 : i32
      %sub3A_1758 = arith.subi %div3A_1737, %sub3A_1757 : i32
      %select_n3A_1759 = arith.select %and3A_1756, %sub3A_1758, %div3A_1737 : i32
      %dma_wait3A_1760 = arith.constant 2 : i32
      %dma_wait3A_1761 = arith.constant 2 : i32
      %dma_wait3A_1762 = arith.constant 0 : i32
      %dma_wait3A_1763 = arith.constant 0 : i32
      %dma_wait3A_1764 = tpu.memref_slice %arg6[%dma_wait3A_1760, %dma_wait3A_1762, %dma_wait3A_1763] : memref<5x512x32xf32, #tpu.memory_space<vmem>> -> memref<1x512x32xf32, #tpu.memory_space<vmem>>
      %dma_wait3A_1765 = tpu.memref_squeeze %dma_wait3A_1764 : memref<1x512x32xf32, #tpu.memory_space<vmem>> -> memref<512x32xf32, #tpu.memory_space<vmem>>
      %dma_wait3A_1766 = arith.constant 0 : i32
      %dma_wait3A_1767 = tpu.memref_slice %arg4[%mul3A_1735, %select_n3A_1759, %dma_wait3A_1766] : memref<4096x200x32xf32, #tpu.memory_space<hbm>> -> memref<512x1x32xf32, #tpu.memory_space<hbm>>
      %dma_wait3A_1768 = tpu.memref_squeeze %dma_wait3A_1767 : memref<512x1x32xf32, #tpu.memory_space<hbm>> -> memref<512x32xf32, #tpu.memory_space<hbm>>
      %dma_wait3A_1769 = tpu.memref_slice %arg8[%dma_wait3A_1761] : memref<5x!tpu.dma_semaphore, #tpu.memory_space<semaphore_mem>> -> memref<1x!tpu.dma_semaphore, #tpu.memory_space<semaphore_mem>>
      %dma_wait3A_1770 = tpu.memref_squeeze %dma_wait3A_1769 : memref<1x!tpu.dma_semaphore, #tpu.memory_space<semaphore_mem>> -> memref<!tpu.dma_semaphore, #tpu.memory_space<semaphore_mem>>
      %dma_wait3A_1771 = arith.constant 0 : i32
      %dma_wait3A_1772 = tpu.memref_slice %arg4[%mul3A_1735, %select_n3A_1759, %dma_wait3A_1771] : memref<4096x200x32xf32, #tpu.memory_space<hbm>> -> memref<512x1x32xf32, #tpu.memory_space<hbm>>
      %dma_wait3A_1773 = tpu.memref_squeeze %dma_wait3A_1772 : memref<512x1x32xf32, #tpu.memory_space<hbm>> -> memref<512x32xf32, #tpu.memory_space<hbm>>
      %dma_wait3A_1774 = arith.constant 0 : i32
      %dma_wait3A_1775 = arith.constant 0 : i32
      %dma_wait3A_1776 = tpu.memref_slice %arg6[%dma_wait3A_1760, %dma_wait3A_1774, %dma_wait3A_1775] : memref<5x512x32xf32, #tpu.memory_space<vmem>> -> memref<1x512x32xf32, #tpu.memory_space<vmem>>
      %dma_wait3A_1777 = tpu.memref_squeeze %dma_wait3A_1776 : memref<1x512x32xf32, #tpu.memory_space<vmem>> -> memref<512x32xf32, #tpu.memory_space<vmem>>
      tpu.wait_dma2 semaphore(%dma_wait3A_1770 : memref<!tpu.dma_semaphore, #tpu.memory_space<semaphore_mem>>) src(%dma_wait3A_1777 : memref<512x32xf32, #tpu.memory_space<vmem>>) dst(%dma_wait3A_1773 : memref<512x32xf32, #tpu.memory_space<hbm>>)
      %add3A_1778 = arith.constant 5 : i32
      %add3A_1779 = arith.addi %add3A_1712, %add3A_1778 : i32
      %sub3A_1780 = arith.constant 1 : i32
      %sub3A_1781 = arith.subi %add3A_1779, %sub3A_1780 : i32
      %mul3A_1782 = arith.constant 512 : i32
      %mul3A_1783 = arith.muli %sub3A_1781, %mul3A_1782 : i32
      %add3A_1784 = arith.addi %sub3A_23, %mul3A_1783 : i32
      %jit3A_1785 = arith.constant 4096 : i32
      %div3A_1786 = arith.divsi %add3A_1784, %jit3A_1785 : i32
      %sign3A_1787 = arith.constant 0 : i32
      %sign3A_1788 = arith.cmpi sgt, %add3A_1784, %sign3A_1787 : i32
      %sign3A_1789 = arith.extui %sign3A_1788 : i1 to i32
      %sign3A_1790 = arith.constant 0 : i32
      %sign3A_1791 = arith.cmpi slt, %add3A_1784, %sign3A_1790 : i32
      %sign3A_1792 = arith.extui %sign3A_1791 : i1 to i32
      %sign3A_1793 = arith.subi %sign3A_1789, %sign3A_1792 : i32
      %sign3A_1794 = arith.constant 0 : i32
      %sign3A_1795 = arith.cmpi sgt, %jit3A_1785, %sign3A_1794 : i32
      %sign3A_1796 = arith.extui %sign3A_1795 : i1 to i32
      %sign3A_1797 = arith.constant 0 : i32
      %sign3A_1798 = arith.cmpi slt, %jit3A_1785, %sign3A_1797 : i32
      %sign3A_1799 = arith.extui %sign3A_1798 : i1 to i32
      %sign3A_1800 = arith.subi %sign3A_1796, %sign3A_1799 : i32
      %ne3A_1801 = arith.cmpi ne, %sign3A_1793, %sign3A_1800 : i32
      %rem3A_1802 = arith.remsi %add3A_1784, %jit3A_1785 : i32
      %ne3A_1803 = arith.constant 0 : i32
      %ne3A_1804 = arith.cmpi ne, %rem3A_1802, %ne3A_1803 : i32
      %and3A_1805 = arith.andi %ne3A_1801, %ne3A_1804 : i1
      %sub3A_1806 = arith.constant 1 : i32
      %sub3A_1807 = arith.subi %div3A_1786, %sub3A_1806 : i32
      %select_n3A_1808 = arith.select %and3A_1805, %sub3A_1807, %div3A_1786 : i32
      %jit3A_1809 = arith.constant 4096 : i32
      %eq3A_1810 = arith.constant 0 : i32
      %eq3A_1811 = arith.cmpi eq, %jit3A_1809, %eq3A_1810 : i32
      %jit3A_1812 = arith.constant 1 : i32
      %select_n3A_1813 = arith.select %eq3A_1811, %jit3A_1812, %jit3A_1809 : i32
      %rem3A_1814 = arith.remsi %add3A_1784, %select_n3A_1813 : i32
      %ne3A_1815 = arith.constant 0 : i32
      %ne3A_1816 = arith.cmpi ne, %rem3A_1814, %ne3A_1815 : i32
      %lt3A_1817 = arith.constant 0 : i32
      %lt3A_1818 = arith.cmpi slt, %rem3A_1814, %lt3A_1817 : i32
      %lt3A_1819 = arith.constant 0 : i32
      %lt3A_1820 = arith.cmpi slt, %select_n3A_1813, %lt3A_1819 : i32
      %ne3A_1821 = arith.xori %lt3A_1818, %lt3A_1820 : i1
      %and3A_1822 = arith.andi %ne3A_1821, %ne3A_1816 : i1
      %add3A_1823 = arith.addi %rem3A_1814, %select_n3A_1813 : i32
      %select_n3A_1824 = arith.select %and3A_1822, %add3A_1823, %rem3A_1814 : i32
      %dma_start3A_1825 = arith.constant 2 : i32
      %dma_start3A_1826 = arith.constant 2 : i32
      %dma_start3A_1827 = arith.constant 0 : i32
      %dma_start3A_1828 = arith.constant 0 : i32
      %dma_start3A_1829 = tpu.memref_slice %arg6[%dma_start3A_1825, %dma_start3A_1827, %dma_start3A_1828] : memref<5x512x32xf32, #tpu.memory_space<vmem>> -> memref<1x512x32xf32, #tpu.memory_space<vmem>>
      %dma_start3A_1830 = tpu.memref_squeeze %dma_start3A_1829 : memref<1x512x32xf32, #tpu.memory_space<vmem>> -> memref<512x32xf32, #tpu.memory_space<vmem>>
      %dma_start3A_1831 = tpu.memref_slice %arg5[%select_n3A_1808, %select_n3A_1824] : memref<7x4096xi32, #tpu.memory_space<vmem>> -> memref<1x512xi32, #tpu.memory_space<vmem>>
      %dma_start3A_1832 = tpu.memref_squeeze %dma_start3A_1831 : memref<1x512xi32, #tpu.memory_space<vmem>> -> memref<512xi32, #tpu.memory_space<vmem>>
      %dma_start3A_1833 = arith.constant 0 : i32
      %dma_start3A_1834 = arith.constant 0 : i32
      %dma_start3A_1835 = tpu.memref_slice %arg3[%dma_start3A_1833, %dma_start3A_1834] : memref<1000000x32xf32, #tpu.memory_space<hbm>> -> memref<1000000x32xf32, #tpu.memory_space<hbm>>
      %dma_start3A_1836 = tpu.memref_slice %arg7[%dma_start3A_1826] : memref<5x!tpu.dma_semaphore, #tpu.memory_space<semaphore_mem>> -> memref<1x!tpu.dma_semaphore, #tpu.memory_space<semaphore_mem>>
      %dma_start3A_1837 = tpu.memref_squeeze %dma_start3A_1836 : memref<1x!tpu.dma_semaphore, #tpu.memory_space<semaphore_mem>> -> memref<!tpu.dma_semaphore, #tpu.memory_space<semaphore_mem>>
      tpu.enqueue_indirect_dma source(%dma_start3A_1835 : memref<1000000x32xf32, #tpu.memory_space<hbm>>) target(%dma_start3A_1830 : memref<512x32xf32, #tpu.memory_space<vmem>>) offsets(%dma_start3A_1832 : memref<512xi32, #tpu.memory_space<vmem>>) semaphore(%dma_start3A_1837 : memref<!tpu.dma_semaphore, #tpu.memory_space<semaphore_mem>>)
      %mul3A_1838 = arith.constant 512 : i32
      %mul3A_1839 = arith.muli %add3A_1712, %mul3A_1838 : i32
      %add3A_1840 = arith.addi %sub3A_23, %mul3A_1839 : i32
      %jit3A_1841 = arith.constant 4096 : i32
      %div3A_1842 = arith.divsi %add3A_1840, %jit3A_1841 : i32
      %sign3A_1843 = arith.constant 0 : i32
      %sign3A_1844 = arith.cmpi sgt, %add3A_1840, %sign3A_1843 : i32
      %sign3A_1845 = arith.extui %sign3A_1844 : i1 to i32
      %sign3A_1846 = arith.constant 0 : i32
      %sign3A_1847 = arith.cmpi slt, %add3A_1840, %sign3A_1846 : i32
      %sign3A_1848 = arith.extui %sign3A_1847 : i1 to i32
      %sign3A_1849 = arith.subi %sign3A_1845, %sign3A_1848 : i32
      %sign3A_1850 = arith.constant 0 : i32
      %sign3A_1851 = arith.cmpi sgt, %jit3A_1841, %sign3A_1850 : i32
      %sign3A_1852 = arith.extui %sign3A_1851 : i1 to i32
      %sign3A_1853 = arith.constant 0 : i32
      %sign3A_1854 = arith.cmpi slt, %jit3A_1841, %sign3A_1853 : i32
      %sign3A_1855 = arith.extui %sign3A_1854 : i1 to i32
      %sign3A_1856 = arith.subi %sign3A_1852, %sign3A_1855 : i32
      %ne3A_1857 = arith.cmpi ne, %sign3A_1849, %sign3A_1856 : i32
      %rem3A_1858 = arith.remsi %add3A_1840, %jit3A_1841 : i32
      %ne3A_1859 = arith.constant 0 : i32
      %ne3A_1860 = arith.cmpi ne, %rem3A_1858, %ne3A_1859 : i32
      %and3A_1861 = arith.andi %ne3A_1857, %ne3A_1860 : i1
      %sub3A_1862 = arith.constant 1 : i32
      %sub3A_1863 = arith.subi %div3A_1842, %sub3A_1862 : i32
      %select_n3A_1864 = arith.select %and3A_1861, %sub3A_1863, %div3A_1842 : i32
      %jit3A_1865 = arith.constant 4096 : i32
      %eq3A_1866 = arith.constant 0 : i32
      %eq3A_1867 = arith.cmpi eq, %jit3A_1865, %eq3A_1866 : i32
      %jit3A_1868 = arith.constant 1 : i32
      %select_n3A_1869 = arith.select %eq3A_1867, %jit3A_1868, %jit3A_1865 : i32
      %rem3A_1870 = arith.remsi %add3A_1840, %select_n3A_1869 : i32
      %ne3A_1871 = arith.constant 0 : i32
      %ne3A_1872 = arith.cmpi ne, %rem3A_1870, %ne3A_1871 : i32
      %lt3A_1873 = arith.constant 0 : i32
      %lt3A_1874 = arith.cmpi slt, %rem3A_1870, %lt3A_1873 : i32
      %lt3A_1875 = arith.constant 0 : i32
      %lt3A_1876 = arith.cmpi slt, %select_n3A_1869, %lt3A_1875 : i32
      %ne3A_1877 = arith.xori %lt3A_1874, %lt3A_1876 : i1
      %and3A_1878 = arith.andi %ne3A_1877, %ne3A_1872 : i1
      %add3A_1879 = arith.addi %rem3A_1870, %select_n3A_1869 : i32
      %select_n3A_1880 = arith.select %and3A_1878, %add3A_1879, %rem3A_1870 : i32
      %dma_wait3A_1881 = arith.constant 3 : i32
      %dma_wait3A_1882 = arith.constant 3 : i32
      %dma_wait3A_1883 = arith.constant 0 : i32
      %dma_wait3A_1884 = arith.constant 0 : i32
      %dma_wait3A_1885 = tpu.memref_slice %arg6[%dma_wait3A_1881, %dma_wait3A_1883, %dma_wait3A_1884] : memref<5x512x32xf32, #tpu.memory_space<vmem>> -> memref<1x512x32xf32, #tpu.memory_space<vmem>>
      %dma_wait3A_1886 = tpu.memref_squeeze %dma_wait3A_1885 : memref<1x512x32xf32, #tpu.memory_space<vmem>> -> memref<512x32xf32, #tpu.memory_space<vmem>>
      %dma_wait3A_1887 = tpu.memref_slice %arg5[%select_n3A_1864, %select_n3A_1880] : memref<7x4096xi32, #tpu.memory_space<vmem>> -> memref<1x512xi32, #tpu.memory_space<vmem>>
      %dma_wait3A_1888 = tpu.memref_squeeze %dma_wait3A_1887 : memref<1x512xi32, #tpu.memory_space<vmem>> -> memref<512xi32, #tpu.memory_space<vmem>>
      %dma_wait3A_1889 = arith.constant 0 : i32
      %dma_wait3A_1890 = arith.constant 0 : i32
      %dma_wait3A_1891 = tpu.memref_slice %arg3[%dma_wait3A_1889, %dma_wait3A_1890] : memref<1000000x32xf32, #tpu.memory_space<hbm>> -> memref<1000000x32xf32, #tpu.memory_space<hbm>>
      %dma_wait3A_1892 = tpu.memref_slice %arg7[%dma_wait3A_1882] : memref<5x!tpu.dma_semaphore, #tpu.memory_space<semaphore_mem>> -> memref<1x!tpu.dma_semaphore, #tpu.memory_space<semaphore_mem>>
      %dma_wait3A_1893 = tpu.memref_squeeze %dma_wait3A_1892 : memref<1x!tpu.dma_semaphore, #tpu.memory_space<semaphore_mem>> -> memref<!tpu.dma_semaphore, #tpu.memory_space<semaphore_mem>>
      tpu.wait_indirect_dma semaphore(%dma_wait3A_1893 : memref<!tpu.dma_semaphore, #tpu.memory_space<semaphore_mem>>) src(%dma_wait3A_1891 : memref<1000000x32xf32, #tpu.memory_space<hbm>>) dst(%dma_wait3A_1886 : memref<512x32xf32, #tpu.memory_space<vmem>>)
      %mul3A_1894 = arith.constant 50 : i32
      %mul3A_1895 = arith.muli %add3A, %mul3A_1894 : i32
      %add3A_1896 = arith.addi %mul3A_1895, %add3A_1712 : i32
      %jit3A_1897 = arith.constant 8 : i32
      %eq3A_1898 = arith.constant 0 : i32
      %eq3A_1899 = arith.cmpi eq, %jit3A_1897, %eq3A_1898 : i32
      %jit3A_1900 = arith.constant 1 : i32
      %select_n3A_1901 = arith.select %eq3A_1899, %jit3A_1900, %jit3A_1897 : i32
      %rem3A_1902 = arith.remsi %add3A_1896, %select_n3A_1901 : i32
      %ne3A_1903 = arith.constant 0 : i32
      %ne3A_1904 = arith.cmpi ne, %rem3A_1902, %ne3A_1903 : i32
      %lt3A_1905 = arith.constant 0 : i32
      %lt3A_1906 = arith.cmpi slt, %rem3A_1902, %lt3A_1905 : i32
      %lt3A_1907 = arith.constant 0 : i32
      %lt3A_1908 = arith.cmpi slt, %select_n3A_1901, %lt3A_1907 : i32
      %ne3A_1909 = arith.xori %lt3A_1906, %lt3A_1908 : i1
      %and3A_1910 = arith.andi %ne3A_1909, %ne3A_1904 : i1
      %add3A_1911 = arith.addi %rem3A_1902, %select_n3A_1901 : i32
      %select_n3A_1912 = arith.select %and3A_1910, %add3A_1911, %rem3A_1902 : i32
      %mul3A_1913 = arith.constant 512 : i32
      %mul3A_1914 = arith.muli %select_n3A_1912, %mul3A_1913 : i32
      %jit3A_1915 = arith.constant 8 : i32
      %div3A_1916 = arith.divsi %add3A_1896, %jit3A_1915 : i32
      %sign3A_1917 = arith.constant 0 : i32
      %sign3A_1918 = arith.cmpi sgt, %add3A_1896, %sign3A_1917 : i32
      %sign3A_1919 = arith.extui %sign3A_1918 : i1 to i32
      %sign3A_1920 = arith.constant 0 : i32
      %sign3A_1921 = arith.cmpi slt, %add3A_1896, %sign3A_1920 : i32
      %sign3A_1922 = arith.extui %sign3A_1921 : i1 to i32
      %sign3A_1923 = arith.subi %sign3A_1919, %sign3A_1922 : i32
      %sign3A_1924 = arith.constant 0 : i32
      %sign3A_1925 = arith.cmpi sgt, %jit3A_1915, %sign3A_1924 : i32
      %sign3A_1926 = arith.extui %sign3A_1925 : i1 to i32
      %sign3A_1927 = arith.constant 0 : i32
      %sign3A_1928 = arith.cmpi slt, %jit3A_1915, %sign3A_1927 : i32
      %sign3A_1929 = arith.extui %sign3A_1928 : i1 to i32
      %sign3A_1930 = arith.subi %sign3A_1926, %sign3A_1929 : i32
      %ne3A_1931 = arith.cmpi ne, %sign3A_1923, %sign3A_1930 : i32
      %rem3A_1932 = arith.remsi %add3A_1896, %jit3A_1915 : i32
      %ne3A_1933 = arith.constant 0 : i32
      %ne3A_1934 = arith.cmpi ne, %rem3A_1932, %ne3A_1933 : i32
      %and3A_1935 = arith.andi %ne3A_1931, %ne3A_1934 : i1
      %sub3A_1936 = arith.constant 1 : i32
      %sub3A_1937 = arith.subi %div3A_1916, %sub3A_1936 : i32
      %select_n3A_1938 = arith.select %and3A_1935, %sub3A_1937, %div3A_1916 : i32
      %dma_start3A_1939 = arith.constant 3 : i32
      %dma_start3A_1940 = arith.constant 3 : i32
      %dma_start3A_1941 = arith.constant 0 : i32
      %dma_start3A_1942 = arith.constant 0 : i32
      %dma_start3A_1943 = tpu.memref_slice %arg6[%dma_start3A_1939, %dma_start3A_1941, %dma_start3A_1942] : memref<5x512x32xf32, #tpu.memory_space<vmem>> -> memref<1x512x32xf32, #tpu.memory_space<vmem>>
      %dma_start3A_1944 = tpu.memref_squeeze %dma_start3A_1943 : memref<1x512x32xf32, #tpu.memory_space<vmem>> -> memref<512x32xf32, #tpu.memory_space<vmem>>
      %dma_start3A_1945 = arith.constant 0 : i32
      %dma_start3A_1946 = tpu.memref_slice %arg4[%mul3A_1914, %select_n3A_1938, %dma_start3A_1945] : memref<4096x200x32xf32, #tpu.memory_space<hbm>> -> memref<512x1x32xf32, #tpu.memory_space<hbm>>
      %dma_start3A_1947 = tpu.memref_squeeze %dma_start3A_1946 : memref<512x1x32xf32, #tpu.memory_space<hbm>> -> memref<512x32xf32, #tpu.memory_space<hbm>>
      %dma_start3A_1948 = tpu.memref_slice %arg8[%dma_start3A_1940] : memref<5x!tpu.dma_semaphore, #tpu.memory_space<semaphore_mem>> -> memref<1x!tpu.dma_semaphore, #tpu.memory_space<semaphore_mem>>
      %dma_start3A_1949 = tpu.memref_squeeze %dma_start3A_1948 : memref<1x!tpu.dma_semaphore, #tpu.memory_space<semaphore_mem>> -> memref<!tpu.dma_semaphore, #tpu.memory_space<semaphore_mem>>
      %dma_start3A_1950 = arith.constant 0 : i32
      %dma_start3A_1951 = tpu.memref_slice %arg4[%mul3A_1914, %select_n3A_1938, %dma_start3A_1950] : memref<4096x200x32xf32, #tpu.memory_space<hbm>> -> memref<512x1x32xf32, #tpu.memory_space<hbm>>
      %dma_start3A_1952 = tpu.memref_squeeze %dma_start3A_1951 : memref<512x1x32xf32, #tpu.memory_space<hbm>> -> memref<512x32xf32, #tpu.memory_space<hbm>>
      %dma_start3A_1953 = arith.constant 0 : i32
      %dma_start3A_1954 = arith.constant 0 : i32
      %dma_start3A_1955 = tpu.memref_slice %arg6[%dma_start3A_1939, %dma_start3A_1953, %dma_start3A_1954] : memref<5x512x32xf32, #tpu.memory_space<vmem>> -> memref<1x512x32xf32, #tpu.memory_space<vmem>>
      %dma_start3A_1956 = tpu.memref_squeeze %dma_start3A_1955 : memref<1x512x32xf32, #tpu.memory_space<vmem>> -> memref<512x32xf32, #tpu.memory_space<vmem>>
      tpu.enqueue_dma source(%dma_start3A_1956 : memref<512x32xf32, #tpu.memory_space<vmem>>) target(%dma_start3A_1952 : memref<512x32xf32, #tpu.memory_space<hbm>>) target_semaphore(%dma_start3A_1949 : memref<!tpu.dma_semaphore, #tpu.memory_space<semaphore_mem>>)
      %add3A_1957 = arith.constant 3 : i32
      %add3A_1958 = arith.addi %add3A_1218, %add3A_1957 : i32
      %sub3A_1959 = arith.constant 1 : i32
      %sub3A_1960 = arith.subi %add3A_1958, %sub3A_1959 : i32
      %mul3A_1961 = arith.constant 50 : i32
      %mul3A_1962 = arith.muli %add3A, %mul3A_1961 : i32
      %add3A_1963 = arith.addi %mul3A_1962, %sub3A_1960 : i32
      %jit3A_1964 = arith.constant 8 : i32
      %eq3A_1965 = arith.constant 0 : i32
      %eq3A_1966 = arith.cmpi eq, %jit3A_1964, %eq3A_1965 : i32
      %jit3A_1967 = arith.constant 1 : i32
      %select_n3A_1968 = arith.select %eq3A_1966, %jit3A_1967, %jit3A_1964 : i32
      %rem3A_1969 = arith.remsi %add3A_1963, %select_n3A_1968 : i32
      %ne3A_1970 = arith.constant 0 : i32
      %ne3A_1971 = arith.cmpi ne, %rem3A_1969, %ne3A_1970 : i32
      %lt3A_1972 = arith.constant 0 : i32
      %lt3A_1973 = arith.cmpi slt, %rem3A_1969, %lt3A_1972 : i32
      %lt3A_1974 = arith.constant 0 : i32
      %lt3A_1975 = arith.cmpi slt, %select_n3A_1968, %lt3A_1974 : i32
      %ne3A_1976 = arith.xori %lt3A_1973, %lt3A_1975 : i1
      %and3A_1977 = arith.andi %ne3A_1976, %ne3A_1971 : i1
      %add3A_1978 = arith.addi %rem3A_1969, %select_n3A_1968 : i32
      %select_n3A_1979 = arith.select %and3A_1977, %add3A_1978, %rem3A_1969 : i32
      %mul3A_1980 = arith.constant 512 : i32
      %mul3A_1981 = arith.muli %select_n3A_1979, %mul3A_1980 : i32
      %jit3A_1982 = arith.constant 8 : i32
      %div3A_1983 = arith.divsi %add3A_1963, %jit3A_1982 : i32
      %sign3A_1984 = arith.constant 0 : i32
      %sign3A_1985 = arith.cmpi sgt, %add3A_1963, %sign3A_1984 : i32
      %sign3A_1986 = arith.extui %sign3A_1985 : i1 to i32
      %sign3A_1987 = arith.constant 0 : i32
      %sign3A_1988 = arith.cmpi slt, %add3A_1963, %sign3A_1987 : i32
      %sign3A_1989 = arith.extui %sign3A_1988 : i1 to i32
      %sign3A_1990 = arith.subi %sign3A_1986, %sign3A_1989 : i32
      %sign3A_1991 = arith.constant 0 : i32
      %sign3A_1992 = arith.cmpi sgt, %jit3A_1982, %sign3A_1991 : i32
      %sign3A_1993 = arith.extui %sign3A_1992 : i1 to i32
      %sign3A_1994 = arith.constant 0 : i32
      %sign3A_1995 = arith.cmpi slt, %jit3A_1982, %sign3A_1994 : i32
      %sign3A_1996 = arith.extui %sign3A_1995 : i1 to i32
      %sign3A_1997 = arith.subi %sign3A_1993, %sign3A_1996 : i32
      %ne3A_1998 = arith.cmpi ne, %sign3A_1990, %sign3A_1997 : i32
      %rem3A_1999 = arith.remsi %add3A_1963, %jit3A_1982 : i32
      %ne3A_2000 = arith.constant 0 : i32
      %ne3A_2001 = arith.cmpi ne, %rem3A_1999, %ne3A_2000 : i32
      %and3A_2002 = arith.andi %ne3A_1998, %ne3A_2001 : i1
      %sub3A_2003 = arith.constant 1 : i32
      %sub3A_2004 = arith.subi %div3A_1983, %sub3A_2003 : i32
      %select_n3A_2005 = arith.select %and3A_2002, %sub3A_2004, %div3A_1983 : i32
      %dma_wait3A_2006 = arith.constant 3 : i32
      %dma_wait3A_2007 = arith.constant 3 : i32
      %dma_wait3A_2008 = arith.constant 0 : i32
      %dma_wait3A_2009 = arith.constant 0 : i32
      %dma_wait3A_2010 = tpu.memref_slice %arg6[%dma_wait3A_2006, %dma_wait3A_2008, %dma_wait3A_2009] : memref<5x512x32xf32, #tpu.memory_space<vmem>> -> memref<1x512x32xf32, #tpu.memory_space<vmem>>
      %dma_wait3A_2011 = tpu.memref_squeeze %dma_wait3A_2010 : memref<1x512x32xf32, #tpu.memory_space<vmem>> -> memref<512x32xf32, #tpu.memory_space<vmem>>
      %dma_wait3A_2012 = arith.constant 0 : i32
      %dma_wait3A_2013 = tpu.memref_slice %arg4[%mul3A_1981, %select_n3A_2005, %dma_wait3A_2012] : memref<4096x200x32xf32, #tpu.memory_space<hbm>> -> memref<512x1x32xf32, #tpu.memory_space<hbm>>
      %dma_wait3A_2014 = tpu.memref_squeeze %dma_wait3A_2013 : memref<512x1x32xf32, #tpu.memory_space<hbm>> -> memref<512x32xf32, #tpu.memory_space<hbm>>
      %dma_wait3A_2015 = tpu.memref_slice %arg8[%dma_wait3A_2007] : memref<5x!tpu.dma_semaphore, #tpu.memory_space<semaphore_mem>> -> memref<1x!tpu.dma_semaphore, #tpu.memory_space<semaphore_mem>>
      %dma_wait3A_2016 = tpu.memref_squeeze %dma_wait3A_2015 : memref<1x!tpu.dma_semaphore, #tpu.memory_space<semaphore_mem>> -> memref<!tpu.dma_semaphore, #tpu.memory_space<semaphore_mem>>
      %dma_wait3A_2017 = arith.constant 0 : i32
      %dma_wait3A_2018 = tpu.memref_slice %arg4[%mul3A_1981, %select_n3A_2005, %dma_wait3A_2017] : memref<4096x200x32xf32, #tpu.memory_space<hbm>> -> memref<512x1x32xf32, #tpu.memory_space<hbm>>
      %dma_wait3A_2019 = tpu.memref_squeeze %dma_wait3A_2018 : memref<512x1x32xf32, #tpu.memory_space<hbm>> -> memref<512x32xf32, #tpu.memory_space<hbm>>
      %dma_wait3A_2020 = arith.constant 0 : i32
      %dma_wait3A_2021 = arith.constant 0 : i32
      %dma_wait3A_2022 = tpu.memref_slice %arg6[%dma_wait3A_2006, %dma_wait3A_2020, %dma_wait3A_2021] : memref<5x512x32xf32, #tpu.memory_space<vmem>> -> memref<1x512x32xf32, #tpu.memory_space<vmem>>
      %dma_wait3A_2023 = tpu.memref_squeeze %dma_wait3A_2022 : memref<1x512x32xf32, #tpu.memory_space<vmem>> -> memref<512x32xf32, #tpu.memory_space<vmem>>
      tpu.wait_dma2 semaphore(%dma_wait3A_2016 : memref<!tpu.dma_semaphore, #tpu.memory_space<semaphore_mem>>) src(%dma_wait3A_2023 : memref<512x32xf32, #tpu.memory_space<vmem>>) dst(%dma_wait3A_2019 : memref<512x32xf32, #tpu.memory_space<hbm>>)
      %add3A_2024 = arith.constant 5 : i32
      %add3A_2025 = arith.addi %add3A_1958, %add3A_2024 : i32
      %sub3A_2026 = arith.constant 1 : i32
      %sub3A_2027 = arith.subi %add3A_2025, %sub3A_2026 : i32
      %mul3A_2028 = arith.constant 512 : i32
      %mul3A_2029 = arith.muli %sub3A_2027, %mul3A_2028 : i32
      %add3A_2030 = arith.addi %sub3A_23, %mul3A_2029 : i32
      %jit3A_2031 = arith.constant 4096 : i32
      %div3A_2032 = arith.divsi %add3A_2030, %jit3A_2031 : i32
      %sign3A_2033 = arith.constant 0 : i32
      %sign3A_2034 = arith.cmpi sgt, %add3A_2030, %sign3A_2033 : i32
      %sign3A_2035 = arith.extui %sign3A_2034 : i1 to i32
      %sign3A_2036 = arith.constant 0 : i32
      %sign3A_2037 = arith.cmpi slt, %add3A_2030, %sign3A_2036 : i32
      %sign3A_2038 = arith.extui %sign3A_2037 : i1 to i32
      %sign3A_2039 = arith.subi %sign3A_2035, %sign3A_2038 : i32
      %sign3A_2040 = arith.constant 0 : i32
      %sign3A_2041 = arith.cmpi sgt, %jit3A_2031, %sign3A_2040 : i32
      %sign3A_2042 = arith.extui %sign3A_2041 : i1 to i32
      %sign3A_2043 = arith.constant 0 : i32
      %sign3A_2044 = arith.cmpi slt, %jit3A_2031, %sign3A_2043 : i32
      %sign3A_2045 = arith.extui %sign3A_2044 : i1 to i32
      %sign3A_2046 = arith.subi %sign3A_2042, %sign3A_2045 : i32
      %ne3A_2047 = arith.cmpi ne, %sign3A_2039, %sign3A_2046 : i32
      %rem3A_2048 = arith.remsi %add3A_2030, %jit3A_2031 : i32
      %ne3A_2049 = arith.constant 0 : i32
      %ne3A_2050 = arith.cmpi ne, %rem3A_2048, %ne3A_2049 : i32
      %and3A_2051 = arith.andi %ne3A_2047, %ne3A_2050 : i1
      %sub3A_2052 = arith.constant 1 : i32
      %sub3A_2053 = arith.subi %div3A_2032, %sub3A_2052 : i32
      %select_n3A_2054 = arith.select %and3A_2051, %sub3A_2053, %div3A_2032 : i32
      %jit3A_2055 = arith.constant 4096 : i32
      %eq3A_2056 = arith.constant 0 : i32
      %eq3A_2057 = arith.cmpi eq, %jit3A_2055, %eq3A_2056 : i32
      %jit3A_2058 = arith.constant 1 : i32
      %select_n3A_2059 = arith.select %eq3A_2057, %jit3A_2058, %jit3A_2055 : i32
      %rem3A_2060 = arith.remsi %add3A_2030, %select_n3A_2059 : i32
      %ne3A_2061 = arith.constant 0 : i32
      %ne3A_2062 = arith.cmpi ne, %rem3A_2060, %ne3A_2061 : i32
      %lt3A_2063 = arith.constant 0 : i32
      %lt3A_2064 = arith.cmpi slt, %rem3A_2060, %lt3A_2063 : i32
      %lt3A_2065 = arith.constant 0 : i32
      %lt3A_2066 = arith.cmpi slt, %select_n3A_2059, %lt3A_2065 : i32
      %ne3A_2067 = arith.xori %lt3A_2064, %lt3A_2066 : i1
      %and3A_2068 = arith.andi %ne3A_2067, %ne3A_2062 : i1
      %add3A_2069 = arith.addi %rem3A_2060, %select_n3A_2059 : i32
      %select_n3A_2070 = arith.select %and3A_2068, %add3A_2069, %rem3A_2060 : i32
      %dma_start3A_2071 = arith.constant 3 : i32
      %dma_start3A_2072 = arith.constant 3 : i32
      %dma_start3A_2073 = arith.constant 0 : i32
      %dma_start3A_2074 = arith.constant 0 : i32
      %dma_start3A_2075 = tpu.memref_slice %arg6[%dma_start3A_2071, %dma_start3A_2073, %dma_start3A_2074] : memref<5x512x32xf32, #tpu.memory_space<vmem>> -> memref<1x512x32xf32, #tpu.memory_space<vmem>>
      %dma_start3A_2076 = tpu.memref_squeeze %dma_start3A_2075 : memref<1x512x32xf32, #tpu.memory_space<vmem>> -> memref<512x32xf32, #tpu.memory_space<vmem>>
      %dma_start3A_2077 = tpu.memref_slice %arg5[%select_n3A_2054, %select_n3A_2070] : memref<7x4096xi32, #tpu.memory_space<vmem>> -> memref<1x512xi32, #tpu.memory_space<vmem>>
      %dma_start3A_2078 = tpu.memref_squeeze %dma_start3A_2077 : memref<1x512xi32, #tpu.memory_space<vmem>> -> memref<512xi32, #tpu.memory_space<vmem>>
      %dma_start3A_2079 = arith.constant 0 : i32
      %dma_start3A_2080 = arith.constant 0 : i32
      %dma_start3A_2081 = tpu.memref_slice %arg3[%dma_start3A_2079, %dma_start3A_2080] : memref<1000000x32xf32, #tpu.memory_space<hbm>> -> memref<1000000x32xf32, #tpu.memory_space<hbm>>
      %dma_start3A_2082 = tpu.memref_slice %arg7[%dma_start3A_2072] : memref<5x!tpu.dma_semaphore, #tpu.memory_space<semaphore_mem>> -> memref<1x!tpu.dma_semaphore, #tpu.memory_space<semaphore_mem>>
      %dma_start3A_2083 = tpu.memref_squeeze %dma_start3A_2082 : memref<1x!tpu.dma_semaphore, #tpu.memory_space<semaphore_mem>> -> memref<!tpu.dma_semaphore, #tpu.memory_space<semaphore_mem>>
      tpu.enqueue_indirect_dma source(%dma_start3A_2081 : memref<1000000x32xf32, #tpu.memory_space<hbm>>) target(%dma_start3A_2076 : memref<512x32xf32, #tpu.memory_space<vmem>>) offsets(%dma_start3A_2078 : memref<512xi32, #tpu.memory_space<vmem>>) semaphore(%dma_start3A_2083 : memref<!tpu.dma_semaphore, #tpu.memory_space<semaphore_mem>>)
      %mul3A_2084 = arith.constant 512 : i32
      %mul3A_2085 = arith.muli %add3A_1958, %mul3A_2084 : i32
      %add3A_2086 = arith.addi %sub3A_23, %mul3A_2085 : i32
      %jit3A_2087 = arith.constant 4096 : i32
      %div3A_2088 = arith.divsi %add3A_2086, %jit3A_2087 : i32
      %sign3A_2089 = arith.constant 0 : i32
      %sign3A_2090 = arith.cmpi sgt, %add3A_2086, %sign3A_2089 : i32
      %sign3A_2091 = arith.extui %sign3A_2090 : i1 to i32
      %sign3A_2092 = arith.constant 0 : i32
      %sign3A_2093 = arith.cmpi slt, %add3A_2086, %sign3A_2092 : i32
      %sign3A_2094 = arith.extui %sign3A_2093 : i1 to i32
      %sign3A_2095 = arith.subi %sign3A_2091, %sign3A_2094 : i32
      %sign3A_2096 = arith.constant 0 : i32
      %sign3A_2097 = arith.cmpi sgt, %jit3A_2087, %sign3A_2096 : i32
      %sign3A_2098 = arith.extui %sign3A_2097 : i1 to i32
      %sign3A_2099 = arith.constant 0 : i32
      %sign3A_2100 = arith.cmpi slt, %jit3A_2087, %sign3A_2099 : i32
      %sign3A_2101 = arith.extui %sign3A_2100 : i1 to i32
      %sign3A_2102 = arith.subi %sign3A_2098, %sign3A_2101 : i32
      %ne3A_2103 = arith.cmpi ne, %sign3A_2095, %sign3A_2102 : i32
      %rem3A_2104 = arith.remsi %add3A_2086, %jit3A_2087 : i32
      %ne3A_2105 = arith.constant 0 : i32
      %ne3A_2106 = arith.cmpi ne, %rem3A_2104, %ne3A_2105 : i32
      %and3A_2107 = arith.andi %ne3A_2103, %ne3A_2106 : i1
      %sub3A_2108 = arith.constant 1 : i32
      %sub3A_2109 = arith.subi %div3A_2088, %sub3A_2108 : i32
      %select_n3A_2110 = arith.select %and3A_2107, %sub3A_2109, %div3A_2088 : i32
      %jit3A_2111 = arith.constant 4096 : i32
      %eq3A_2112 = arith.constant 0 : i32
      %eq3A_2113 = arith.cmpi eq, %jit3A_2111, %eq3A_2112 : i32
      %jit3A_2114 = arith.constant 1 : i32
      %select_n3A_2115 = arith.select %eq3A_2113, %jit3A_2114, %jit3A_2111 : i32
      %rem3A_2116 = arith.remsi %add3A_2086, %select_n3A_2115 : i32
      %ne3A_2117 = arith.constant 0 : i32
      %ne3A_2118 = arith.cmpi ne, %rem3A_2116, %ne3A_2117 : i32
      %lt3A_2119 = arith.constant 0 : i32
      %lt3A_2120 = arith.cmpi slt, %rem3A_2116, %lt3A_2119 : i32
      %lt3A_2121 = arith.constant 0 : i32
      %lt3A_2122 = arith.cmpi slt, %select_n3A_2115, %lt3A_2121 : i32
      %ne3A_2123 = arith.xori %lt3A_2120, %lt3A_2122 : i1
      %and3A_2124 = arith.andi %ne3A_2123, %ne3A_2118 : i1
      %add3A_2125 = arith.addi %rem3A_2116, %select_n3A_2115 : i32
      %select_n3A_2126 = arith.select %and3A_2124, %add3A_2125, %rem3A_2116 : i32
      %dma_wait3A_2127 = arith.constant 4 : i32
      %dma_wait3A_2128 = arith.constant 4 : i32
      %dma_wait3A_2129 = arith.constant 0 : i32
      %dma_wait3A_2130 = arith.constant 0 : i32
      %dma_wait3A_2131 = tpu.memref_slice %arg6[%dma_wait3A_2127, %dma_wait3A_2129, %dma_wait3A_2130] : memref<5x512x32xf32, #tpu.memory_space<vmem>> -> memref<1x512x32xf32, #tpu.memory_space<vmem>>
      %dma_wait3A_2132 = tpu.memref_squeeze %dma_wait3A_2131 : memref<1x512x32xf32, #tpu.memory_space<vmem>> -> memref<512x32xf32, #tpu.memory_space<vmem>>
      %dma_wait3A_2133 = tpu.memref_slice %arg5[%select_n3A_2110, %select_n3A_2126] : memref<7x4096xi32, #tpu.memory_space<vmem>> -> memref<1x512xi32, #tpu.memory_space<vmem>>
      %dma_wait3A_2134 = tpu.memref_squeeze %dma_wait3A_2133 : memref<1x512xi32, #tpu.memory_space<vmem>> -> memref<512xi32, #tpu.memory_space<vmem>>
      %dma_wait3A_2135 = arith.constant 0 : i32
      %dma_wait3A_2136 = arith.constant 0 : i32
      %dma_wait3A_2137 = tpu.memref_slice %arg3[%dma_wait3A_2135, %dma_wait3A_2136] : memref<1000000x32xf32, #tpu.memory_space<hbm>> -> memref<1000000x32xf32, #tpu.memory_space<hbm>>
      %dma_wait3A_2138 = tpu.memref_slice %arg7[%dma_wait3A_2128] : memref<5x!tpu.dma_semaphore, #tpu.memory_space<semaphore_mem>> -> memref<1x!tpu.dma_semaphore, #tpu.memory_space<semaphore_mem>>
      %dma_wait3A_2139 = tpu.memref_squeeze %dma_wait3A_2138 : memref<1x!tpu.dma_semaphore, #tpu.memory_space<semaphore_mem>> -> memref<!tpu.dma_semaphore, #tpu.memory_space<semaphore_mem>>
      tpu.wait_indirect_dma semaphore(%dma_wait3A_2139 : memref<!tpu.dma_semaphore, #tpu.memory_space<semaphore_mem>>) src(%dma_wait3A_2137 : memref<1000000x32xf32, #tpu.memory_space<hbm>>) dst(%dma_wait3A_2132 : memref<512x32xf32, #tpu.memory_space<vmem>>)
      %mul3A_2140 = arith.constant 50 : i32
      %mul3A_2141 = arith.muli %add3A, %mul3A_2140 : i32
      %add3A_2142 = arith.addi %mul3A_2141, %add3A_1958 : i32
      %jit3A_2143 = arith.constant 8 : i32
      %eq3A_2144 = arith.constant 0 : i32
      %eq3A_2145 = arith.cmpi eq, %jit3A_2143, %eq3A_2144 : i32
      %jit3A_2146 = arith.constant 1 : i32
      %select_n3A_2147 = arith.select %eq3A_2145, %jit3A_2146, %jit3A_2143 : i32
      %rem3A_2148 = arith.remsi %add3A_2142, %select_n3A_2147 : i32
      %ne3A_2149 = arith.constant 0 : i32
      %ne3A_2150 = arith.cmpi ne, %rem3A_2148, %ne3A_2149 : i32
      %lt3A_2151 = arith.constant 0 : i32
      %lt3A_2152 = arith.cmpi slt, %rem3A_2148, %lt3A_2151 : i32
      %lt3A_2153 = arith.constant 0 : i32
      %lt3A_2154 = arith.cmpi slt, %select_n3A_2147, %lt3A_2153 : i32
      %ne3A_2155 = arith.xori %lt3A_2152, %lt3A_2154 : i1
      %and3A_2156 = arith.andi %ne3A_2155, %ne3A_2150 : i1
      %add3A_2157 = arith.addi %rem3A_2148, %select_n3A_2147 : i32
      %select_n3A_2158 = arith.select %and3A_2156, %add3A_2157, %rem3A_2148 : i32
      %mul3A_2159 = arith.constant 512 : i32
      %mul3A_2160 = arith.muli %select_n3A_2158, %mul3A_2159 : i32
      %jit3A_2161 = arith.constant 8 : i32
      %div3A_2162 = arith.divsi %add3A_2142, %jit3A_2161 : i32
      %sign3A_2163 = arith.constant 0 : i32
      %sign3A_2164 = arith.cmpi sgt, %add3A_2142, %sign3A_2163 : i32
      %sign3A_2165 = arith.extui %sign3A_2164 : i1 to i32
      %sign3A_2166 = arith.constant 0 : i32
      %sign3A_2167 = arith.cmpi slt, %add3A_2142, %sign3A_2166 : i32
      %sign3A_2168 = arith.extui %sign3A_2167 : i1 to i32
      %sign3A_2169 = arith.subi %sign3A_2165, %sign3A_2168 : i32
      %sign3A_2170 = arith.constant 0 : i32
      %sign3A_2171 = arith.cmpi sgt, %jit3A_2161, %sign3A_2170 : i32
      %sign3A_2172 = arith.extui %sign3A_2171 : i1 to i32
      %sign3A_2173 = arith.constant 0 : i32
      %sign3A_2174 = arith.cmpi slt, %jit3A_2161, %sign3A_2173 : i32
      %sign3A_2175 = arith.extui %sign3A_2174 : i1 to i32
      %sign3A_2176 = arith.subi %sign3A_2172, %sign3A_2175 : i32
      %ne3A_2177 = arith.cmpi ne, %sign3A_2169, %sign3A_2176 : i32
      %rem3A_2178 = arith.remsi %add3A_2142, %jit3A_2161 : i32
      %ne3A_2179 = arith.constant 0 : i32
      %ne3A_2180 = arith.cmpi ne, %rem3A_2178, %ne3A_2179 : i32
      %and3A_2181 = arith.andi %ne3A_2177, %ne3A_2180 : i1
      %sub3A_2182 = arith.constant 1 : i32
      %sub3A_2183 = arith.subi %div3A_2162, %sub3A_2182 : i32
      %select_n3A_2184 = arith.select %and3A_2181, %sub3A_2183, %div3A_2162 : i32
      %dma_start3A_2185 = arith.constant 4 : i32
      %dma_start3A_2186 = arith.constant 4 : i32
      %dma_start3A_2187 = arith.constant 0 : i32
      %dma_start3A_2188 = arith.constant 0 : i32
      %dma_start3A_2189 = tpu.memref_slice %arg6[%dma_start3A_2185, %dma_start3A_2187, %dma_start3A_2188] : memref<5x512x32xf32, #tpu.memory_space<vmem>> -> memref<1x512x32xf32, #tpu.memory_space<vmem>>
      %dma_start3A_2190 = tpu.memref_squeeze %dma_start3A_2189 : memref<1x512x32xf32, #tpu.memory_space<vmem>> -> memref<512x32xf32, #tpu.memory_space<vmem>>
      %dma_start3A_2191 = arith.constant 0 : i32
      %dma_start3A_2192 = tpu.memref_slice %arg4[%mul3A_2160, %select_n3A_2184, %dma_start3A_2191] : memref<4096x200x32xf32, #tpu.memory_space<hbm>> -> memref<512x1x32xf32, #tpu.memory_space<hbm>>
      %dma_start3A_2193 = tpu.memref_squeeze %dma_start3A_2192 : memref<512x1x32xf32, #tpu.memory_space<hbm>> -> memref<512x32xf32, #tpu.memory_space<hbm>>
      %dma_start3A_2194 = tpu.memref_slice %arg8[%dma_start3A_2186] : memref<5x!tpu.dma_semaphore, #tpu.memory_space<semaphore_mem>> -> memref<1x!tpu.dma_semaphore, #tpu.memory_space<semaphore_mem>>
      %dma_start3A_2195 = tpu.memref_squeeze %dma_start3A_2194 : memref<1x!tpu.dma_semaphore, #tpu.memory_space<semaphore_mem>> -> memref<!tpu.dma_semaphore, #tpu.memory_space<semaphore_mem>>
      %dma_start3A_2196 = arith.constant 0 : i32
      %dma_start3A_2197 = tpu.memref_slice %arg4[%mul3A_2160, %select_n3A_2184, %dma_start3A_2196] : memref<4096x200x32xf32, #tpu.memory_space<hbm>> -> memref<512x1x32xf32, #tpu.memory_space<hbm>>
      %dma_start3A_2198 = tpu.memref_squeeze %dma_start3A_2197 : memref<512x1x32xf32, #tpu.memory_space<hbm>> -> memref<512x32xf32, #tpu.memory_space<hbm>>
      %dma_start3A_2199 = arith.constant 0 : i32
      %dma_start3A_2200 = arith.constant 0 : i32
      %dma_start3A_2201 = tpu.memref_slice %arg6[%dma_start3A_2185, %dma_start3A_2199, %dma_start3A_2200] : memref<5x512x32xf32, #tpu.memory_space<vmem>> -> memref<1x512x32xf32, #tpu.memory_space<vmem>>
      %dma_start3A_2202 = tpu.memref_squeeze %dma_start3A_2201 : memref<1x512x32xf32, #tpu.memory_space<vmem>> -> memref<512x32xf32, #tpu.memory_space<vmem>>
      tpu.enqueue_dma source(%dma_start3A_2202 : memref<512x32xf32, #tpu.memory_space<vmem>>) target(%dma_start3A_2198 : memref<512x32xf32, #tpu.memory_space<hbm>>) target_semaphore(%dma_start3A_2195 : memref<!tpu.dma_semaphore, #tpu.memory_space<semaphore_mem>>)
      %add3A_2203 = arith.constant 4 : i32
      %add3A_2204 = arith.addi %add3A_1218, %add3A_2203 : i32
      %sub3A_2205 = arith.constant 1 : i32
      %sub3A_2206 = arith.subi %add3A_2204, %sub3A_2205 : i32
      %mul3A_2207 = arith.constant 50 : i32
      %mul3A_2208 = arith.muli %add3A, %mul3A_2207 : i32
      %add3A_2209 = arith.addi %mul3A_2208, %sub3A_2206 : i32
      %jit3A_2210 = arith.constant 8 : i32
      %eq3A_2211 = arith.constant 0 : i32
      %eq3A_2212 = arith.cmpi eq, %jit3A_2210, %eq3A_2211 : i32
      %jit3A_2213 = arith.constant 1 : i32
      %select_n3A_2214 = arith.select %eq3A_2212, %jit3A_2213, %jit3A_2210 : i32
      %rem3A_2215 = arith.remsi %add3A_2209, %select_n3A_2214 : i32
      %ne3A_2216 = arith.constant 0 : i32
      %ne3A_2217 = arith.cmpi ne, %rem3A_2215, %ne3A_2216 : i32
      %lt3A_2218 = arith.constant 0 : i32
      %lt3A_2219 = arith.cmpi slt, %rem3A_2215, %lt3A_2218 : i32
      %lt3A_2220 = arith.constant 0 : i32
      %lt3A_2221 = arith.cmpi slt, %select_n3A_2214, %lt3A_2220 : i32
      %ne3A_2222 = arith.xori %lt3A_2219, %lt3A_2221 : i1
      %and3A_2223 = arith.andi %ne3A_2222, %ne3A_2217 : i1
      %add3A_2224 = arith.addi %rem3A_2215, %select_n3A_2214 : i32
      %select_n3A_2225 = arith.select %and3A_2223, %add3A_2224, %rem3A_2215 : i32
      %mul3A_2226 = arith.constant 512 : i32
      %mul3A_2227 = arith.muli %select_n3A_2225, %mul3A_2226 : i32
      %jit3A_2228 = arith.constant 8 : i32
      %div3A_2229 = arith.divsi %add3A_2209, %jit3A_2228 : i32
      %sign3A_2230 = arith.constant 0 : i32
      %sign3A_2231 = arith.cmpi sgt, %add3A_2209, %sign3A_2230 : i32
      %sign3A_2232 = arith.extui %sign3A_2231 : i1 to i32
      %sign3A_2233 = arith.constant 0 : i32
      %sign3A_2234 = arith.cmpi slt, %add3A_2209, %sign3A_2233 : i32
      %sign3A_2235 = arith.extui %sign3A_2234 : i1 to i32
      %sign3A_2236 = arith.subi %sign3A_2232, %sign3A_2235 : i32
      %sign3A_2237 = arith.constant 0 : i32
      %sign3A_2238 = arith.cmpi sgt, %jit3A_2228, %sign3A_2237 : i32
      %sign3A_2239 = arith.extui %sign3A_2238 : i1 to i32
      %sign3A_2240 = arith.constant 0 : i32
      %sign3A_2241 = arith.cmpi slt, %jit3A_2228, %sign3A_2240 : i32
      %sign3A_2242 = arith.extui %sign3A_2241 : i1 to i32
      %sign3A_2243 = arith.subi %sign3A_2239, %sign3A_2242 : i32
      %ne3A_2244 = arith.cmpi ne, %sign3A_2236, %sign3A_2243 : i32
      %rem3A_2245 = arith.remsi %add3A_2209, %jit3A_2228 : i32
      %ne3A_2246 = arith.constant 0 : i32
      %ne3A_2247 = arith.cmpi ne, %rem3A_2245, %ne3A_2246 : i32
      %and3A_2248 = arith.andi %ne3A_2244, %ne3A_2247 : i1
      %sub3A_2249 = arith.constant 1 : i32
      %sub3A_2250 = arith.subi %div3A_2229, %sub3A_2249 : i32
      %select_n3A_2251 = arith.select %and3A_2248, %sub3A_2250, %div3A_2229 : i32
      %dma_wait3A_2252 = arith.constant 4 : i32
      %dma_wait3A_2253 = arith.constant 4 : i32
      %dma_wait3A_2254 = arith.constant 0 : i32
      %dma_wait3A_2255 = arith.constant 0 : i32
      %dma_wait3A_2256 = tpu.memref_slice %arg6[%dma_wait3A_2252, %dma_wait3A_2254, %dma_wait3A_2255] : memref<5x512x32xf32, #tpu.memory_space<vmem>> -> memref<1x512x32xf32, #tpu.memory_space<vmem>>
      %dma_wait3A_2257 = tpu.memref_squeeze %dma_wait3A_2256 : memref<1x512x32xf32, #tpu.memory_space<vmem>> -> memref<512x32xf32, #tpu.memory_space<vmem>>
      %dma_wait3A_2258 = arith.constant 0 : i32
      %dma_wait3A_2259 = tpu.memref_slice %arg4[%mul3A_2227, %select_n3A_2251, %dma_wait3A_2258] : memref<4096x200x32xf32, #tpu.memory_space<hbm>> -> memref<512x1x32xf32, #tpu.memory_space<hbm>>
      %dma_wait3A_2260 = tpu.memref_squeeze %dma_wait3A_2259 : memref<512x1x32xf32, #tpu.memory_space<hbm>> -> memref<512x32xf32, #tpu.memory_space<hbm>>
      %dma_wait3A_2261 = tpu.memref_slice %arg8[%dma_wait3A_2253] : memref<5x!tpu.dma_semaphore, #tpu.memory_space<semaphore_mem>> -> memref<1x!tpu.dma_semaphore, #tpu.memory_space<semaphore_mem>>
      %dma_wait3A_2262 = tpu.memref_squeeze %dma_wait3A_2261 : memref<1x!tpu.dma_semaphore, #tpu.memory_space<semaphore_mem>> -> memref<!tpu.dma_semaphore, #tpu.memory_space<semaphore_mem>>
      %dma_wait3A_2263 = arith.constant 0 : i32
      %dma_wait3A_2264 = tpu.memref_slice %arg4[%mul3A_2227, %select_n3A_2251, %dma_wait3A_2263] : memref<4096x200x32xf32, #tpu.memory_space<hbm>> -> memref<512x1x32xf32, #tpu.memory_space<hbm>>
      %dma_wait3A_2265 = tpu.memref_squeeze %dma_wait3A_2264 : memref<512x1x32xf32, #tpu.memory_space<hbm>> -> memref<512x32xf32, #tpu.memory_space<hbm>>
      %dma_wait3A_2266 = arith.constant 0 : i32
      %dma_wait3A_2267 = arith.constant 0 : i32
      %dma_wait3A_2268 = tpu.memref_slice %arg6[%dma_wait3A_2252, %dma_wait3A_2266, %dma_wait3A_2267] : memref<5x512x32xf32, #tpu.memory_space<vmem>> -> memref<1x512x32xf32, #tpu.memory_space<vmem>>
      %dma_wait3A_2269 = tpu.memref_squeeze %dma_wait3A_2268 : memref<1x512x32xf32, #tpu.memory_space<vmem>> -> memref<512x32xf32, #tpu.memory_space<vmem>>
      tpu.wait_dma2 semaphore(%dma_wait3A_2262 : memref<!tpu.dma_semaphore, #tpu.memory_space<semaphore_mem>>) src(%dma_wait3A_2269 : memref<512x32xf32, #tpu.memory_space<vmem>>) dst(%dma_wait3A_2265 : memref<512x32xf32, #tpu.memory_space<hbm>>)
      %add3A_2270 = arith.constant 5 : i32
      %add3A_2271 = arith.addi %add3A_2204, %add3A_2270 : i32
      %sub3A_2272 = arith.constant 1 : i32
      %sub3A_2273 = arith.subi %add3A_2271, %sub3A_2272 : i32
      %mul3A_2274 = arith.constant 512 : i32
      %mul3A_2275 = arith.muli %sub3A_2273, %mul3A_2274 : i32
      %add3A_2276 = arith.addi %sub3A_23, %mul3A_2275 : i32
      %jit3A_2277 = arith.constant 4096 : i32
      %div3A_2278 = arith.divsi %add3A_2276, %jit3A_2277 : i32
      %sign3A_2279 = arith.constant 0 : i32
      %sign3A_2280 = arith.cmpi sgt, %add3A_2276, %sign3A_2279 : i32
      %sign3A_2281 = arith.extui %sign3A_2280 : i1 to i32
      %sign3A_2282 = arith.constant 0 : i32
      %sign3A_2283 = arith.cmpi slt, %add3A_2276, %sign3A_2282 : i32
      %sign3A_2284 = arith.extui %sign3A_2283 : i1 to i32
      %sign3A_2285 = arith.subi %sign3A_2281, %sign3A_2284 : i32
      %sign3A_2286 = arith.constant 0 : i32
      %sign3A_2287 = arith.cmpi sgt, %jit3A_2277, %sign3A_2286 : i32
      %sign3A_2288 = arith.extui %sign3A_2287 : i1 to i32
      %sign3A_2289 = arith.constant 0 : i32
      %sign3A_2290 = arith.cmpi slt, %jit3A_2277, %sign3A_2289 : i32
      %sign3A_2291 = arith.extui %sign3A_2290 : i1 to i32
      %sign3A_2292 = arith.subi %sign3A_2288, %sign3A_2291 : i32
      %ne3A_2293 = arith.cmpi ne, %sign3A_2285, %sign3A_2292 : i32
      %rem3A_2294 = arith.remsi %add3A_2276, %jit3A_2277 : i32
      %ne3A_2295 = arith.constant 0 : i32
      %ne3A_2296 = arith.cmpi ne, %rem3A_2294, %ne3A_2295 : i32
      %and3A_2297 = arith.andi %ne3A_2293, %ne3A_2296 : i1
      %sub3A_2298 = arith.constant 1 : i32
      %sub3A_2299 = arith.subi %div3A_2278, %sub3A_2298 : i32
      %select_n3A_2300 = arith.select %and3A_2297, %sub3A_2299, %div3A_2278 : i32
      %jit3A_2301 = arith.constant 4096 : i32
      %eq3A_2302 = arith.constant 0 : i32
      %eq3A_2303 = arith.cmpi eq, %jit3A_2301, %eq3A_2302 : i32
      %jit3A_2304 = arith.constant 1 : i32
      %select_n3A_2305 = arith.select %eq3A_2303, %jit3A_2304, %jit3A_2301 : i32
      %rem3A_2306 = arith.remsi %add3A_2276, %select_n3A_2305 : i32
      %ne3A_2307 = arith.constant 0 : i32
      %ne3A_2308 = arith.cmpi ne, %rem3A_2306, %ne3A_2307 : i32
      %lt3A_2309 = arith.constant 0 : i32
      %lt3A_2310 = arith.cmpi slt, %rem3A_2306, %lt3A_2309 : i32
      %lt3A_2311 = arith.constant 0 : i32
      %lt3A_2312 = arith.cmpi slt, %select_n3A_2305, %lt3A_2311 : i32
      %ne3A_2313 = arith.xori %lt3A_2310, %lt3A_2312 : i1
      %and3A_2314 = arith.andi %ne3A_2313, %ne3A_2308 : i1
      %add3A_2315 = arith.addi %rem3A_2306, %select_n3A_2305 : i32
      %select_n3A_2316 = arith.select %and3A_2314, %add3A_2315, %rem3A_2306 : i32
      %dma_start3A_2317 = arith.constant 4 : i32
      %dma_start3A_2318 = arith.constant 4 : i32
      %dma_start3A_2319 = arith.constant 0 : i32
      %dma_start3A_2320 = arith.constant 0 : i32
      %dma_start3A_2321 = tpu.memref_slice %arg6[%dma_start3A_2317, %dma_start3A_2319, %dma_start3A_2320] : memref<5x512x32xf32, #tpu.memory_space<vmem>> -> memref<1x512x32xf32, #tpu.memory_space<vmem>>
      %dma_start3A_2322 = tpu.memref_squeeze %dma_start3A_2321 : memref<1x512x32xf32, #tpu.memory_space<vmem>> -> memref<512x32xf32, #tpu.memory_space<vmem>>
      %dma_start3A_2323 = tpu.memref_slice %arg5[%select_n3A_2300, %select_n3A_2316] : memref<7x4096xi32, #tpu.memory_space<vmem>> -> memref<1x512xi32, #tpu.memory_space<vmem>>
      %dma_start3A_2324 = tpu.memref_squeeze %dma_start3A_2323 : memref<1x512xi32, #tpu.memory_space<vmem>> -> memref<512xi32, #tpu.memory_space<vmem>>
      %dma_start3A_2325 = arith.constant 0 : i32
      %dma_start3A_2326 = arith.constant 0 : i32
      %dma_start3A_2327 = tpu.memref_slice %arg3[%dma_start3A_2325, %dma_start3A_2326] : memref<1000000x32xf32, #tpu.memory_space<hbm>> -> memref<1000000x32xf32, #tpu.memory_space<hbm>>
      %dma_start3A_2328 = tpu.memref_slice %arg7[%dma_start3A_2318] : memref<5x!tpu.dma_semaphore, #tpu.memory_space<semaphore_mem>> -> memref<1x!tpu.dma_semaphore, #tpu.memory_space<semaphore_mem>>
      %dma_start3A_2329 = tpu.memref_squeeze %dma_start3A_2328 : memref<1x!tpu.dma_semaphore, #tpu.memory_space<semaphore_mem>> -> memref<!tpu.dma_semaphore, #tpu.memory_space<semaphore_mem>>
      tpu.enqueue_indirect_dma source(%dma_start3A_2327 : memref<1000000x32xf32, #tpu.memory_space<hbm>>) target(%dma_start3A_2322 : memref<512x32xf32, #tpu.memory_space<vmem>>) offsets(%dma_start3A_2324 : memref<512xi32, #tpu.memory_space<vmem>>) semaphore(%dma_start3A_2329 : memref<!tpu.dma_semaphore, #tpu.memory_space<semaphore_mem>>)
      %mul3A_2330 = arith.constant 512 : i32
      %mul3A_2331 = arith.muli %add3A_2204, %mul3A_2330 : i32
      %add3A_2332 = arith.addi %sub3A_23, %mul3A_2331 : i32
      %jit3A_2333 = arith.constant 4096 : i32
      %div3A_2334 = arith.divsi %add3A_2332, %jit3A_2333 : i32
      %sign3A_2335 = arith.constant 0 : i32
      %sign3A_2336 = arith.cmpi sgt, %add3A_2332, %sign3A_2335 : i32
      %sign3A_2337 = arith.extui %sign3A_2336 : i1 to i32
      %sign3A_2338 = arith.constant 0 : i32
      %sign3A_2339 = arith.cmpi slt, %add3A_2332, %sign3A_2338 : i32
      %sign3A_2340 = arith.extui %sign3A_2339 : i1 to i32
      %sign3A_2341 = arith.subi %sign3A_2337, %sign3A_2340 : i32
      %sign3A_2342 = arith.constant 0 : i32
      %sign3A_2343 = arith.cmpi sgt, %jit3A_2333, %sign3A_2342 : i32
      %sign3A_2344 = arith.extui %sign3A_2343 : i1 to i32
      %sign3A_2345 = arith.constant 0 : i32
      %sign3A_2346 = arith.cmpi slt, %jit3A_2333, %sign3A_2345 : i32
      %sign3A_2347 = arith.extui %sign3A_2346 : i1 to i32
      %sign3A_2348 = arith.subi %sign3A_2344, %sign3A_2347 : i32
      %ne3A_2349 = arith.cmpi ne, %sign3A_2341, %sign3A_2348 : i32
      %rem3A_2350 = arith.remsi %add3A_2332, %jit3A_2333 : i32
      %ne3A_2351 = arith.constant 0 : i32
      %ne3A_2352 = arith.cmpi ne, %rem3A_2350, %ne3A_2351 : i32
      %and3A_2353 = arith.andi %ne3A_2349, %ne3A_2352 : i1
      %sub3A_2354 = arith.constant 1 : i32
      %sub3A_2355 = arith.subi %div3A_2334, %sub3A_2354 : i32
      %select_n3A_2356 = arith.select %and3A_2353, %sub3A_2355, %div3A_2334 : i32
      %jit3A_2357 = arith.constant 4096 : i32
      %eq3A_2358 = arith.constant 0 : i32
      %eq3A_2359 = arith.cmpi eq, %jit3A_2357, %eq3A_2358 : i32
      %jit3A_2360 = arith.constant 1 : i32
      %select_n3A_2361 = arith.select %eq3A_2359, %jit3A_2360, %jit3A_2357 : i32
      %rem3A_2362 = arith.remsi %add3A_2332, %select_n3A_2361 : i32
      %ne3A_2363 = arith.constant 0 : i32
      %ne3A_2364 = arith.cmpi ne, %rem3A_2362, %ne3A_2363 : i32
      %lt3A_2365 = arith.constant 0 : i32
      %lt3A_2366 = arith.cmpi slt, %rem3A_2362, %lt3A_2365 : i32
      %lt3A_2367 = arith.constant 0 : i32
      %lt3A_2368 = arith.cmpi slt, %select_n3A_2361, %lt3A_2367 : i32
      %ne3A_2369 = arith.xori %lt3A_2366, %lt3A_2368 : i1
      %and3A_2370 = arith.andi %ne3A_2369, %ne3A_2364 : i1
      %add3A_2371 = arith.addi %rem3A_2362, %select_n3A_2361 : i32
      %select_n3A_2372 = arith.select %and3A_2370, %add3A_2371, %rem3A_2362 : i32
      %dma_wait3A_2373 = arith.constant 0 : i32
      %dma_wait3A_2374 = arith.constant 0 : i32
      %dma_wait3A_2375 = arith.constant 0 : i32
      %dma_wait3A_2376 = arith.constant 0 : i32
      %dma_wait3A_2377 = tpu.memref_slice %arg6[%dma_wait3A_2373, %dma_wait3A_2375, %dma_wait3A_2376] : memref<5x512x32xf32, #tpu.memory_space<vmem>> -> memref<1x512x32xf32, #tpu.memory_space<vmem>>
      %dma_wait3A_2378 = tpu.memref_squeeze %dma_wait3A_2377 : memref<1x512x32xf32, #tpu.memory_space<vmem>> -> memref<512x32xf32, #tpu.memory_space<vmem>>
      %dma_wait3A_2379 = tpu.memref_slice %arg5[%select_n3A_2356, %select_n3A_2372] : memref<7x4096xi32, #tpu.memory_space<vmem>> -> memref<1x512xi32, #tpu.memory_space<vmem>>
      %dma_wait3A_2380 = tpu.memref_squeeze %dma_wait3A_2379 : memref<1x512xi32, #tpu.memory_space<vmem>> -> memref<512xi32, #tpu.memory_space<vmem>>
      %dma_wait3A_2381 = arith.constant 0 : i32
      %dma_wait3A_2382 = arith.constant 0 : i32
      %dma_wait3A_2383 = tpu.memref_slice %arg3[%dma_wait3A_2381, %dma_wait3A_2382] : memref<1000000x32xf32, #tpu.memory_space<hbm>> -> memref<1000000x32xf32, #tpu.memory_space<hbm>>
      %dma_wait3A_2384 = tpu.memref_slice %arg7[%dma_wait3A_2374] : memref<5x!tpu.dma_semaphore, #tpu.memory_space<semaphore_mem>> -> memref<1x!tpu.dma_semaphore, #tpu.memory_space<semaphore_mem>>
      %dma_wait3A_2385 = tpu.memref_squeeze %dma_wait3A_2384 : memref<1x!tpu.dma_semaphore, #tpu.memory_space<semaphore_mem>> -> memref<!tpu.dma_semaphore, #tpu.memory_space<semaphore_mem>>
      tpu.wait_indirect_dma semaphore(%dma_wait3A_2385 : memref<!tpu.dma_semaphore, #tpu.memory_space<semaphore_mem>>) src(%dma_wait3A_2383 : memref<1000000x32xf32, #tpu.memory_space<hbm>>) dst(%dma_wait3A_2378 : memref<512x32xf32, #tpu.memory_space<vmem>>)
      %mul3A_2386 = arith.constant 50 : i32
      %mul3A_2387 = arith.muli %add3A, %mul3A_2386 : i32
      %add3A_2388 = arith.addi %mul3A_2387, %add3A_2204 : i32
      %jit3A_2389 = arith.constant 8 : i32
      %eq3A_2390 = arith.constant 0 : i32
      %eq3A_2391 = arith.cmpi eq, %jit3A_2389, %eq3A_2390 : i32
      %jit3A_2392 = arith.constant 1 : i32
      %select_n3A_2393 = arith.select %eq3A_2391, %jit3A_2392, %jit3A_2389 : i32
      %rem3A_2394 = arith.remsi %add3A_2388, %select_n3A_2393 : i32
      %ne3A_2395 = arith.constant 0 : i32
      %ne3A_2396 = arith.cmpi ne, %rem3A_2394, %ne3A_2395 : i32
      %lt3A_2397 = arith.constant 0 : i32
      %lt3A_2398 = arith.cmpi slt, %rem3A_2394, %lt3A_2397 : i32
      %lt3A_2399 = arith.constant 0 : i32
      %lt3A_2400 = arith.cmpi slt, %select_n3A_2393, %lt3A_2399 : i32
      %ne3A_2401 = arith.xori %lt3A_2398, %lt3A_2400 : i1
      %and3A_2402 = arith.andi %ne3A_2401, %ne3A_2396 : i1
      %add3A_2403 = arith.addi %rem3A_2394, %select_n3A_2393 : i32
      %select_n3A_2404 = arith.select %and3A_2402, %add3A_2403, %rem3A_2394 : i32
      %mul3A_2405 = arith.constant 512 : i32
      %mul3A_2406 = arith.muli %select_n3A_2404, %mul3A_2405 : i32
      %jit3A_2407 = arith.constant 8 : i32
      %div3A_2408 = arith.divsi %add3A_2388, %jit3A_2407 : i32
      %sign3A_2409 = arith.constant 0 : i32
      %sign3A_2410 = arith.cmpi sgt, %add3A_2388, %sign3A_2409 : i32
      %sign3A_2411 = arith.extui %sign3A_2410 : i1 to i32
      %sign3A_2412 = arith.constant 0 : i32
      %sign3A_2413 = arith.cmpi slt, %add3A_2388, %sign3A_2412 : i32
      %sign3A_2414 = arith.extui %sign3A_2413 : i1 to i32
      %sign3A_2415 = arith.subi %sign3A_2411, %sign3A_2414 : i32
      %sign3A_2416 = arith.constant 0 : i32
      %sign3A_2417 = arith.cmpi sgt, %jit3A_2407, %sign3A_2416 : i32
      %sign3A_2418 = arith.extui %sign3A_2417 : i1 to i32
      %sign3A_2419 = arith.constant 0 : i32
      %sign3A_2420 = arith.cmpi slt, %jit3A_2407, %sign3A_2419 : i32
      %sign3A_2421 = arith.extui %sign3A_2420 : i1 to i32
      %sign3A_2422 = arith.subi %sign3A_2418, %sign3A_2421 : i32
      %ne3A_2423 = arith.cmpi ne, %sign3A_2415, %sign3A_2422 : i32
      %rem3A_2424 = arith.remsi %add3A_2388, %jit3A_2407 : i32
      %ne3A_2425 = arith.constant 0 : i32
      %ne3A_2426 = arith.cmpi ne, %rem3A_2424, %ne3A_2425 : i32
      %and3A_2427 = arith.andi %ne3A_2423, %ne3A_2426 : i1
      %sub3A_2428 = arith.constant 1 : i32
      %sub3A_2429 = arith.subi %div3A_2408, %sub3A_2428 : i32
      %select_n3A_2430 = arith.select %and3A_2427, %sub3A_2429, %div3A_2408 : i32
      %dma_start3A_2431 = arith.constant 0 : i32
      %dma_start3A_2432 = arith.constant 0 : i32
      %dma_start3A_2433 = arith.constant 0 : i32
      %dma_start3A_2434 = arith.constant 0 : i32
      %dma_start3A_2435 = tpu.memref_slice %arg6[%dma_start3A_2431, %dma_start3A_2433, %dma_start3A_2434] : memref<5x512x32xf32, #tpu.memory_space<vmem>> -> memref<1x512x32xf32, #tpu.memory_space<vmem>>
      %dma_start3A_2436 = tpu.memref_squeeze %dma_start3A_2435 : memref<1x512x32xf32, #tpu.memory_space<vmem>> -> memref<512x32xf32, #tpu.memory_space<vmem>>
      %dma_start3A_2437 = arith.constant 0 : i32
      %dma_start3A_2438 = tpu.memref_slice %arg4[%mul3A_2406, %select_n3A_2430, %dma_start3A_2437] : memref<4096x200x32xf32, #tpu.memory_space<hbm>> -> memref<512x1x32xf32, #tpu.memory_space<hbm>>
      %dma_start3A_2439 = tpu.memref_squeeze %dma_start3A_2438 : memref<512x1x32xf32, #tpu.memory_space<hbm>> -> memref<512x32xf32, #tpu.memory_space<hbm>>
      %dma_start3A_2440 = tpu.memref_slice %arg8[%dma_start3A_2432] : memref<5x!tpu.dma_semaphore, #tpu.memory_space<semaphore_mem>> -> memref<1x!tpu.dma_semaphore, #tpu.memory_space<semaphore_mem>>
      %dma_start3A_2441 = tpu.memref_squeeze %dma_start3A_2440 : memref<1x!tpu.dma_semaphore, #tpu.memory_space<semaphore_mem>> -> memref<!tpu.dma_semaphore, #tpu.memory_space<semaphore_mem>>
      %dma_start3A_2442 = arith.constant 0 : i32
      %dma_start3A_2443 = tpu.memref_slice %arg4[%mul3A_2406, %select_n3A_2430, %dma_start3A_2442] : memref<4096x200x32xf32, #tpu.memory_space<hbm>> -> memref<512x1x32xf32, #tpu.memory_space<hbm>>
      %dma_start3A_2444 = tpu.memref_squeeze %dma_start3A_2443 : memref<512x1x32xf32, #tpu.memory_space<hbm>> -> memref<512x32xf32, #tpu.memory_space<hbm>>
      %dma_start3A_2445 = arith.constant 0 : i32
      %dma_start3A_2446 = arith.constant 0 : i32
      %dma_start3A_2447 = tpu.memref_slice %arg6[%dma_start3A_2431, %dma_start3A_2445, %dma_start3A_2446] : memref<5x512x32xf32, #tpu.memory_space<vmem>> -> memref<1x512x32xf32, #tpu.memory_space<vmem>>
      %dma_start3A_2448 = tpu.memref_squeeze %dma_start3A_2447 : memref<1x512x32xf32, #tpu.memory_space<vmem>> -> memref<512x32xf32, #tpu.memory_space<vmem>>
      tpu.enqueue_dma source(%dma_start3A_2448 : memref<512x32xf32, #tpu.memory_space<vmem>>) target(%dma_start3A_2444 : memref<512x32xf32, #tpu.memory_space<hbm>>) target_semaphore(%dma_start3A_2441 : memref<!tpu.dma_semaphore, #tpu.memory_space<semaphore_mem>>)
    }
    %scan3A_417 = arith.constant 9 : i32
    %mul3A_418 = arith.constant 50 : i32
    %mul3A_419 = arith.muli %add3A, %mul3A_418 : i32
    %add3A_420 = arith.constant 45 : i32
    %add3A_421 = arith.addi %mul3A_419, %add3A_420 : i32
    %jit3A_422 = arith.constant 8 : i32
    %eq3A_423 = arith.constant 0 : i32
    %eq3A_424 = arith.cmpi eq, %jit3A_422, %eq3A_423 : i32
    %jit3A_425 = arith.constant 1 : i32
    %select_n3A_426 = arith.select %eq3A_424, %jit3A_425, %jit3A_422 : i32
    %rem3A_427 = arith.remsi %add3A_421, %select_n3A_426 : i32
    %ne3A_428 = arith.constant 0 : i32
    %ne3A_429 = arith.cmpi ne, %rem3A_427, %ne3A_428 : i32
    %lt3A_430 = arith.constant 0 : i32
    %lt3A_431 = arith.cmpi slt, %rem3A_427, %lt3A_430 : i32
    %lt3A_432 = arith.constant 0 : i32
    %lt3A_433 = arith.cmpi slt, %select_n3A_426, %lt3A_432 : i32
    %ne3A_434 = arith.xori %lt3A_431, %lt3A_433 : i1
    %and3A_435 = arith.andi %ne3A_434, %ne3A_429 : i1
    %add3A_436 = arith.addi %rem3A_427, %select_n3A_426 : i32
    %select_n3A_437 = arith.select %and3A_435, %add3A_436, %rem3A_427 : i32
    %mul3A_438 = arith.constant 512 : i32
    %mul3A_439 = arith.muli %select_n3A_437, %mul3A_438 : i32
    %jit3A_440 = arith.constant 8 : i32
    %div3A_441 = arith.divsi %add3A_421, %jit3A_440 : i32
    %sign3A_442 = arith.constant 0 : i32
    %sign3A_443 = arith.cmpi sgt, %add3A_421, %sign3A_442 : i32
    %sign3A_444 = arith.extui %sign3A_443 : i1 to i32
    %sign3A_445 = arith.constant 0 : i32
    %sign3A_446 = arith.cmpi slt, %add3A_421, %sign3A_445 : i32
    %sign3A_447 = arith.extui %sign3A_446 : i1 to i32
    %sign3A_448 = arith.subi %sign3A_444, %sign3A_447 : i32
    %sign3A_449 = arith.constant 0 : i32
    %sign3A_450 = arith.cmpi sgt, %jit3A_440, %sign3A_449 : i32
    %sign3A_451 = arith.extui %sign3A_450 : i1 to i32
    %sign3A_452 = arith.constant 0 : i32
    %sign3A_453 = arith.cmpi slt, %jit3A_440, %sign3A_452 : i32
    %sign3A_454 = arith.extui %sign3A_453 : i1 to i32
    %sign3A_455 = arith.subi %sign3A_451, %sign3A_454 : i32
    %ne3A_456 = arith.cmpi ne, %sign3A_448, %sign3A_455 : i32
    %rem3A_457 = arith.remsi %add3A_421, %jit3A_440 : i32
    %ne3A_458 = arith.constant 0 : i32
    %ne3A_459 = arith.cmpi ne, %rem3A_457, %ne3A_458 : i32
    %and3A_460 = arith.andi %ne3A_456, %ne3A_459 : i1
    %sub3A_461 = arith.constant 1 : i32
    %sub3A_462 = arith.subi %div3A_441, %sub3A_461 : i32
    %select_n3A_463 = arith.select %and3A_460, %sub3A_462, %div3A_441 : i32
    %dma_wait3A_464 = arith.constant 0 : i32
    %dma_wait3A_465 = arith.constant 0 : i32
    %dma_wait3A_466 = arith.constant 0 : i32
    %dma_wait3A_467 = arith.constant 0 : i32
    %dma_wait3A_468 = tpu.memref_slice %arg6[%dma_wait3A_464, %dma_wait3A_466, %dma_wait3A_467] : memref<5x512x32xf32, #tpu.memory_space<vmem>> -> memref<1x512x32xf32, #tpu.memory_space<vmem>>
    %dma_wait3A_469 = tpu.memref_squeeze %dma_wait3A_468 : memref<1x512x32xf32, #tpu.memory_space<vmem>> -> memref<512x32xf32, #tpu.memory_space<vmem>>
    %dma_wait3A_470 = arith.constant 0 : i32
    %dma_wait3A_471 = tpu.memref_slice %arg4[%mul3A_439, %select_n3A_463, %dma_wait3A_470] : memref<4096x200x32xf32, #tpu.memory_space<hbm>> -> memref<512x1x32xf32, #tpu.memory_space<hbm>>
    %dma_wait3A_472 = tpu.memref_squeeze %dma_wait3A_471 : memref<512x1x32xf32, #tpu.memory_space<hbm>> -> memref<512x32xf32, #tpu.memory_space<hbm>>
    %dma_wait3A_473 = tpu.memref_slice %arg8[%dma_wait3A_465] : memref<5x!tpu.dma_semaphore, #tpu.memory_space<semaphore_mem>> -> memref<1x!tpu.dma_semaphore, #tpu.memory_space<semaphore_mem>>
    %dma_wait3A_474 = tpu.memref_squeeze %dma_wait3A_473 : memref<1x!tpu.dma_semaphore, #tpu.memory_space<semaphore_mem>> -> memref<!tpu.dma_semaphore, #tpu.memory_space<semaphore_mem>>
    %dma_wait3A_475 = arith.constant 0 : i32
    %dma_wait3A_476 = tpu.memref_slice %arg4[%mul3A_439, %select_n3A_463, %dma_wait3A_475] : memref<4096x200x32xf32, #tpu.memory_space<hbm>> -> memref<512x1x32xf32, #tpu.memory_space<hbm>>
    %dma_wait3A_477 = tpu.memref_squeeze %dma_wait3A_476 : memref<512x1x32xf32, #tpu.memory_space<hbm>> -> memref<512x32xf32, #tpu.memory_space<hbm>>
    %dma_wait3A_478 = arith.constant 0 : i32
    %dma_wait3A_479 = arith.constant 0 : i32
    %dma_wait3A_480 = tpu.memref_slice %arg6[%dma_wait3A_464, %dma_wait3A_478, %dma_wait3A_479] : memref<5x512x32xf32, #tpu.memory_space<vmem>> -> memref<1x512x32xf32, #tpu.memory_space<vmem>>
    %dma_wait3A_481 = tpu.memref_squeeze %dma_wait3A_480 : memref<1x512x32xf32, #tpu.memory_space<vmem>> -> memref<512x32xf32, #tpu.memory_space<vmem>>
    tpu.wait_dma2 semaphore(%dma_wait3A_474 : memref<!tpu.dma_semaphore, #tpu.memory_space<semaphore_mem>>) src(%dma_wait3A_481 : memref<512x32xf32, #tpu.memory_space<vmem>>) dst(%dma_wait3A_477 : memref<512x32xf32, #tpu.memory_space<hbm>>)
    %add3A_482 = arith.constant 23552 : i32
    %add3A_483 = arith.addi %sub3A_23, %add3A_482 : i32
    %jit3A_484 = arith.constant 4096 : i32
    %div3A_485 = arith.divsi %add3A_483, %jit3A_484 : i32
    %sign3A_486 = arith.constant 0 : i32
    %sign3A_487 = arith.cmpi sgt, %add3A_483, %sign3A_486 : i32
    %sign3A_488 = arith.extui %sign3A_487 : i1 to i32
    %sign3A_489 = arith.constant 0 : i32
    %sign3A_490 = arith.cmpi slt, %add3A_483, %sign3A_489 : i32
    %sign3A_491 = arith.extui %sign3A_490 : i1 to i32
    %sign3A_492 = arith.subi %sign3A_488, %sign3A_491 : i32
    %sign3A_493 = arith.constant 0 : i32
    %sign3A_494 = arith.cmpi sgt, %jit3A_484, %sign3A_493 : i32
    %sign3A_495 = arith.extui %sign3A_494 : i1 to i32
    %sign3A_496 = arith.constant 0 : i32
    %sign3A_497 = arith.cmpi slt, %jit3A_484, %sign3A_496 : i32
    %sign3A_498 = arith.extui %sign3A_497 : i1 to i32
    %sign3A_499 = arith.subi %sign3A_495, %sign3A_498 : i32
    %ne3A_500 = arith.cmpi ne, %sign3A_492, %sign3A_499 : i32
    %rem3A_501 = arith.remsi %add3A_483, %jit3A_484 : i32
    %ne3A_502 = arith.constant 0 : i32
    %ne3A_503 = arith.cmpi ne, %rem3A_501, %ne3A_502 : i32
    %and3A_504 = arith.andi %ne3A_500, %ne3A_503 : i1
    %sub3A_505 = arith.constant 1 : i32
    %sub3A_506 = arith.subi %div3A_485, %sub3A_505 : i32
    %select_n3A_507 = arith.select %and3A_504, %sub3A_506, %div3A_485 : i32
    %jit3A_508 = arith.constant 4096 : i32
    %eq3A_509 = arith.constant 0 : i32
    %eq3A_510 = arith.cmpi eq, %jit3A_508, %eq3A_509 : i32
    %jit3A_511 = arith.constant 1 : i32
    %select_n3A_512 = arith.select %eq3A_510, %jit3A_511, %jit3A_508 : i32
    %rem3A_513 = arith.remsi %add3A_483, %select_n3A_512 : i32
    %ne3A_514 = arith.constant 0 : i32
    %ne3A_515 = arith.cmpi ne, %rem3A_513, %ne3A_514 : i32
    %lt3A_516 = arith.constant 0 : i32
    %lt3A_517 = arith.cmpi slt, %rem3A_513, %lt3A_516 : i32
    %lt3A_518 = arith.constant 0 : i32
    %lt3A_519 = arith.cmpi slt, %select_n3A_512, %lt3A_518 : i32
    %ne3A_520 = arith.xori %lt3A_517, %lt3A_519 : i1
    %and3A_521 = arith.andi %ne3A_520, %ne3A_515 : i1
    %add3A_522 = arith.addi %rem3A_513, %select_n3A_512 : i32
    %select_n3A_523 = arith.select %and3A_521, %add3A_522, %rem3A_513 : i32
    %dma_wait3A_524 = arith.constant 1 : i32
    %dma_wait3A_525 = arith.constant 1 : i32
    %dma_wait3A_526 = arith.constant 0 : i32
    %dma_wait3A_527 = arith.constant 0 : i32
    %dma_wait3A_528 = tpu.memref_slice %arg6[%dma_wait3A_524, %dma_wait3A_526, %dma_wait3A_527] : memref<5x512x32xf32, #tpu.memory_space<vmem>> -> memref<1x512x32xf32, #tpu.memory_space<vmem>>
    %dma_wait3A_529 = tpu.memref_squeeze %dma_wait3A_528 : memref<1x512x32xf32, #tpu.memory_space<vmem>> -> memref<512x32xf32, #tpu.memory_space<vmem>>
    %dma_wait3A_530 = tpu.memref_slice %arg5[%select_n3A_507, %select_n3A_523] : memref<7x4096xi32, #tpu.memory_space<vmem>> -> memref<1x512xi32, #tpu.memory_space<vmem>>
    %dma_wait3A_531 = tpu.memref_squeeze %dma_wait3A_530 : memref<1x512xi32, #tpu.memory_space<vmem>> -> memref<512xi32, #tpu.memory_space<vmem>>
    %dma_wait3A_532 = arith.constant 0 : i32
    %dma_wait3A_533 = arith.constant 0 : i32
    %dma_wait3A_534 = tpu.memref_slice %arg3[%dma_wait3A_532, %dma_wait3A_533] : memref<1000000x32xf32, #tpu.memory_space<hbm>> -> memref<1000000x32xf32, #tpu.memory_space<hbm>>
    %dma_wait3A_535 = tpu.memref_slice %arg7[%dma_wait3A_525] : memref<5x!tpu.dma_semaphore, #tpu.memory_space<semaphore_mem>> -> memref<1x!tpu.dma_semaphore, #tpu.memory_space<semaphore_mem>>
    %dma_wait3A_536 = tpu.memref_squeeze %dma_wait3A_535 : memref<1x!tpu.dma_semaphore, #tpu.memory_space<semaphore_mem>> -> memref<!tpu.dma_semaphore, #tpu.memory_space<semaphore_mem>>
    tpu.wait_indirect_dma semaphore(%dma_wait3A_536 : memref<!tpu.dma_semaphore, #tpu.memory_space<semaphore_mem>>) src(%dma_wait3A_534 : memref<1000000x32xf32, #tpu.memory_space<hbm>>) dst(%dma_wait3A_529 : memref<512x32xf32, #tpu.memory_space<vmem>>)
    %mul3A_537 = arith.constant 50 : i32
    %mul3A_538 = arith.muli %add3A, %mul3A_537 : i32
    %add3A_539 = arith.constant 46 : i32
    %add3A_540 = arith.addi %mul3A_538, %add3A_539 : i32
    %jit3A_541 = arith.constant 8 : i32
    %eq3A_542 = arith.constant 0 : i32
    %eq3A_543 = arith.cmpi eq, %jit3A_541, %eq3A_542 : i32
    %jit3A_544 = arith.constant 1 : i32
    %select_n3A_545 = arith.select %eq3A_543, %jit3A_544, %jit3A_541 : i32
    %rem3A_546 = arith.remsi %add3A_540, %select_n3A_545 : i32
    %ne3A_547 = arith.constant 0 : i32
    %ne3A_548 = arith.cmpi ne, %rem3A_546, %ne3A_547 : i32
    %lt3A_549 = arith.constant 0 : i32
    %lt3A_550 = arith.cmpi slt, %rem3A_546, %lt3A_549 : i32
    %lt3A_551 = arith.constant 0 : i32
    %lt3A_552 = arith.cmpi slt, %select_n3A_545, %lt3A_551 : i32
    %ne3A_553 = arith.xori %lt3A_550, %lt3A_552 : i1
    %and3A_554 = arith.andi %ne3A_553, %ne3A_548 : i1
    %add3A_555 = arith.addi %rem3A_546, %select_n3A_545 : i32
    %select_n3A_556 = arith.select %and3A_554, %add3A_555, %rem3A_546 : i32
    %mul3A_557 = arith.constant 512 : i32
    %mul3A_558 = arith.muli %select_n3A_556, %mul3A_557 : i32
    %jit3A_559 = arith.constant 8 : i32
    %div3A_560 = arith.divsi %add3A_540, %jit3A_559 : i32
    %sign3A_561 = arith.constant 0 : i32
    %sign3A_562 = arith.cmpi sgt, %add3A_540, %sign3A_561 : i32
    %sign3A_563 = arith.extui %sign3A_562 : i1 to i32
    %sign3A_564 = arith.constant 0 : i32
    %sign3A_565 = arith.cmpi slt, %add3A_540, %sign3A_564 : i32
    %sign3A_566 = arith.extui %sign3A_565 : i1 to i32
    %sign3A_567 = arith.subi %sign3A_563, %sign3A_566 : i32
    %sign3A_568 = arith.constant 0 : i32
    %sign3A_569 = arith.cmpi sgt, %jit3A_559, %sign3A_568 : i32
    %sign3A_570 = arith.extui %sign3A_569 : i1 to i32
    %sign3A_571 = arith.constant 0 : i32
    %sign3A_572 = arith.cmpi slt, %jit3A_559, %sign3A_571 : i32
    %sign3A_573 = arith.extui %sign3A_572 : i1 to i32
    %sign3A_574 = arith.subi %sign3A_570, %sign3A_573 : i32
    %ne3A_575 = arith.cmpi ne, %sign3A_567, %sign3A_574 : i32
    %rem3A_576 = arith.remsi %add3A_540, %jit3A_559 : i32
    %ne3A_577 = arith.constant 0 : i32
    %ne3A_578 = arith.cmpi ne, %rem3A_576, %ne3A_577 : i32
    %and3A_579 = arith.andi %ne3A_575, %ne3A_578 : i1
    %sub3A_580 = arith.constant 1 : i32
    %sub3A_581 = arith.subi %div3A_560, %sub3A_580 : i32
    %select_n3A_582 = arith.select %and3A_579, %sub3A_581, %div3A_560 : i32
    %dma_start3A_583 = arith.constant 1 : i32
    %dma_start3A_584 = arith.constant 1 : i32
    %dma_start3A_585 = arith.constant 0 : i32
    %dma_start3A_586 = arith.constant 0 : i32
    %dma_start3A_587 = tpu.memref_slice %arg6[%dma_start3A_583, %dma_start3A_585, %dma_start3A_586] : memref<5x512x32xf32, #tpu.memory_space<vmem>> -> memref<1x512x32xf32, #tpu.memory_space<vmem>>
    %dma_start3A_588 = tpu.memref_squeeze %dma_start3A_587 : memref<1x512x32xf32, #tpu.memory_space<vmem>> -> memref<512x32xf32, #tpu.memory_space<vmem>>
    %dma_start3A_589 = arith.constant 0 : i32
    %dma_start3A_590 = tpu.memref_slice %arg4[%mul3A_558, %select_n3A_582, %dma_start3A_589] : memref<4096x200x32xf32, #tpu.memory_space<hbm>> -> memref<512x1x32xf32, #tpu.memory_space<hbm>>
    %dma_start3A_591 = tpu.memref_squeeze %dma_start3A_590 : memref<512x1x32xf32, #tpu.memory_space<hbm>> -> memref<512x32xf32, #tpu.memory_space<hbm>>
    %dma_start3A_592 = tpu.memref_slice %arg8[%dma_start3A_584] : memref<5x!tpu.dma_semaphore, #tpu.memory_space<semaphore_mem>> -> memref<1x!tpu.dma_semaphore, #tpu.memory_space<semaphore_mem>>
    %dma_start3A_593 = tpu.memref_squeeze %dma_start3A_592 : memref<1x!tpu.dma_semaphore, #tpu.memory_space<semaphore_mem>> -> memref<!tpu.dma_semaphore, #tpu.memory_space<semaphore_mem>>
    %dma_start3A_594 = arith.constant 0 : i32
    %dma_start3A_595 = tpu.memref_slice %arg4[%mul3A_558, %select_n3A_582, %dma_start3A_594] : memref<4096x200x32xf32, #tpu.memory_space<hbm>> -> memref<512x1x32xf32, #tpu.memory_space<hbm>>
    %dma_start3A_596 = tpu.memref_squeeze %dma_start3A_595 : memref<512x1x32xf32, #tpu.memory_space<hbm>> -> memref<512x32xf32, #tpu.memory_space<hbm>>
    %dma_start3A_597 = arith.constant 0 : i32
    %dma_start3A_598 = arith.constant 0 : i32
    %dma_start3A_599 = tpu.memref_slice %arg6[%dma_start3A_583, %dma_start3A_597, %dma_start3A_598] : memref<5x512x32xf32, #tpu.memory_space<vmem>> -> memref<1x512x32xf32, #tpu.memory_space<vmem>>
    %dma_start3A_600 = tpu.memref_squeeze %dma_start3A_599 : memref<1x512x32xf32, #tpu.memory_space<vmem>> -> memref<512x32xf32, #tpu.memory_space<vmem>>
    tpu.enqueue_dma source(%dma_start3A_600 : memref<512x32xf32, #tpu.memory_space<vmem>>) target(%dma_start3A_596 : memref<512x32xf32, #tpu.memory_space<hbm>>) target_semaphore(%dma_start3A_593 : memref<!tpu.dma_semaphore, #tpu.memory_space<semaphore_mem>>)
    %mul3A_601 = arith.constant 50 : i32
    %mul3A_602 = arith.muli %add3A, %mul3A_601 : i32
    %add3A_603 = arith.constant 46 : i32
    %add3A_604 = arith.addi %mul3A_602, %add3A_603 : i32
    %jit3A_605 = arith.constant 8 : i32
    %eq3A_606 = arith.constant 0 : i32
    %eq3A_607 = arith.cmpi eq, %jit3A_605, %eq3A_606 : i32
    %jit3A_608 = arith.constant 1 : i32
    %select_n3A_609 = arith.select %eq3A_607, %jit3A_608, %jit3A_605 : i32
    %rem3A_610 = arith.remsi %add3A_604, %select_n3A_609 : i32
    %ne3A_611 = arith.constant 0 : i32
    %ne3A_612 = arith.cmpi ne, %rem3A_610, %ne3A_611 : i32
    %lt3A_613 = arith.constant 0 : i32
    %lt3A_614 = arith.cmpi slt, %rem3A_610, %lt3A_613 : i32
    %lt3A_615 = arith.constant 0 : i32
    %lt3A_616 = arith.cmpi slt, %select_n3A_609, %lt3A_615 : i32
    %ne3A_617 = arith.xori %lt3A_614, %lt3A_616 : i1
    %and3A_618 = arith.andi %ne3A_617, %ne3A_612 : i1
    %add3A_619 = arith.addi %rem3A_610, %select_n3A_609 : i32
    %select_n3A_620 = arith.select %and3A_618, %add3A_619, %rem3A_610 : i32
    %mul3A_621 = arith.constant 512 : i32
    %mul3A_622 = arith.muli %select_n3A_620, %mul3A_621 : i32
    %jit3A_623 = arith.constant 8 : i32
    %div3A_624 = arith.divsi %add3A_604, %jit3A_623 : i32
    %sign3A_625 = arith.constant 0 : i32
    %sign3A_626 = arith.cmpi sgt, %add3A_604, %sign3A_625 : i32
    %sign3A_627 = arith.extui %sign3A_626 : i1 to i32
    %sign3A_628 = arith.constant 0 : i32
    %sign3A_629 = arith.cmpi slt, %add3A_604, %sign3A_628 : i32
    %sign3A_630 = arith.extui %sign3A_629 : i1 to i32
    %sign3A_631 = arith.subi %sign3A_627, %sign3A_630 : i32
    %sign3A_632 = arith.constant 0 : i32
    %sign3A_633 = arith.cmpi sgt, %jit3A_623, %sign3A_632 : i32
    %sign3A_634 = arith.extui %sign3A_633 : i1 to i32
    %sign3A_635 = arith.constant 0 : i32
    %sign3A_636 = arith.cmpi slt, %jit3A_623, %sign3A_635 : i32
    %sign3A_637 = arith.extui %sign3A_636 : i1 to i32
    %sign3A_638 = arith.subi %sign3A_634, %sign3A_637 : i32
    %ne3A_639 = arith.cmpi ne, %sign3A_631, %sign3A_638 : i32
    %rem3A_640 = arith.remsi %add3A_604, %jit3A_623 : i32
    %ne3A_641 = arith.constant 0 : i32
    %ne3A_642 = arith.cmpi ne, %rem3A_640, %ne3A_641 : i32
    %and3A_643 = arith.andi %ne3A_639, %ne3A_642 : i1
    %sub3A_644 = arith.constant 1 : i32
    %sub3A_645 = arith.subi %div3A_624, %sub3A_644 : i32
    %select_n3A_646 = arith.select %and3A_643, %sub3A_645, %div3A_624 : i32
    %dma_wait3A_647 = arith.constant 1 : i32
    %dma_wait3A_648 = arith.constant 1 : i32
    %dma_wait3A_649 = arith.constant 0 : i32
    %dma_wait3A_650 = arith.constant 0 : i32
    %dma_wait3A_651 = tpu.memref_slice %arg6[%dma_wait3A_647, %dma_wait3A_649, %dma_wait3A_650] : memref<5x512x32xf32, #tpu.memory_space<vmem>> -> memref<1x512x32xf32, #tpu.memory_space<vmem>>
    %dma_wait3A_652 = tpu.memref_squeeze %dma_wait3A_651 : memref<1x512x32xf32, #tpu.memory_space<vmem>> -> memref<512x32xf32, #tpu.memory_space<vmem>>
    %dma_wait3A_653 = arith.constant 0 : i32
    %dma_wait3A_654 = tpu.memref_slice %arg4[%mul3A_622, %select_n3A_646, %dma_wait3A_653] : memref<4096x200x32xf32, #tpu.memory_space<hbm>> -> memref<512x1x32xf32, #tpu.memory_space<hbm>>
    %dma_wait3A_655 = tpu.memref_squeeze %dma_wait3A_654 : memref<512x1x32xf32, #tpu.memory_space<hbm>> -> memref<512x32xf32, #tpu.memory_space<hbm>>
    %dma_wait3A_656 = tpu.memref_slice %arg8[%dma_wait3A_648] : memref<5x!tpu.dma_semaphore, #tpu.memory_space<semaphore_mem>> -> memref<1x!tpu.dma_semaphore, #tpu.memory_space<semaphore_mem>>
    %dma_wait3A_657 = tpu.memref_squeeze %dma_wait3A_656 : memref<1x!tpu.dma_semaphore, #tpu.memory_space<semaphore_mem>> -> memref<!tpu.dma_semaphore, #tpu.memory_space<semaphore_mem>>
    %dma_wait3A_658 = arith.constant 0 : i32
    %dma_wait3A_659 = tpu.memref_slice %arg4[%mul3A_622, %select_n3A_646, %dma_wait3A_658] : memref<4096x200x32xf32, #tpu.memory_space<hbm>> -> memref<512x1x32xf32, #tpu.memory_space<hbm>>
    %dma_wait3A_660 = tpu.memref_squeeze %dma_wait3A_659 : memref<512x1x32xf32, #tpu.memory_space<hbm>> -> memref<512x32xf32, #tpu.memory_space<hbm>>
    %dma_wait3A_661 = arith.constant 0 : i32
    %dma_wait3A_662 = arith.constant 0 : i32
    %dma_wait3A_663 = tpu.memref_slice %arg6[%dma_wait3A_647, %dma_wait3A_661, %dma_wait3A_662] : memref<5x512x32xf32, #tpu.memory_space<vmem>> -> memref<1x512x32xf32, #tpu.memory_space<vmem>>
    %dma_wait3A_664 = tpu.memref_squeeze %dma_wait3A_663 : memref<1x512x32xf32, #tpu.memory_space<vmem>> -> memref<512x32xf32, #tpu.memory_space<vmem>>
    tpu.wait_dma2 semaphore(%dma_wait3A_657 : memref<!tpu.dma_semaphore, #tpu.memory_space<semaphore_mem>>) src(%dma_wait3A_664 : memref<512x32xf32, #tpu.memory_space<vmem>>) dst(%dma_wait3A_660 : memref<512x32xf32, #tpu.memory_space<hbm>>)
    %add3A_665 = arith.constant 24064 : i32
    %add3A_666 = arith.addi %sub3A_23, %add3A_665 : i32
    %jit3A_667 = arith.constant 4096 : i32
    %div3A_668 = arith.divsi %add3A_666, %jit3A_667 : i32
    %sign3A_669 = arith.constant 0 : i32
    %sign3A_670 = arith.cmpi sgt, %add3A_666, %sign3A_669 : i32
    %sign3A_671 = arith.extui %sign3A_670 : i1 to i32
    %sign3A_672 = arith.constant 0 : i32
    %sign3A_673 = arith.cmpi slt, %add3A_666, %sign3A_672 : i32
    %sign3A_674 = arith.extui %sign3A_673 : i1 to i32
    %sign3A_675 = arith.subi %sign3A_671, %sign3A_674 : i32
    %sign3A_676 = arith.constant 0 : i32
    %sign3A_677 = arith.cmpi sgt, %jit3A_667, %sign3A_676 : i32
    %sign3A_678 = arith.extui %sign3A_677 : i1 to i32
    %sign3A_679 = arith.constant 0 : i32
    %sign3A_680 = arith.cmpi slt, %jit3A_667, %sign3A_679 : i32
    %sign3A_681 = arith.extui %sign3A_680 : i1 to i32
    %sign3A_682 = arith.subi %sign3A_678, %sign3A_681 : i32
    %ne3A_683 = arith.cmpi ne, %sign3A_675, %sign3A_682 : i32
    %rem3A_684 = arith.remsi %add3A_666, %jit3A_667 : i32
    %ne3A_685 = arith.constant 0 : i32
    %ne3A_686 = arith.cmpi ne, %rem3A_684, %ne3A_685 : i32
    %and3A_687 = arith.andi %ne3A_683, %ne3A_686 : i1
    %sub3A_688 = arith.constant 1 : i32
    %sub3A_689 = arith.subi %div3A_668, %sub3A_688 : i32
    %select_n3A_690 = arith.select %and3A_687, %sub3A_689, %div3A_668 : i32
    %jit3A_691 = arith.constant 4096 : i32
    %eq3A_692 = arith.constant 0 : i32
    %eq3A_693 = arith.cmpi eq, %jit3A_691, %eq3A_692 : i32
    %jit3A_694 = arith.constant 1 : i32
    %select_n3A_695 = arith.select %eq3A_693, %jit3A_694, %jit3A_691 : i32
    %rem3A_696 = arith.remsi %add3A_666, %select_n3A_695 : i32
    %ne3A_697 = arith.constant 0 : i32
    %ne3A_698 = arith.cmpi ne, %rem3A_696, %ne3A_697 : i32
    %lt3A_699 = arith.constant 0 : i32
    %lt3A_700 = arith.cmpi slt, %rem3A_696, %lt3A_699 : i32
    %lt3A_701 = arith.constant 0 : i32
    %lt3A_702 = arith.cmpi slt, %select_n3A_695, %lt3A_701 : i32
    %ne3A_703 = arith.xori %lt3A_700, %lt3A_702 : i1
    %and3A_704 = arith.andi %ne3A_703, %ne3A_698 : i1
    %add3A_705 = arith.addi %rem3A_696, %select_n3A_695 : i32
    %select_n3A_706 = arith.select %and3A_704, %add3A_705, %rem3A_696 : i32
    %dma_wait3A_707 = arith.constant 2 : i32
    %dma_wait3A_708 = arith.constant 2 : i32
    %dma_wait3A_709 = arith.constant 0 : i32
    %dma_wait3A_710 = arith.constant 0 : i32
    %dma_wait3A_711 = tpu.memref_slice %arg6[%dma_wait3A_707, %dma_wait3A_709, %dma_wait3A_710] : memref<5x512x32xf32, #tpu.memory_space<vmem>> -> memref<1x512x32xf32, #tpu.memory_space<vmem>>
    %dma_wait3A_712 = tpu.memref_squeeze %dma_wait3A_711 : memref<1x512x32xf32, #tpu.memory_space<vmem>> -> memref<512x32xf32, #tpu.memory_space<vmem>>
    %dma_wait3A_713 = tpu.memref_slice %arg5[%select_n3A_690, %select_n3A_706] : memref<7x4096xi32, #tpu.memory_space<vmem>> -> memref<1x512xi32, #tpu.memory_space<vmem>>
    %dma_wait3A_714 = tpu.memref_squeeze %dma_wait3A_713 : memref<1x512xi32, #tpu.memory_space<vmem>> -> memref<512xi32, #tpu.memory_space<vmem>>
    %dma_wait3A_715 = arith.constant 0 : i32
    %dma_wait3A_716 = arith.constant 0 : i32
    %dma_wait3A_717 = tpu.memref_slice %arg3[%dma_wait3A_715, %dma_wait3A_716] : memref<1000000x32xf32, #tpu.memory_space<hbm>> -> memref<1000000x32xf32, #tpu.memory_space<hbm>>
    %dma_wait3A_718 = tpu.memref_slice %arg7[%dma_wait3A_708] : memref<5x!tpu.dma_semaphore, #tpu.memory_space<semaphore_mem>> -> memref<1x!tpu.dma_semaphore, #tpu.memory_space<semaphore_mem>>
    %dma_wait3A_719 = tpu.memref_squeeze %dma_wait3A_718 : memref<1x!tpu.dma_semaphore, #tpu.memory_space<semaphore_mem>> -> memref<!tpu.dma_semaphore, #tpu.memory_space<semaphore_mem>>
    tpu.wait_indirect_dma semaphore(%dma_wait3A_719 : memref<!tpu.dma_semaphore, #tpu.memory_space<semaphore_mem>>) src(%dma_wait3A_717 : memref<1000000x32xf32, #tpu.memory_space<hbm>>) dst(%dma_wait3A_712 : memref<512x32xf32, #tpu.memory_space<vmem>>)
    %mul3A_720 = arith.constant 50 : i32
    %mul3A_721 = arith.muli %add3A, %mul3A_720 : i32
    %add3A_722 = arith.constant 47 : i32
    %add3A_723 = arith.addi %mul3A_721, %add3A_722 : i32
    %jit3A_724 = arith.constant 8 : i32
    %eq3A_725 = arith.constant 0 : i32
    %eq3A_726 = arith.cmpi eq, %jit3A_724, %eq3A_725 : i32
    %jit3A_727 = arith.constant 1 : i32
    %select_n3A_728 = arith.select %eq3A_726, %jit3A_727, %jit3A_724 : i32
    %rem3A_729 = arith.remsi %add3A_723, %select_n3A_728 : i32
    %ne3A_730 = arith.constant 0 : i32
    %ne3A_731 = arith.cmpi ne, %rem3A_729, %ne3A_730 : i32
    %lt3A_732 = arith.constant 0 : i32
    %lt3A_733 = arith.cmpi slt, %rem3A_729, %lt3A_732 : i32
    %lt3A_734 = arith.constant 0 : i32
    %lt3A_735 = arith.cmpi slt, %select_n3A_728, %lt3A_734 : i32
    %ne3A_736 = arith.xori %lt3A_733, %lt3A_735 : i1
    %and3A_737 = arith.andi %ne3A_736, %ne3A_731 : i1
    %add3A_738 = arith.addi %rem3A_729, %select_n3A_728 : i32
    %select_n3A_739 = arith.select %and3A_737, %add3A_738, %rem3A_729 : i32
    %mul3A_740 = arith.constant 512 : i32
    %mul3A_741 = arith.muli %select_n3A_739, %mul3A_740 : i32
    %jit3A_742 = arith.constant 8 : i32
    %div3A_743 = arith.divsi %add3A_723, %jit3A_742 : i32
    %sign3A_744 = arith.constant 0 : i32
    %sign3A_745 = arith.cmpi sgt, %add3A_723, %sign3A_744 : i32
    %sign3A_746 = arith.extui %sign3A_745 : i1 to i32
    %sign3A_747 = arith.constant 0 : i32
    %sign3A_748 = arith.cmpi slt, %add3A_723, %sign3A_747 : i32
    %sign3A_749 = arith.extui %sign3A_748 : i1 to i32
    %sign3A_750 = arith.subi %sign3A_746, %sign3A_749 : i32
    %sign3A_751 = arith.constant 0 : i32
    %sign3A_752 = arith.cmpi sgt, %jit3A_742, %sign3A_751 : i32
    %sign3A_753 = arith.extui %sign3A_752 : i1 to i32
    %sign3A_754 = arith.constant 0 : i32
    %sign3A_755 = arith.cmpi slt, %jit3A_742, %sign3A_754 : i32
    %sign3A_756 = arith.extui %sign3A_755 : i1 to i32
    %sign3A_757 = arith.subi %sign3A_753, %sign3A_756 : i32
    %ne3A_758 = arith.cmpi ne, %sign3A_750, %sign3A_757 : i32
    %rem3A_759 = arith.remsi %add3A_723, %jit3A_742 : i32
    %ne3A_760 = arith.constant 0 : i32
    %ne3A_761 = arith.cmpi ne, %rem3A_759, %ne3A_760 : i32
    %and3A_762 = arith.andi %ne3A_758, %ne3A_761 : i1
    %sub3A_763 = arith.constant 1 : i32
    %sub3A_764 = arith.subi %div3A_743, %sub3A_763 : i32
    %select_n3A_765 = arith.select %and3A_762, %sub3A_764, %div3A_743 : i32
    %dma_start3A_766 = arith.constant 2 : i32
    %dma_start3A_767 = arith.constant 2 : i32
    %dma_start3A_768 = arith.constant 0 : i32
    %dma_start3A_769 = arith.constant 0 : i32
    %dma_start3A_770 = tpu.memref_slice %arg6[%dma_start3A_766, %dma_start3A_768, %dma_start3A_769] : memref<5x512x32xf32, #tpu.memory_space<vmem>> -> memref<1x512x32xf32, #tpu.memory_space<vmem>>
    %dma_start3A_771 = tpu.memref_squeeze %dma_start3A_770 : memref<1x512x32xf32, #tpu.memory_space<vmem>> -> memref<512x32xf32, #tpu.memory_space<vmem>>
    %dma_start3A_772 = arith.constant 0 : i32
    %dma_start3A_773 = tpu.memref_slice %arg4[%mul3A_741, %select_n3A_765, %dma_start3A_772] : memref<4096x200x32xf32, #tpu.memory_space<hbm>> -> memref<512x1x32xf32, #tpu.memory_space<hbm>>
    %dma_start3A_774 = tpu.memref_squeeze %dma_start3A_773 : memref<512x1x32xf32, #tpu.memory_space<hbm>> -> memref<512x32xf32, #tpu.memory_space<hbm>>
    %dma_start3A_775 = tpu.memref_slice %arg8[%dma_start3A_767] : memref<5x!tpu.dma_semaphore, #tpu.memory_space<semaphore_mem>> -> memref<1x!tpu.dma_semaphore, #tpu.memory_space<semaphore_mem>>
    %dma_start3A_776 = tpu.memref_squeeze %dma_start3A_775 : memref<1x!tpu.dma_semaphore, #tpu.memory_space<semaphore_mem>> -> memref<!tpu.dma_semaphore, #tpu.memory_space<semaphore_mem>>
    %dma_start3A_777 = arith.constant 0 : i32
    %dma_start3A_778 = tpu.memref_slice %arg4[%mul3A_741, %select_n3A_765, %dma_start3A_777] : memref<4096x200x32xf32, #tpu.memory_space<hbm>> -> memref<512x1x32xf32, #tpu.memory_space<hbm>>
    %dma_start3A_779 = tpu.memref_squeeze %dma_start3A_778 : memref<512x1x32xf32, #tpu.memory_space<hbm>> -> memref<512x32xf32, #tpu.memory_space<hbm>>
    %dma_start3A_780 = arith.constant 0 : i32
    %dma_start3A_781 = arith.constant 0 : i32
    %dma_start3A_782 = tpu.memref_slice %arg6[%dma_start3A_766, %dma_start3A_780, %dma_start3A_781] : memref<5x512x32xf32, #tpu.memory_space<vmem>> -> memref<1x512x32xf32, #tpu.memory_space<vmem>>
    %dma_start3A_783 = tpu.memref_squeeze %dma_start3A_782 : memref<1x512x32xf32, #tpu.memory_space<vmem>> -> memref<512x32xf32, #tpu.memory_space<vmem>>
    tpu.enqueue_dma source(%dma_start3A_783 : memref<512x32xf32, #tpu.memory_space<vmem>>) target(%dma_start3A_779 : memref<512x32xf32, #tpu.memory_space<hbm>>) target_semaphore(%dma_start3A_776 : memref<!tpu.dma_semaphore, #tpu.memory_space<semaphore_mem>>)
    %mul3A_784 = arith.constant 50 : i32
    %mul3A_785 = arith.muli %add3A, %mul3A_784 : i32
    %add3A_786 = arith.constant 47 : i32
    %add3A_787 = arith.addi %mul3A_785, %add3A_786 : i32
    %jit3A_788 = arith.constant 8 : i32
    %eq3A_789 = arith.constant 0 : i32
    %eq3A_790 = arith.cmpi eq, %jit3A_788, %eq3A_789 : i32
    %jit3A_791 = arith.constant 1 : i32
    %select_n3A_792 = arith.select %eq3A_790, %jit3A_791, %jit3A_788 : i32
    %rem3A_793 = arith.remsi %add3A_787, %select_n3A_792 : i32
    %ne3A_794 = arith.constant 0 : i32
    %ne3A_795 = arith.cmpi ne, %rem3A_793, %ne3A_794 : i32
    %lt3A_796 = arith.constant 0 : i32
    %lt3A_797 = arith.cmpi slt, %rem3A_793, %lt3A_796 : i32
    %lt3A_798 = arith.constant 0 : i32
    %lt3A_799 = arith.cmpi slt, %select_n3A_792, %lt3A_798 : i32
    %ne3A_800 = arith.xori %lt3A_797, %lt3A_799 : i1
    %and3A_801 = arith.andi %ne3A_800, %ne3A_795 : i1
    %add3A_802 = arith.addi %rem3A_793, %select_n3A_792 : i32
    %select_n3A_803 = arith.select %and3A_801, %add3A_802, %rem3A_793 : i32
    %mul3A_804 = arith.constant 512 : i32
    %mul3A_805 = arith.muli %select_n3A_803, %mul3A_804 : i32
    %jit3A_806 = arith.constant 8 : i32
    %div3A_807 = arith.divsi %add3A_787, %jit3A_806 : i32
    %sign3A_808 = arith.constant 0 : i32
    %sign3A_809 = arith.cmpi sgt, %add3A_787, %sign3A_808 : i32
    %sign3A_810 = arith.extui %sign3A_809 : i1 to i32
    %sign3A_811 = arith.constant 0 : i32
    %sign3A_812 = arith.cmpi slt, %add3A_787, %sign3A_811 : i32
    %sign3A_813 = arith.extui %sign3A_812 : i1 to i32
    %sign3A_814 = arith.subi %sign3A_810, %sign3A_813 : i32
    %sign3A_815 = arith.constant 0 : i32
    %sign3A_816 = arith.cmpi sgt, %jit3A_806, %sign3A_815 : i32
    %sign3A_817 = arith.extui %sign3A_816 : i1 to i32
    %sign3A_818 = arith.constant 0 : i32
    %sign3A_819 = arith.cmpi slt, %jit3A_806, %sign3A_818 : i32
    %sign3A_820 = arith.extui %sign3A_819 : i1 to i32
    %sign3A_821 = arith.subi %sign3A_817, %sign3A_820 : i32
    %ne3A_822 = arith.cmpi ne, %sign3A_814, %sign3A_821 : i32
    %rem3A_823 = arith.remsi %add3A_787, %jit3A_806 : i32
    %ne3A_824 = arith.constant 0 : i32
    %ne3A_825 = arith.cmpi ne, %rem3A_823, %ne3A_824 : i32
    %and3A_826 = arith.andi %ne3A_822, %ne3A_825 : i1
    %sub3A_827 = arith.constant 1 : i32
    %sub3A_828 = arith.subi %div3A_807, %sub3A_827 : i32
    %select_n3A_829 = arith.select %and3A_826, %sub3A_828, %div3A_807 : i32
    %dma_wait3A_830 = arith.constant 2 : i32
    %dma_wait3A_831 = arith.constant 2 : i32
    %dma_wait3A_832 = arith.constant 0 : i32
    %dma_wait3A_833 = arith.constant 0 : i32
    %dma_wait3A_834 = tpu.memref_slice %arg6[%dma_wait3A_830, %dma_wait3A_832, %dma_wait3A_833] : memref<5x512x32xf32, #tpu.memory_space<vmem>> -> memref<1x512x32xf32, #tpu.memory_space<vmem>>
    %dma_wait3A_835 = tpu.memref_squeeze %dma_wait3A_834 : memref<1x512x32xf32, #tpu.memory_space<vmem>> -> memref<512x32xf32, #tpu.memory_space<vmem>>
    %dma_wait3A_836 = arith.constant 0 : i32
    %dma_wait3A_837 = tpu.memref_slice %arg4[%mul3A_805, %select_n3A_829, %dma_wait3A_836] : memref<4096x200x32xf32, #tpu.memory_space<hbm>> -> memref<512x1x32xf32, #tpu.memory_space<hbm>>
    %dma_wait3A_838 = tpu.memref_squeeze %dma_wait3A_837 : memref<512x1x32xf32, #tpu.memory_space<hbm>> -> memref<512x32xf32, #tpu.memory_space<hbm>>
    %dma_wait3A_839 = tpu.memref_slice %arg8[%dma_wait3A_831] : memref<5x!tpu.dma_semaphore, #tpu.memory_space<semaphore_mem>> -> memref<1x!tpu.dma_semaphore, #tpu.memory_space<semaphore_mem>>
    %dma_wait3A_840 = tpu.memref_squeeze %dma_wait3A_839 : memref<1x!tpu.dma_semaphore, #tpu.memory_space<semaphore_mem>> -> memref<!tpu.dma_semaphore, #tpu.memory_space<semaphore_mem>>
    %dma_wait3A_841 = arith.constant 0 : i32
    %dma_wait3A_842 = tpu.memref_slice %arg4[%mul3A_805, %select_n3A_829, %dma_wait3A_841] : memref<4096x200x32xf32, #tpu.memory_space<hbm>> -> memref<512x1x32xf32, #tpu.memory_space<hbm>>
    %dma_wait3A_843 = tpu.memref_squeeze %dma_wait3A_842 : memref<512x1x32xf32, #tpu.memory_space<hbm>> -> memref<512x32xf32, #tpu.memory_space<hbm>>
    %dma_wait3A_844 = arith.constant 0 : i32
    %dma_wait3A_845 = arith.constant 0 : i32
    %dma_wait3A_846 = tpu.memref_slice %arg6[%dma_wait3A_830, %dma_wait3A_844, %dma_wait3A_845] : memref<5x512x32xf32, #tpu.memory_space<vmem>> -> memref<1x512x32xf32, #tpu.memory_space<vmem>>
    %dma_wait3A_847 = tpu.memref_squeeze %dma_wait3A_846 : memref<1x512x32xf32, #tpu.memory_space<vmem>> -> memref<512x32xf32, #tpu.memory_space<vmem>>
    tpu.wait_dma2 semaphore(%dma_wait3A_840 : memref<!tpu.dma_semaphore, #tpu.memory_space<semaphore_mem>>) src(%dma_wait3A_847 : memref<512x32xf32, #tpu.memory_space<vmem>>) dst(%dma_wait3A_843 : memref<512x32xf32, #tpu.memory_space<hbm>>)
    %add3A_848 = arith.constant 24576 : i32
    %add3A_849 = arith.addi %sub3A_23, %add3A_848 : i32
    %jit3A_850 = arith.constant 4096 : i32
    %div3A_851 = arith.divsi %add3A_849, %jit3A_850 : i32
    %sign3A_852 = arith.constant 0 : i32
    %sign3A_853 = arith.cmpi sgt, %add3A_849, %sign3A_852 : i32
    %sign3A_854 = arith.extui %sign3A_853 : i1 to i32
    %sign3A_855 = arith.constant 0 : i32
    %sign3A_856 = arith.cmpi slt, %add3A_849, %sign3A_855 : i32
    %sign3A_857 = arith.extui %sign3A_856 : i1 to i32
    %sign3A_858 = arith.subi %sign3A_854, %sign3A_857 : i32
    %sign3A_859 = arith.constant 0 : i32
    %sign3A_860 = arith.cmpi sgt, %jit3A_850, %sign3A_859 : i32
    %sign3A_861 = arith.extui %sign3A_860 : i1 to i32
    %sign3A_862 = arith.constant 0 : i32
    %sign3A_863 = arith.cmpi slt, %jit3A_850, %sign3A_862 : i32
    %sign3A_864 = arith.extui %sign3A_863 : i1 to i32
    %sign3A_865 = arith.subi %sign3A_861, %sign3A_864 : i32
    %ne3A_866 = arith.cmpi ne, %sign3A_858, %sign3A_865 : i32
    %rem3A_867 = arith.remsi %add3A_849, %jit3A_850 : i32
    %ne3A_868 = arith.constant 0 : i32
    %ne3A_869 = arith.cmpi ne, %rem3A_867, %ne3A_868 : i32
    %and3A_870 = arith.andi %ne3A_866, %ne3A_869 : i1
    %sub3A_871 = arith.constant 1 : i32
    %sub3A_872 = arith.subi %div3A_851, %sub3A_871 : i32
    %select_n3A_873 = arith.select %and3A_870, %sub3A_872, %div3A_851 : i32
    %jit3A_874 = arith.constant 4096 : i32
    %eq3A_875 = arith.constant 0 : i32
    %eq3A_876 = arith.cmpi eq, %jit3A_874, %eq3A_875 : i32
    %jit3A_877 = arith.constant 1 : i32
    %select_n3A_878 = arith.select %eq3A_876, %jit3A_877, %jit3A_874 : i32
    %rem3A_879 = arith.remsi %add3A_849, %select_n3A_878 : i32
    %ne3A_880 = arith.constant 0 : i32
    %ne3A_881 = arith.cmpi ne, %rem3A_879, %ne3A_880 : i32
    %lt3A_882 = arith.constant 0 : i32
    %lt3A_883 = arith.cmpi slt, %rem3A_879, %lt3A_882 : i32
    %lt3A_884 = arith.constant 0 : i32
    %lt3A_885 = arith.cmpi slt, %select_n3A_878, %lt3A_884 : i32
    %ne3A_886 = arith.xori %lt3A_883, %lt3A_885 : i1
    %and3A_887 = arith.andi %ne3A_886, %ne3A_881 : i1
    %add3A_888 = arith.addi %rem3A_879, %select_n3A_878 : i32
    %select_n3A_889 = arith.select %and3A_887, %add3A_888, %rem3A_879 : i32
    %dma_wait3A_890 = arith.constant 3 : i32
    %dma_wait3A_891 = arith.constant 3 : i32
    %dma_wait3A_892 = arith.constant 0 : i32
    %dma_wait3A_893 = arith.constant 0 : i32
    %dma_wait3A_894 = tpu.memref_slice %arg6[%dma_wait3A_890, %dma_wait3A_892, %dma_wait3A_893] : memref<5x512x32xf32, #tpu.memory_space<vmem>> -> memref<1x512x32xf32, #tpu.memory_space<vmem>>
    %dma_wait3A_895 = tpu.memref_squeeze %dma_wait3A_894 : memref<1x512x32xf32, #tpu.memory_space<vmem>> -> memref<512x32xf32, #tpu.memory_space<vmem>>
    %dma_wait3A_896 = tpu.memref_slice %arg5[%select_n3A_873, %select_n3A_889] : memref<7x4096xi32, #tpu.memory_space<vmem>> -> memref<1x512xi32, #tpu.memory_space<vmem>>
    %dma_wait3A_897 = tpu.memref_squeeze %dma_wait3A_896 : memref<1x512xi32, #tpu.memory_space<vmem>> -> memref<512xi32, #tpu.memory_space<vmem>>
    %dma_wait3A_898 = arith.constant 0 : i32
    %dma_wait3A_899 = arith.constant 0 : i32
    %dma_wait3A_900 = tpu.memref_slice %arg3[%dma_wait3A_898, %dma_wait3A_899] : memref<1000000x32xf32, #tpu.memory_space<hbm>> -> memref<1000000x32xf32, #tpu.memory_space<hbm>>
    %dma_wait3A_901 = tpu.memref_slice %arg7[%dma_wait3A_891] : memref<5x!tpu.dma_semaphore, #tpu.memory_space<semaphore_mem>> -> memref<1x!tpu.dma_semaphore, #tpu.memory_space<semaphore_mem>>
    %dma_wait3A_902 = tpu.memref_squeeze %dma_wait3A_901 : memref<1x!tpu.dma_semaphore, #tpu.memory_space<semaphore_mem>> -> memref<!tpu.dma_semaphore, #tpu.memory_space<semaphore_mem>>
    tpu.wait_indirect_dma semaphore(%dma_wait3A_902 : memref<!tpu.dma_semaphore, #tpu.memory_space<semaphore_mem>>) src(%dma_wait3A_900 : memref<1000000x32xf32, #tpu.memory_space<hbm>>) dst(%dma_wait3A_895 : memref<512x32xf32, #tpu.memory_space<vmem>>)
    %mul3A_903 = arith.constant 50 : i32
    %mul3A_904 = arith.muli %add3A, %mul3A_903 : i32
    %add3A_905 = arith.constant 48 : i32
    %add3A_906 = arith.addi %mul3A_904, %add3A_905 : i32
    %jit3A_907 = arith.constant 8 : i32
    %eq3A_908 = arith.constant 0 : i32
    %eq3A_909 = arith.cmpi eq, %jit3A_907, %eq3A_908 : i32
    %jit3A_910 = arith.constant 1 : i32
    %select_n3A_911 = arith.select %eq3A_909, %jit3A_910, %jit3A_907 : i32
    %rem3A_912 = arith.remsi %add3A_906, %select_n3A_911 : i32
    %ne3A_913 = arith.constant 0 : i32
    %ne3A_914 = arith.cmpi ne, %rem3A_912, %ne3A_913 : i32
    %lt3A_915 = arith.constant 0 : i32
    %lt3A_916 = arith.cmpi slt, %rem3A_912, %lt3A_915 : i32
    %lt3A_917 = arith.constant 0 : i32
    %lt3A_918 = arith.cmpi slt, %select_n3A_911, %lt3A_917 : i32
    %ne3A_919 = arith.xori %lt3A_916, %lt3A_918 : i1
    %and3A_920 = arith.andi %ne3A_919, %ne3A_914 : i1
    %add3A_921 = arith.addi %rem3A_912, %select_n3A_911 : i32
    %select_n3A_922 = arith.select %and3A_920, %add3A_921, %rem3A_912 : i32
    %mul3A_923 = arith.constant 512 : i32
    %mul3A_924 = arith.muli %select_n3A_922, %mul3A_923 : i32
    %jit3A_925 = arith.constant 8 : i32
    %div3A_926 = arith.divsi %add3A_906, %jit3A_925 : i32
    %sign3A_927 = arith.constant 0 : i32
    %sign3A_928 = arith.cmpi sgt, %add3A_906, %sign3A_927 : i32
    %sign3A_929 = arith.extui %sign3A_928 : i1 to i32
    %sign3A_930 = arith.constant 0 : i32
    %sign3A_931 = arith.cmpi slt, %add3A_906, %sign3A_930 : i32
    %sign3A_932 = arith.extui %sign3A_931 : i1 to i32
    %sign3A_933 = arith.subi %sign3A_929, %sign3A_932 : i32
    %sign3A_934 = arith.constant 0 : i32
    %sign3A_935 = arith.cmpi sgt, %jit3A_925, %sign3A_934 : i32
    %sign3A_936 = arith.extui %sign3A_935 : i1 to i32
    %sign3A_937 = arith.constant 0 : i32
    %sign3A_938 = arith.cmpi slt, %jit3A_925, %sign3A_937 : i32
    %sign3A_939 = arith.extui %sign3A_938 : i1 to i32
    %sign3A_940 = arith.subi %sign3A_936, %sign3A_939 : i32
    %ne3A_941 = arith.cmpi ne, %sign3A_933, %sign3A_940 : i32
    %rem3A_942 = arith.remsi %add3A_906, %jit3A_925 : i32
    %ne3A_943 = arith.constant 0 : i32
    %ne3A_944 = arith.cmpi ne, %rem3A_942, %ne3A_943 : i32
    %and3A_945 = arith.andi %ne3A_941, %ne3A_944 : i1
    %sub3A_946 = arith.constant 1 : i32
    %sub3A_947 = arith.subi %div3A_926, %sub3A_946 : i32
    %select_n3A_948 = arith.select %and3A_945, %sub3A_947, %div3A_926 : i32
    %dma_start3A_949 = arith.constant 3 : i32
    %dma_start3A_950 = arith.constant 3 : i32
    %dma_start3A_951 = arith.constant 0 : i32
    %dma_start3A_952 = arith.constant 0 : i32
    %dma_start3A_953 = tpu.memref_slice %arg6[%dma_start3A_949, %dma_start3A_951, %dma_start3A_952] : memref<5x512x32xf32, #tpu.memory_space<vmem>> -> memref<1x512x32xf32, #tpu.memory_space<vmem>>
    %dma_start3A_954 = tpu.memref_squeeze %dma_start3A_953 : memref<1x512x32xf32, #tpu.memory_space<vmem>> -> memref<512x32xf32, #tpu.memory_space<vmem>>
    %dma_start3A_955 = arith.constant 0 : i32
    %dma_start3A_956 = tpu.memref_slice %arg4[%mul3A_924, %select_n3A_948, %dma_start3A_955] : memref<4096x200x32xf32, #tpu.memory_space<hbm>> -> memref<512x1x32xf32, #tpu.memory_space<hbm>>
    %dma_start3A_957 = tpu.memref_squeeze %dma_start3A_956 : memref<512x1x32xf32, #tpu.memory_space<hbm>> -> memref<512x32xf32, #tpu.memory_space<hbm>>
    %dma_start3A_958 = tpu.memref_slice %arg8[%dma_start3A_950] : memref<5x!tpu.dma_semaphore, #tpu.memory_space<semaphore_mem>> -> memref<1x!tpu.dma_semaphore, #tpu.memory_space<semaphore_mem>>
    %dma_start3A_959 = tpu.memref_squeeze %dma_start3A_958 : memref<1x!tpu.dma_semaphore, #tpu.memory_space<semaphore_mem>> -> memref<!tpu.dma_semaphore, #tpu.memory_space<semaphore_mem>>
    %dma_start3A_960 = arith.constant 0 : i32
    %dma_start3A_961 = tpu.memref_slice %arg4[%mul3A_924, %select_n3A_948, %dma_start3A_960] : memref<4096x200x32xf32, #tpu.memory_space<hbm>> -> memref<512x1x32xf32, #tpu.memory_space<hbm>>
    %dma_start3A_962 = tpu.memref_squeeze %dma_start3A_961 : memref<512x1x32xf32, #tpu.memory_space<hbm>> -> memref<512x32xf32, #tpu.memory_space<hbm>>
    %dma_start3A_963 = arith.constant 0 : i32
    %dma_start3A_964 = arith.constant 0 : i32
    %dma_start3A_965 = tpu.memref_slice %arg6[%dma_start3A_949, %dma_start3A_963, %dma_start3A_964] : memref<5x512x32xf32, #tpu.memory_space<vmem>> -> memref<1x512x32xf32, #tpu.memory_space<vmem>>
    %dma_start3A_966 = tpu.memref_squeeze %dma_start3A_965 : memref<1x512x32xf32, #tpu.memory_space<vmem>> -> memref<512x32xf32, #tpu.memory_space<vmem>>
    tpu.enqueue_dma source(%dma_start3A_966 : memref<512x32xf32, #tpu.memory_space<vmem>>) target(%dma_start3A_962 : memref<512x32xf32, #tpu.memory_space<hbm>>) target_semaphore(%dma_start3A_959 : memref<!tpu.dma_semaphore, #tpu.memory_space<semaphore_mem>>)
    %mul3A_967 = arith.constant 50 : i32
    %mul3A_968 = arith.muli %add3A, %mul3A_967 : i32
    %add3A_969 = arith.constant 48 : i32
    %add3A_970 = arith.addi %mul3A_968, %add3A_969 : i32
    %jit3A_971 = arith.constant 8 : i32
    %eq3A_972 = arith.constant 0 : i32
    %eq3A_973 = arith.cmpi eq, %jit3A_971, %eq3A_972 : i32
    %jit3A_974 = arith.constant 1 : i32
    %select_n3A_975 = arith.select %eq3A_973, %jit3A_974, %jit3A_971 : i32
    %rem3A_976 = arith.remsi %add3A_970, %select_n3A_975 : i32
    %ne3A_977 = arith.constant 0 : i32
    %ne3A_978 = arith.cmpi ne, %rem3A_976, %ne3A_977 : i32
    %lt3A_979 = arith.constant 0 : i32
    %lt3A_980 = arith.cmpi slt, %rem3A_976, %lt3A_979 : i32
    %lt3A_981 = arith.constant 0 : i32
    %lt3A_982 = arith.cmpi slt, %select_n3A_975, %lt3A_981 : i32
    %ne3A_983 = arith.xori %lt3A_980, %lt3A_982 : i1
    %and3A_984 = arith.andi %ne3A_983, %ne3A_978 : i1
    %add3A_985 = arith.addi %rem3A_976, %select_n3A_975 : i32
    %select_n3A_986 = arith.select %and3A_984, %add3A_985, %rem3A_976 : i32
    %mul3A_987 = arith.constant 512 : i32
    %mul3A_988 = arith.muli %select_n3A_986, %mul3A_987 : i32
    %jit3A_989 = arith.constant 8 : i32
    %div3A_990 = arith.divsi %add3A_970, %jit3A_989 : i32
    %sign3A_991 = arith.constant 0 : i32
    %sign3A_992 = arith.cmpi sgt, %add3A_970, %sign3A_991 : i32
    %sign3A_993 = arith.extui %sign3A_992 : i1 to i32
    %sign3A_994 = arith.constant 0 : i32
    %sign3A_995 = arith.cmpi slt, %add3A_970, %sign3A_994 : i32
    %sign3A_996 = arith.extui %sign3A_995 : i1 to i32
    %sign3A_997 = arith.subi %sign3A_993, %sign3A_996 : i32
    %sign3A_998 = arith.constant 0 : i32
    %sign3A_999 = arith.cmpi sgt, %jit3A_989, %sign3A_998 : i32
    %sign3A_1000 = arith.extui %sign3A_999 : i1 to i32
    %sign3A_1001 = arith.constant 0 : i32
    %sign3A_1002 = arith.cmpi slt, %jit3A_989, %sign3A_1001 : i32
    %sign3A_1003 = arith.extui %sign3A_1002 : i1 to i32
    %sign3A_1004 = arith.subi %sign3A_1000, %sign3A_1003 : i32
    %ne3A_1005 = arith.cmpi ne, %sign3A_997, %sign3A_1004 : i32
    %rem3A_1006 = arith.remsi %add3A_970, %jit3A_989 : i32
    %ne3A_1007 = arith.constant 0 : i32
    %ne3A_1008 = arith.cmpi ne, %rem3A_1006, %ne3A_1007 : i32
    %and3A_1009 = arith.andi %ne3A_1005, %ne3A_1008 : i1
    %sub3A_1010 = arith.constant 1 : i32
    %sub3A_1011 = arith.subi %div3A_990, %sub3A_1010 : i32
    %select_n3A_1012 = arith.select %and3A_1009, %sub3A_1011, %div3A_990 : i32
    %dma_wait3A_1013 = arith.constant 3 : i32
    %dma_wait3A_1014 = arith.constant 3 : i32
    %dma_wait3A_1015 = arith.constant 0 : i32
    %dma_wait3A_1016 = arith.constant 0 : i32
    %dma_wait3A_1017 = tpu.memref_slice %arg6[%dma_wait3A_1013, %dma_wait3A_1015, %dma_wait3A_1016] : memref<5x512x32xf32, #tpu.memory_space<vmem>> -> memref<1x512x32xf32, #tpu.memory_space<vmem>>
    %dma_wait3A_1018 = tpu.memref_squeeze %dma_wait3A_1017 : memref<1x512x32xf32, #tpu.memory_space<vmem>> -> memref<512x32xf32, #tpu.memory_space<vmem>>
    %dma_wait3A_1019 = arith.constant 0 : i32
    %dma_wait3A_1020 = tpu.memref_slice %arg4[%mul3A_988, %select_n3A_1012, %dma_wait3A_1019] : memref<4096x200x32xf32, #tpu.memory_space<hbm>> -> memref<512x1x32xf32, #tpu.memory_space<hbm>>
    %dma_wait3A_1021 = tpu.memref_squeeze %dma_wait3A_1020 : memref<512x1x32xf32, #tpu.memory_space<hbm>> -> memref<512x32xf32, #tpu.memory_space<hbm>>
    %dma_wait3A_1022 = tpu.memref_slice %arg8[%dma_wait3A_1014] : memref<5x!tpu.dma_semaphore, #tpu.memory_space<semaphore_mem>> -> memref<1x!tpu.dma_semaphore, #tpu.memory_space<semaphore_mem>>
    %dma_wait3A_1023 = tpu.memref_squeeze %dma_wait3A_1022 : memref<1x!tpu.dma_semaphore, #tpu.memory_space<semaphore_mem>> -> memref<!tpu.dma_semaphore, #tpu.memory_space<semaphore_mem>>
    %dma_wait3A_1024 = arith.constant 0 : i32
    %dma_wait3A_1025 = tpu.memref_slice %arg4[%mul3A_988, %select_n3A_1012, %dma_wait3A_1024] : memref<4096x200x32xf32, #tpu.memory_space<hbm>> -> memref<512x1x32xf32, #tpu.memory_space<hbm>>
    %dma_wait3A_1026 = tpu.memref_squeeze %dma_wait3A_1025 : memref<512x1x32xf32, #tpu.memory_space<hbm>> -> memref<512x32xf32, #tpu.memory_space<hbm>>
    %dma_wait3A_1027 = arith.constant 0 : i32
    %dma_wait3A_1028 = arith.constant 0 : i32
    %dma_wait3A_1029 = tpu.memref_slice %arg6[%dma_wait3A_1013, %dma_wait3A_1027, %dma_wait3A_1028] : memref<5x512x32xf32, #tpu.memory_space<vmem>> -> memref<1x512x32xf32, #tpu.memory_space<vmem>>
    %dma_wait3A_1030 = tpu.memref_squeeze %dma_wait3A_1029 : memref<1x512x32xf32, #tpu.memory_space<vmem>> -> memref<512x32xf32, #tpu.memory_space<vmem>>
    tpu.wait_dma2 semaphore(%dma_wait3A_1023 : memref<!tpu.dma_semaphore, #tpu.memory_space<semaphore_mem>>) src(%dma_wait3A_1030 : memref<512x32xf32, #tpu.memory_space<vmem>>) dst(%dma_wait3A_1026 : memref<512x32xf32, #tpu.memory_space<hbm>>)
    %add3A_1031 = arith.constant 25088 : i32
    %add3A_1032 = arith.addi %sub3A_23, %add3A_1031 : i32
    %jit3A_1033 = arith.constant 4096 : i32
    %div3A_1034 = arith.divsi %add3A_1032, %jit3A_1033 : i32
    %sign3A_1035 = arith.constant 0 : i32
    %sign3A_1036 = arith.cmpi sgt, %add3A_1032, %sign3A_1035 : i32
    %sign3A_1037 = arith.extui %sign3A_1036 : i1 to i32
    %sign3A_1038 = arith.constant 0 : i32
    %sign3A_1039 = arith.cmpi slt, %add3A_1032, %sign3A_1038 : i32
    %sign3A_1040 = arith.extui %sign3A_1039 : i1 to i32
    %sign3A_1041 = arith.subi %sign3A_1037, %sign3A_1040 : i32
    %sign3A_1042 = arith.constant 0 : i32
    %sign3A_1043 = arith.cmpi sgt, %jit3A_1033, %sign3A_1042 : i32
    %sign3A_1044 = arith.extui %sign3A_1043 : i1 to i32
    %sign3A_1045 = arith.constant 0 : i32
    %sign3A_1046 = arith.cmpi slt, %jit3A_1033, %sign3A_1045 : i32
    %sign3A_1047 = arith.extui %sign3A_1046 : i1 to i32
    %sign3A_1048 = arith.subi %sign3A_1044, %sign3A_1047 : i32
    %ne3A_1049 = arith.cmpi ne, %sign3A_1041, %sign3A_1048 : i32
    %rem3A_1050 = arith.remsi %add3A_1032, %jit3A_1033 : i32
    %ne3A_1051 = arith.constant 0 : i32
    %ne3A_1052 = arith.cmpi ne, %rem3A_1050, %ne3A_1051 : i32
    %and3A_1053 = arith.andi %ne3A_1049, %ne3A_1052 : i1
    %sub3A_1054 = arith.constant 1 : i32
    %sub3A_1055 = arith.subi %div3A_1034, %sub3A_1054 : i32
    %select_n3A_1056 = arith.select %and3A_1053, %sub3A_1055, %div3A_1034 : i32
    %jit3A_1057 = arith.constant 4096 : i32
    %eq3A_1058 = arith.constant 0 : i32
    %eq3A_1059 = arith.cmpi eq, %jit3A_1057, %eq3A_1058 : i32
    %jit3A_1060 = arith.constant 1 : i32
    %select_n3A_1061 = arith.select %eq3A_1059, %jit3A_1060, %jit3A_1057 : i32
    %rem3A_1062 = arith.remsi %add3A_1032, %select_n3A_1061 : i32
    %ne3A_1063 = arith.constant 0 : i32
    %ne3A_1064 = arith.cmpi ne, %rem3A_1062, %ne3A_1063 : i32
    %lt3A_1065 = arith.constant 0 : i32
    %lt3A_1066 = arith.cmpi slt, %rem3A_1062, %lt3A_1065 : i32
    %lt3A_1067 = arith.constant 0 : i32
    %lt3A_1068 = arith.cmpi slt, %select_n3A_1061, %lt3A_1067 : i32
    %ne3A_1069 = arith.xori %lt3A_1066, %lt3A_1068 : i1
    %and3A_1070 = arith.andi %ne3A_1069, %ne3A_1064 : i1
    %add3A_1071 = arith.addi %rem3A_1062, %select_n3A_1061 : i32
    %select_n3A_1072 = arith.select %and3A_1070, %add3A_1071, %rem3A_1062 : i32
    %dma_wait3A_1073 = arith.constant 4 : i32
    %dma_wait3A_1074 = arith.constant 4 : i32
    %dma_wait3A_1075 = arith.constant 0 : i32
    %dma_wait3A_1076 = arith.constant 0 : i32
    %dma_wait3A_1077 = tpu.memref_slice %arg6[%dma_wait3A_1073, %dma_wait3A_1075, %dma_wait3A_1076] : memref<5x512x32xf32, #tpu.memory_space<vmem>> -> memref<1x512x32xf32, #tpu.memory_space<vmem>>
    %dma_wait3A_1078 = tpu.memref_squeeze %dma_wait3A_1077 : memref<1x512x32xf32, #tpu.memory_space<vmem>> -> memref<512x32xf32, #tpu.memory_space<vmem>>
    %dma_wait3A_1079 = tpu.memref_slice %arg5[%select_n3A_1056, %select_n3A_1072] : memref<7x4096xi32, #tpu.memory_space<vmem>> -> memref<1x512xi32, #tpu.memory_space<vmem>>
    %dma_wait3A_1080 = tpu.memref_squeeze %dma_wait3A_1079 : memref<1x512xi32, #tpu.memory_space<vmem>> -> memref<512xi32, #tpu.memory_space<vmem>>
    %dma_wait3A_1081 = arith.constant 0 : i32
    %dma_wait3A_1082 = arith.constant 0 : i32
    %dma_wait3A_1083 = tpu.memref_slice %arg3[%dma_wait3A_1081, %dma_wait3A_1082] : memref<1000000x32xf32, #tpu.memory_space<hbm>> -> memref<1000000x32xf32, #tpu.memory_space<hbm>>
    %dma_wait3A_1084 = tpu.memref_slice %arg7[%dma_wait3A_1074] : memref<5x!tpu.dma_semaphore, #tpu.memory_space<semaphore_mem>> -> memref<1x!tpu.dma_semaphore, #tpu.memory_space<semaphore_mem>>
    %dma_wait3A_1085 = tpu.memref_squeeze %dma_wait3A_1084 : memref<1x!tpu.dma_semaphore, #tpu.memory_space<semaphore_mem>> -> memref<!tpu.dma_semaphore, #tpu.memory_space<semaphore_mem>>
    tpu.wait_indirect_dma semaphore(%dma_wait3A_1085 : memref<!tpu.dma_semaphore, #tpu.memory_space<semaphore_mem>>) src(%dma_wait3A_1083 : memref<1000000x32xf32, #tpu.memory_space<hbm>>) dst(%dma_wait3A_1078 : memref<512x32xf32, #tpu.memory_space<vmem>>)
    %mul3A_1086 = arith.constant 50 : i32
    %mul3A_1087 = arith.muli %add3A, %mul3A_1086 : i32
    %add3A_1088 = arith.constant 49 : i32
    %add3A_1089 = arith.addi %mul3A_1087, %add3A_1088 : i32
    %jit3A_1090 = arith.constant 8 : i32
    %eq3A_1091 = arith.constant 0 : i32
    %eq3A_1092 = arith.cmpi eq, %jit3A_1090, %eq3A_1091 : i32
    %jit3A_1093 = arith.constant 1 : i32
    %select_n3A_1094 = arith.select %eq3A_1092, %jit3A_1093, %jit3A_1090 : i32
    %rem3A_1095 = arith.remsi %add3A_1089, %select_n3A_1094 : i32
    %ne3A_1096 = arith.constant 0 : i32
    %ne3A_1097 = arith.cmpi ne, %rem3A_1095, %ne3A_1096 : i32
    %lt3A_1098 = arith.constant 0 : i32
    %lt3A_1099 = arith.cmpi slt, %rem3A_1095, %lt3A_1098 : i32
    %lt3A_1100 = arith.constant 0 : i32
    %lt3A_1101 = arith.cmpi slt, %select_n3A_1094, %lt3A_1100 : i32
    %ne3A_1102 = arith.xori %lt3A_1099, %lt3A_1101 : i1
    %and3A_1103 = arith.andi %ne3A_1102, %ne3A_1097 : i1
    %add3A_1104 = arith.addi %rem3A_1095, %select_n3A_1094 : i32
    %select_n3A_1105 = arith.select %and3A_1103, %add3A_1104, %rem3A_1095 : i32
    %mul3A_1106 = arith.constant 512 : i32
    %mul3A_1107 = arith.muli %select_n3A_1105, %mul3A_1106 : i32
    %jit3A_1108 = arith.constant 8 : i32
    %div3A_1109 = arith.divsi %add3A_1089, %jit3A_1108 : i32
    %sign3A_1110 = arith.constant 0 : i32
    %sign3A_1111 = arith.cmpi sgt, %add3A_1089, %sign3A_1110 : i32
    %sign3A_1112 = arith.extui %sign3A_1111 : i1 to i32
    %sign3A_1113 = arith.constant 0 : i32
    %sign3A_1114 = arith.cmpi slt, %add3A_1089, %sign3A_1113 : i32
    %sign3A_1115 = arith.extui %sign3A_1114 : i1 to i32
    %sign3A_1116 = arith.subi %sign3A_1112, %sign3A_1115 : i32
    %sign3A_1117 = arith.constant 0 : i32
    %sign3A_1118 = arith.cmpi sgt, %jit3A_1108, %sign3A_1117 : i32
    %sign3A_1119 = arith.extui %sign3A_1118 : i1 to i32
    %sign3A_1120 = arith.constant 0 : i32
    %sign3A_1121 = arith.cmpi slt, %jit3A_1108, %sign3A_1120 : i32
    %sign3A_1122 = arith.extui %sign3A_1121 : i1 to i32
    %sign3A_1123 = arith.subi %sign3A_1119, %sign3A_1122 : i32
    %ne3A_1124 = arith.cmpi ne, %sign3A_1116, %sign3A_1123 : i32
    %rem3A_1125 = arith.remsi %add3A_1089, %jit3A_1108 : i32
    %ne3A_1126 = arith.constant 0 : i32
    %ne3A_1127 = arith.cmpi ne, %rem3A_1125, %ne3A_1126 : i32
    %and3A_1128 = arith.andi %ne3A_1124, %ne3A_1127 : i1
    %sub3A_1129 = arith.constant 1 : i32
    %sub3A_1130 = arith.subi %div3A_1109, %sub3A_1129 : i32
    %select_n3A_1131 = arith.select %and3A_1128, %sub3A_1130, %div3A_1109 : i32
    %dma_start3A_1132 = arith.constant 4 : i32
    %dma_start3A_1133 = arith.constant 4 : i32
    %dma_start3A_1134 = arith.constant 0 : i32
    %dma_start3A_1135 = arith.constant 0 : i32
    %dma_start3A_1136 = tpu.memref_slice %arg6[%dma_start3A_1132, %dma_start3A_1134, %dma_start3A_1135] : memref<5x512x32xf32, #tpu.memory_space<vmem>> -> memref<1x512x32xf32, #tpu.memory_space<vmem>>
    %dma_start3A_1137 = tpu.memref_squeeze %dma_start3A_1136 : memref<1x512x32xf32, #tpu.memory_space<vmem>> -> memref<512x32xf32, #tpu.memory_space<vmem>>
    %dma_start3A_1138 = arith.constant 0 : i32
    %dma_start3A_1139 = tpu.memref_slice %arg4[%mul3A_1107, %select_n3A_1131, %dma_start3A_1138] : memref<4096x200x32xf32, #tpu.memory_space<hbm>> -> memref<512x1x32xf32, #tpu.memory_space<hbm>>
    %dma_start3A_1140 = tpu.memref_squeeze %dma_start3A_1139 : memref<512x1x32xf32, #tpu.memory_space<hbm>> -> memref<512x32xf32, #tpu.memory_space<hbm>>
    %dma_start3A_1141 = tpu.memref_slice %arg8[%dma_start3A_1133] : memref<5x!tpu.dma_semaphore, #tpu.memory_space<semaphore_mem>> -> memref<1x!tpu.dma_semaphore, #tpu.memory_space<semaphore_mem>>
    %dma_start3A_1142 = tpu.memref_squeeze %dma_start3A_1141 : memref<1x!tpu.dma_semaphore, #tpu.memory_space<semaphore_mem>> -> memref<!tpu.dma_semaphore, #tpu.memory_space<semaphore_mem>>
    %dma_start3A_1143 = arith.constant 0 : i32
    %dma_start3A_1144 = tpu.memref_slice %arg4[%mul3A_1107, %select_n3A_1131, %dma_start3A_1143] : memref<4096x200x32xf32, #tpu.memory_space<hbm>> -> memref<512x1x32xf32, #tpu.memory_space<hbm>>
    %dma_start3A_1145 = tpu.memref_squeeze %dma_start3A_1144 : memref<512x1x32xf32, #tpu.memory_space<hbm>> -> memref<512x32xf32, #tpu.memory_space<hbm>>
    %dma_start3A_1146 = arith.constant 0 : i32
    %dma_start3A_1147 = arith.constant 0 : i32
    %dma_start3A_1148 = tpu.memref_slice %arg6[%dma_start3A_1132, %dma_start3A_1146, %dma_start3A_1147] : memref<5x512x32xf32, #tpu.memory_space<vmem>> -> memref<1x512x32xf32, #tpu.memory_space<vmem>>
    %dma_start3A_1149 = tpu.memref_squeeze %dma_start3A_1148 : memref<1x512x32xf32, #tpu.memory_space<vmem>> -> memref<512x32xf32, #tpu.memory_space<vmem>>
    tpu.enqueue_dma source(%dma_start3A_1149 : memref<512x32xf32, #tpu.memory_space<vmem>>) target(%dma_start3A_1145 : memref<512x32xf32, #tpu.memory_space<hbm>>) target_semaphore(%dma_start3A_1142 : memref<!tpu.dma_semaphore, #tpu.memory_space<semaphore_mem>>)
    %mul3A_1150 = arith.constant 50 : i32
    %mul3A_1151 = arith.muli %add3A, %mul3A_1150 : i32
    %add3A_1152 = arith.constant 49 : i32
    %add3A_1153 = arith.addi %mul3A_1151, %add3A_1152 : i32
    %jit3A_1154 = arith.constant 8 : i32
    %eq3A_1155 = arith.constant 0 : i32
    %eq3A_1156 = arith.cmpi eq, %jit3A_1154, %eq3A_1155 : i32
    %jit3A_1157 = arith.constant 1 : i32
    %select_n3A_1158 = arith.select %eq3A_1156, %jit3A_1157, %jit3A_1154 : i32
    %rem3A_1159 = arith.remsi %add3A_1153, %select_n3A_1158 : i32
    %ne3A_1160 = arith.constant 0 : i32
    %ne3A_1161 = arith.cmpi ne, %rem3A_1159, %ne3A_1160 : i32
    %lt3A_1162 = arith.constant 0 : i32
    %lt3A_1163 = arith.cmpi slt, %rem3A_1159, %lt3A_1162 : i32
    %lt3A_1164 = arith.constant 0 : i32
    %lt3A_1165 = arith.cmpi slt, %select_n3A_1158, %lt3A_1164 : i32
    %ne3A_1166 = arith.xori %lt3A_1163, %lt3A_1165 : i1
    %and3A_1167 = arith.andi %ne3A_1166, %ne3A_1161 : i1
    %add3A_1168 = arith.addi %rem3A_1159, %select_n3A_1158 : i32
    %select_n3A_1169 = arith.select %and3A_1167, %add3A_1168, %rem3A_1159 : i32
    %mul3A_1170 = arith.constant 512 : i32
    %mul3A_1171 = arith.muli %select_n3A_1169, %mul3A_1170 : i32
    %jit3A_1172 = arith.constant 8 : i32
    %div3A_1173 = arith.divsi %add3A_1153, %jit3A_1172 : i32
    %sign3A_1174 = arith.constant 0 : i32
    %sign3A_1175 = arith.cmpi sgt, %add3A_1153, %sign3A_1174 : i32
    %sign3A_1176 = arith.extui %sign3A_1175 : i1 to i32
    %sign3A_1177 = arith.constant 0 : i32
    %sign3A_1178 = arith.cmpi slt, %add3A_1153, %sign3A_1177 : i32
    %sign3A_1179 = arith.extui %sign3A_1178 : i1 to i32
    %sign3A_1180 = arith.subi %sign3A_1176, %sign3A_1179 : i32
    %sign3A_1181 = arith.constant 0 : i32
    %sign3A_1182 = arith.cmpi sgt, %jit3A_1172, %sign3A_1181 : i32
    %sign3A_1183 = arith.extui %sign3A_1182 : i1 to i32
    %sign3A_1184 = arith.constant 0 : i32
    %sign3A_1185 = arith.cmpi slt, %jit3A_1172, %sign3A_1184 : i32
    %sign3A_1186 = arith.extui %sign3A_1185 : i1 to i32
    %sign3A_1187 = arith.subi %sign3A_1183, %sign3A_1186 : i32
    %ne3A_1188 = arith.cmpi ne, %sign3A_1180, %sign3A_1187 : i32
    %rem3A_1189 = arith.remsi %add3A_1153, %jit3A_1172 : i32
    %ne3A_1190 = arith.constant 0 : i32
    %ne3A_1191 = arith.cmpi ne, %rem3A_1189, %ne3A_1190 : i32
    %and3A_1192 = arith.andi %ne3A_1188, %ne3A_1191 : i1
    %sub3A_1193 = arith.constant 1 : i32
    %sub3A_1194 = arith.subi %div3A_1173, %sub3A_1193 : i32
    %select_n3A_1195 = arith.select %and3A_1192, %sub3A_1194, %div3A_1173 : i32
    %dma_wait3A_1196 = arith.constant 4 : i32
    %dma_wait3A_1197 = arith.constant 4 : i32
    %dma_wait3A_1198 = arith.constant 0 : i32
    %dma_wait3A_1199 = arith.constant 0 : i32
    %dma_wait3A_1200 = tpu.memref_slice %arg6[%dma_wait3A_1196, %dma_wait3A_1198, %dma_wait3A_1199] : memref<5x512x32xf32, #tpu.memory_space<vmem>> -> memref<1x512x32xf32, #tpu.memory_space<vmem>>
    %dma_wait3A_1201 = tpu.memref_squeeze %dma_wait3A_1200 : memref<1x512x32xf32, #tpu.memory_space<vmem>> -> memref<512x32xf32, #tpu.memory_space<vmem>>
    %dma_wait3A_1202 = arith.constant 0 : i32
    %dma_wait3A_1203 = tpu.memref_slice %arg4[%mul3A_1171, %select_n3A_1195, %dma_wait3A_1202] : memref<4096x200x32xf32, #tpu.memory_space<hbm>> -> memref<512x1x32xf32, #tpu.memory_space<hbm>>
    %dma_wait3A_1204 = tpu.memref_squeeze %dma_wait3A_1203 : memref<512x1x32xf32, #tpu.memory_space<hbm>> -> memref<512x32xf32, #tpu.memory_space<hbm>>
    %dma_wait3A_1205 = tpu.memref_slice %arg8[%dma_wait3A_1197] : memref<5x!tpu.dma_semaphore, #tpu.memory_space<semaphore_mem>> -> memref<1x!tpu.dma_semaphore, #tpu.memory_space<semaphore_mem>>
    %dma_wait3A_1206 = tpu.memref_squeeze %dma_wait3A_1205 : memref<1x!tpu.dma_semaphore, #tpu.memory_space<semaphore_mem>> -> memref<!tpu.dma_semaphore, #tpu.memory_space<semaphore_mem>>
    %dma_wait3A_1207 = arith.constant 0 : i32
    %dma_wait3A_1208 = tpu.memref_slice %arg4[%mul3A_1171, %select_n3A_1195, %dma_wait3A_1207] : memref<4096x200x32xf32, #tpu.memory_space<hbm>> -> memref<512x1x32xf32, #tpu.memory_space<hbm>>
    %dma_wait3A_1209 = tpu.memref_squeeze %dma_wait3A_1208 : memref<512x1x32xf32, #tpu.memory_space<hbm>> -> memref<512x32xf32, #tpu.memory_space<hbm>>
    %dma_wait3A_1210 = arith.constant 0 : i32
    %dma_wait3A_1211 = arith.constant 0 : i32
    %dma_wait3A_1212 = tpu.memref_slice %arg6[%dma_wait3A_1196, %dma_wait3A_1210, %dma_wait3A_1211] : memref<5x512x32xf32, #tpu.memory_space<vmem>> -> memref<1x512x32xf32, #tpu.memory_space<vmem>>
    %dma_wait3A_1213 = tpu.memref_squeeze %dma_wait3A_1212 : memref<1x512x32xf32, #tpu.memory_space<vmem>> -> memref<512x32xf32, #tpu.memory_space<vmem>>
    tpu.wait_dma2 semaphore(%dma_wait3A_1206 : memref<!tpu.dma_semaphore, #tpu.memory_space<semaphore_mem>>) src(%dma_wait3A_1213 : memref<512x32xf32, #tpu.memory_space<vmem>>) dst(%dma_wait3A_1209 : memref<512x32xf32, #tpu.memory_space<hbm>>)
    return
  }
}

</mosaic_0001>

<sc_bundles>
// kernel: kernel.3.cloned.1.call-start
scs
__scs_entry_jumppad:
0x0: {  	(pc) =	sbr.rel $0x88, $3  }
0x1: {  	(tag) =	ssettag $0x0;
	lr =	simm.s32 $0x1  }
0x2: {  	[smem:$0x3F9F] =	sst lr;
	_ =	strace $0xD0000000  }
0x3: {  	_ = 	snop  }
0x4: {  	_ = 	snop  }
0x5: {  	_ = 	snop  }
0x6: {  	_ = 	snop  }
0x7: {  	_ = 	snop  }
__scs_overlays_trampoline_lowered:
0x8: {  	[smem:$0x3FAE] =	sst s0  }
0x9: {  	[smem:$0x3FAF] =	sst s1  }
0xa: {  	[smem:$0x3FB0] =	sst s2  }
0xb: {  	[smem:$0x3FB1] =	sst s3  }
0xc: {  	[smem:$0x3FB2] =	sst s4  }
0xd: {  	[smem:$0x3FB3] =	sst s5  }
0xe: {  	[smem:$0x3FB4] =	sst s6  }
0xf: {  	[smem:$0x3FB5] =	sst s7  }
0x10: {  	[smem:$0x3FB6] =	sst s8  }
0x11: {  	[smem:$0x3FB7] =	sst s9;
	s0 =	simm.s32 @!p0 $0x0  }
0x12: {  	s1 =	sld [smem:$0x3F9D];
	s0 =	simm.s32 @p0 $0x1  }
0x13: {  	[smem:$0x3FB8] =	sst s0;
	s0 =	simm.s32 @!p1 $0x0  }
0x14: {  	s2 =	sld [smem:$0x3F9C];
	s0 =	simm.s32 @p1 $0x1  }
0x15: {  	[smem:$0x3FB9] =	sst s0;
	s0 =	simm.s32 @!p2 $0x0  }
0x16: {  	s3 =	sld [smem:$0x3FDB];
	s0 =	simm.s32 @p2 $0x1  }
0x17: {  	s4 =	simm.s32 $0x1BF5;
	[smem:$0x3FBB] =	sst s0  }
0x18: {  	s0 =	sld [smem:$0x3F9E];
	_ =	swait.ge [sflag:s4], $0x0  }
0x19: {  	s7 =	sld [smem:$0x3F9F]  }
0x1a: {  	s8 =	sadd.s32 $0xFFFFE003, lr  }
0x1b: {  	s9 =	sadd.s32 $0xFFFFFEF7, lr;
	s5 =	simm.s32 $0xFFFFFFFF;
	p2 =	slt.u32 s8, $0xFFFFF086  }
0x1c: {  	p1 =	slt.u32 s9, $0xF7A;
	s5 =	simm.s32 @!p2 $0x0  }
0x1d: {  	s5 =	simm.s32 @p1 $0x1;
	p0 =	seq.s32 s7, s2  }
0x1e: {  	s7 =	smul.u32 @!p0 $0xF7A, s2;
	p2 =	seq.s32 @!p0 s5, $0x0  }
0x1f: {  	s9 =	smul.u32 $0xF7A, s1;
	s8 =	simm.s32 @!p0 $0x1BF5;
	p2 =	por !p2, p0  }
0x20: {  	[sflag:s8] =	ssyncset.s32 @!p0 $0xFFFFF086;
	s6 =	sadd.s32 @!p0 s3, s7;
	s7 =	simm.s32 @!p0 $0x108  }
0x21: {  	s3 =	sadd.s32 s3, s9;
	s6 =	sadd.s32 @!p0 $0x88, s6;
	s7 =	simm.s32 @p2 $0x1082  }
0x22: {  	[simem:s7], [sflag:s8] =	dma.local @!p0 [hbm:s6], $0xF7A  }
0x23: {  	s9 =	sor.u32 $0xD0000000, s2;
	s6 =	simm.s32 $0x108;
	_ =	swait.ge @!p0 [sflag:s8], $0x0  }
0x24: {  	s3 =	sadd.s32 $0x88, s3;
	s6 =	simm.s32 @!p1 $0x1082;
	[sflag:s4] =	ssyncset.s32 $0xFFFFF086  }
0x25: {  	[simem:s6], [sflag:s4] =	dma.local [hbm:s3], $0xF7A  }
0x26: {  	[smem:$0x3F9F] =	sst s1;
	(tag) =	ssettag s2;
	_ =	strace s9  }
0x27: {  	s1 =	sld [smem:$0x3FAF]  }
0x28: {  	s2 =	sld [smem:$0x3FB0]  }
0x29: {  	s4 =	sld [smem:$0x3FB2]  }
0x2a: {  	p0 =	seq.s32 s5, $0x0;
	s5 =	sld [smem:$0x3FB3]  }
0x2b: {  	s6 =	sld [smem:$0x3FB4]  }
0x2c: {  	s7 =	sld [smem:$0x3FB5]  }
0x2d: {  	s3 =	simm.s32 $0x108;
	s8 =	sld [smem:$0x3FB6]  }
0x2e: {  	s3 =	simm.s32 @!p0 $0x1082;
	s9 =	sld [smem:$0x3FB7]  }
0x2f: {  	lr =	sadd.s32 s0, s3;
	s0 =	sld [smem:$0x3FAE]  }
0x30: {  	s3 =	sld [smem:$0x3FB1]  }
0x31: {  	[smem:$0x3FBA] =	sst s10  }
0x32: {  	s10 =	sld [smem:$0x3FB8];
	_ =	sdelay $0x3  }
0x33: {  	p0 =	seq.s32 s10, $0x1;
	s10 =	sld [smem:$0x3FBA];
	_ =	sdelay $0x3  }
0x34: {  	[smem:$0x3FBA] =	sst s10  }
0x35: {  	s10 =	sld [smem:$0x3FB9];
	_ =	sdelay $0x3  }
0x36: {  	p1 =	seq.s32 s10, $0x1;
	s10 =	sld [smem:$0x3FBA];
	_ =	sdelay $0x3  }
0x37: {  	[smem:$0x3FBA] =	sst s10  }
0x38: {  	s10 =	sld [smem:$0x3FBB]  }
0x39: {  	_ = 	snop;
	(pc) =	sbr.ind lr, $3  }
0x3a: {  	_ = 	snop  }
0x3b: {  	_ = 	snop  }
0x3c: {  	p2 =	seq.s32 s10, $0x1;
	s10 =	sld [smem:$0x3FBA]  }
0x3d: {  	_ =	shalt  }
0x3e: {  	_ =	shalt  }
0x3f: {  	_ =	shalt  }
0x40: {  	_ =	shalt  }
0x41: {  	_ =	shalt  }
0x42: {  	_ =	shalt  }
0x43: {  	_ =	shalt  }
0x44: {  	_ =	shalt  }
0x45: {  	_ =	shalt  }
0x46: {  	_ =	shalt  }
0x47: {  	_ =	shalt  }
0x48: {  	_ =	shalt  }
0x49: {  	_ =	shalt  }
0x4a: {  	_ =	shalt  }
0x4b: {  	_ =	shalt  }
0x4c: {  	_ =	shalt  }
0x4d: {  	_ =	shalt  }
0x4e: {  	_ =	shalt  }
0x4f: {  	_ =	shalt  }
0x50: {  	_ =	shalt  }
0x51: {  	_ =	shalt  }
0x52: {  	_ =	shalt  }
0x53: {  	_ =	shalt  }
0x54: {  	_ =	shalt  }
0x55: {  	_ =	shalt  }
0x56: {  	_ =	shalt  }
0x57: {  	_ =	shalt  }
0x58: {  	_ =	shalt  }
0x59: {  	_ =	shalt  }
0x5a: {  	_ =	shalt  }
0x5b: {  	_ =	shalt  }
0x5c: {  	_ =	shalt  }
0x5d: {  	_ =	shalt  }
0x5e: {  	_ =	shalt  }
0x5f: {  	_ =	shalt  }
0x60: {  	_ =	shalt  }
0x61: {  	_ =	shalt  }
0x62: {  	_ =	shalt  }
0x63: {  	_ =	shalt  }
0x64: {  	_ =	shalt  }
0x65: {  	_ =	shalt  }
0x66: {  	_ =	shalt  }
0x67: {  	_ =	shalt  }
0x68: {  	_ =	shalt  }
0x69: {  	_ =	shalt  }
0x6a: {  	_ =	shalt  }
0x6b: {  	_ =	shalt  }
0x6c: {  	_ =	shalt  }
0x6d: {  	_ =	shalt  }
0x6e: {  	_ =	shalt  }
0x6f: {  	_ =	shalt  }
0x70: {  	_ =	shalt  }
0x71: {  	_ =	shalt  }
0x72: {  	_ =	shalt  }
0x73: {  	_ =	shalt  }
0x74: {  	_ =	shalt  }
0x75: {  	_ =	shalt  }
0x76: {  	_ =	shalt  }
0x77: {  	_ =	shalt  }
0x78: {  	_ =	shalt  }
0x79: {  	_ =	shalt  }
0x7a: {  	_ =	shalt  }
0x7b: {  	_ =	shalt  }
0x7c: {  	_ =	shalt  }
0x7d: {  	_ =	shalt  }
0x7e: {  	_ =	shalt  }
0x7f: {  	_ =	shalt  }
0x80: {  	_ =	shalt  }
0x81: {  	_ =	shalt  }
0x82: {  	_ =	shalt  }
0x83: {  	_ =	shalt  }
0x84: {  	_ =	shalt  }
0x85: {  	_ =	shalt  }
0x86: {  	_ =	shalt  }
0x87: {  	_ =	shalt  }
.Lfunc_end0:
.L_simem_size_0:
called_computation.1_lowered:
.L_overlay_start_0:
0x88: {  	s2 =	sld [smem:$0x3FD9]  }
0x89: {  	s3 =	sld [smem:$0x3FFE];
	_ =	sdelay $0x1  }
0x8a: {  	s1 =	srdreg.scid  }
0x8b: {  	s0 =	sand.u32 $0x1, s1  }
0x8c: {  	s17 =	sshll.u32 s0, $0xA;
	s2 =	sadd.s32 s3, s2  }
0x8d: {  	s2 =	sadd.s32 s2, s17  }
0x8e: {  	[smem:$0x3FC6] =	sst s2  }
0x8f: {  	_ = 	snop  }
0x90: {  	s2 =	sld [smem:$0x3FD0];
	(tm) =	ssettm $0x1  }
0x91: {  	s18 =	sld [smem:$0x3FFB];
	_ =	sdelay $0x3  }
0x92: {  	_ =	strace s18  }
0x93: {  	s3 =	sld [smem:$0x3FFC];
	_ =	sdelay $0x3  }
0x94: {  	_ =	strace s3  }
0x95: {  	s3 =	sld [smem:$0x3FFD];
	_ =	sdelay $0x3  }
0x96: {  	_ =	strace s3  }
0x97: {  	_ =	strace $0x8FFFFFFF  }
0x98: {  	s19 =	sld [smem:$0x3FDB];
	_ =	sdelay $0x1  }
0x99: {  	s4 =	simm.s32 $_scs_section_size  }
0x9a: {  	s5 =	simm.s32 $_size__tile_overlayer_lowered;
	s6 =	simm.s32 $_tile_overlayer_lowered  }
0x9b: {  	s22 =	simm.s32 $0x1BFF;
	s21 =	sshll.u32 s6, $0x1;
	s3 =	sadd.s32 s4, s19  }
0x9c: {  	s7 =	simm.s32 $0x0;
	s20 =	sshll.u32 s5, $0x1;
	s5 =	sadd.s32 s21, s3  }
0x9d: {  	[timem:s7], [sflag:s22] =	dma.local [hbm:s5], s20  }
0x9e: {  	_ =	swait.ge [sflag:s22], s20  }
0x9f: {  	s4 =	ssub.s32 $0x0, s20;
	[sflag:s22] =	ssyncset.done $0x0  }
0xa0: {  	[sflag:s22] =	ssyncadd.s32 s4;
	_ =	sdelay $0x1  }
0xa1: {  	s23 =	simm.s32 $0x1B8B  }
0xa2: {  	_ =	swait.ge [sflag:s23], $0x1  }
0xa3: {  	[sflag:s23] =	ssyncset.done $0x0  }
0xa4: {  	s25 =	simm.s32 $0x1B8E;
	s24 =	sld [smem:$0x3FFE];
	[sflag:s23] =	ssyncadd.s32 $0xFFFFFFFF  }
0xa5: {  	s26 =	simm.s32 $execute0_lowered;
	[smem:$0x3FD2] =	sst s25  }
0xa6: {  	s5 =	sshll.u32 s26, $0x1;
	_ =	strace $0x80000046;
	[dreg:$0x1] =	wrdreg $0xFFFFFFFF  }
0xa7: {  	s28 =	simm.s32 $_size_execute0_lowered;
	s3 =	sadd.s32 s3, s5;
	[dreg:$0x0] =	wrdreg $0x0  }
0xa8: {  	s5 =	sshll.u32 s28, $0x1;
	[dreg:$0x2] =	wrdreg s3  }
0xa9: {  	[dreg:$0x3] =	wrdreg s5  }
0xaa: {  	[dreg:$0x4] =	wrdreg $0xC0  }
0xab: {  	_ =	task [dreg:s7], $0x5FFFF  }
0xac: {  	[dreg:$0x1] =	wrdreg $0xFFFFFFFF  }
0xad: {  	[dreg:$0x0] =	wrdreg $0x60  }
0xae: {  	[dreg:$0x2] =	wrdreg s24  }
0xaf: {  	[dreg:$0x3] =	wrdreg s2  }
0xb0: {  	[dreg:$0x4] =	wrdreg $0x9  }
0xb1: {  	_ =	task.clear_ibuf [dreg:s7], $0x5FFFF;
	_ =	strace $0x90000046  }
0xb2: {  	s29 =	simm.s32 $0x9;
	_ =	strace $0x80000048  }
0xb3: {  	_ =	swait.ge [sflag:s29], $0x1  }
0xb4: {  	[sflag:s29] =	ssyncadd.s32 $0xFFFFFFFF  }
0xb5: {  	_ =	strace $0x90000048  }
0xb6: {  	_ =	sfence  }
0xb7: {  	s30 =	sld [smem:$0x0];
	_ =	sdelay $0x2  }
0xb8: {  	s31 =	sshll.u32 s1, $0xD;
	s1 =	sshrl.u32 s1, $0x2  }
0xb9: {  	s3 =	sand.u32 $0x4000, s31;
	s1 =	sadd.s32 s1, s30  }
0xba: {  	s0 =	sor.u32 s3, s0;
	s1 =	sshll.u32 s1, $0x11  }
0xbb: {  	s0 =	sor.u32 s1, s0  }
0xbc: {  	s0 =	sadd.s32 $0x8F2B, s0  }
0xbd: {  	[sflag:s0] =	ssyncadd.remote.s32 $0x1  }
0xbe: {  	_ =	sfence.sel $0xFFFF  }
0xbf: {  	[dreg:$0x0] =	wrdreg $0xFFFFFFFF;
	(pc) =	sbr.abs _section_cstart, $3  }
0xc0: {  	[dreg:$0x1] =	wrdreg $0xFFFFFFFF  }
0xc1: {  	_ =	task.clear_ibuf [dreg:s7], $0x2FFFF;
	_ =	strace $0x9FFFFFFF  }
0xc2: {  	(tm) =	ssettm $0x7FFFFFFF  }
0xc3: {  	_ =	shalt  }
tec
execute0_lowered:
.L_overlay_start_1:
0x0: {  	(tag) =	ssettag $0x1  }
0x1: {  	s0 =	srdreg.scid;
	s3 =	rddreg [dreg:$0x0]  }
0x2: {  	s10 =	stileid.u32;
	s2 =	rddreg [dreg:$0x1];
	s6 =	simm.s32 $0x0  }
0x3: {  	s29 =	simm.s32 $0x20;
	s0 =	sand.u32 $0x1, s0;
	s18 =	smul.u32 $0xC800, s10  }
0x4: {  	s30 =	simm.s32 $0x1900;
	s1 =	sshll.u32 s10, $0x1;
	s19 =	smul.u32 $0x6400, s0  }
0x5: {  	s1 =	sor.u32 s0, s1;
	s21 =	ssub.s32 $0x2, s0;
	s0 =	smul.u32 $0xC8, s0  }
0x6: {  	s31 =	simm.s32 $0x17000;
	[smem:$0x7FF] =	sst s6;
	s5 =	smul.u32 $0x6400, s1  }
0x7: {  	_ =	strace $0x80000047;
	s7 =	smul.u32 $0x32, s1;
	s8 =	sshll.u32 s1, $0xA  }
0x8: {  	s9 =	sshrl.u32 s21, $0x1;
	s1 =	smul.u32 $0xC8, s1;
	s8 =	sand.u32 $0xC00, s8  }
0x9: {  	s4 =	sshrl.u32 s5, $0x3;
	s22 =	sand.u32 $0xC00, s5;
	s23 =	smul.u32 $0x1900, s8  }
0xa: {  	s1 =	sand.u32 $0x1FE0, s1;
	s26 =	sadd.s32 $0x2E, s7;
	s13 =	sadd.s32 $0x2F, s7  }
0xb: {  	s7 =	sadd.s32 $0x31, s7;
	s4 =	sand.u32 $0x1FE00, s4;
	s24 =	sor.u32 $0x200, s22  }
0xc: {  	s25 =	sadd.s32 $0x400, s22;
	s28 =	sadd.s32 $0x600, s22;
	s11 =	sshll.u32 s26, $0x9  }
0xd: {  	[dreg:$0x4] =	wrdreg s22;
	s5 =	sshll.u32 s26, $0x2;
	s14 =	sshll.u32 s13, $0x9  }
0xe: {  	s16 =	sshll.u32 s7, $0x9;
	s7 =	sshll.u32 s7, $0x2;
	[dreg:$0x6] =	wrdreg s24  }
0xf: {  	s20 =	sadd.s32 s4, s3;
	s4 =	sadd.s32 $0xF42E00, s3;
	[dreg:$0x7] =	wrdreg s25  }
0x10: {  	s3 =	ssub.s32 s21, s9;
	s1 =	sor.u32 s1, s23;
	[dreg:$0x8] =	wrdreg s28  }
0x11: {  	s9 =	sadd.s32 $0x800, s22;
	s12 =	sand.u32 $0xC00, s11;
	s5 =	sand.u32 $0x3FE0, s5  }
0x12: {  	s15 =	sand.u32 $0xE00, s14;
	s25 =	sadd.s32 s19, s18;
	s24 =	smul.u32 $0x190, s10  }
0x13: {  	s10 =	simm.s32 $0xA;
	s11 =	simm.s32 $0x0;
	s6 =	sadd.s32 $0xA00, s20  }
0x14: {  	s8 =	sshrl.u32 s1, $0x3;
	[dreg:$0x9] =	wrdreg s9;
	s9 =	sand.u32 $0xE00, s16  }
0x15: {  	s1 =	sadd.s32 $0xC0, s1;
	s20 =	sand.u32 $0x3FE0, s7;
	s22 =	sshrl.u32 s25, $0xA  }
0x16: {  	s3 =	smax.u32 s3, $0x1;
	s7 =	simm.s32 $0x4;
	[dreg:$0x5] =	wrdreg s6  }
0x17: {  	s6 =	sadd.s32 s2, s8;
	s8 =	sshll.u32 s13, $0x2;
	s9 =	smul.u32 $0x1900, s9  }
0x18: {  	s1 =	sshrl.u32 s1, $0x3;
	[dreg:$0xa] =	wrdreg s6;
	s6 =	smul.u32 $0x1900, s12  }
0x19: {  	s23 =	sand.u32 $0x3, s22;
	[dreg:$0xf] =	wrdreg s3;
	s0 =	sadd.s32 s0, s24  }
0x1a: {  	s3 =	simm.s32 $0x3;
	s5 =	sor.u32 s5, s6;
	s6 =	smul.u32 $0x1900, s15  }
0x1b: {  	s8 =	sand.u32 $0x3FE0, s8;
	s1 =	sadd.s32 s2, s1;
	s5 =	sshrl.u32 s5, $0x3  }
0x1c: {  	[dreg:$0x11] =	wrdreg s0;
	s5 =	sadd.s32 s2, s5;
	s17 =	sor.u32 s8, s6  }
0x1d: {  	s26 =	sshll.u32 s23, $0xC;
	[dreg:$0xb] =	wrdreg s5;
	s5 =	sshrl.u32 s17, $0x3  }
0x1e: {  	s0 =	simm.s32 $0x7;
	[dreg:$0xd] =	wrdreg s1;
	s5 =	sadd.s32 s2, s5  }
0x1f: {  	s28 =	sor.u32 $0x4800, s26;
	[dreg:$0xc] =	wrdreg s5;
	s5 =	sor.u32 s20, s9  }
0x20: {  	s26 =	simm.s32 $0x7000;
	[dreg:$0x10] =	wrdreg s28;
	s21 =	sshrl.u32 s5, $0x3  }
0x21: {  	s6 =	simm.s32 $0x8;
	s8 =	simm.s32 $0x9;
	s1 =	sadd.s32 s2, s21  }
0x22: {  	s9 =	simm.s32 $0x5;
	[dreg:$0xe] =	wrdreg s1;
	s1 =	sshll.u32 s23, $0xA  }
0x23: {  	s21 =	simm.s32 $0x200;
	[dreg:$0x3] =	wrdreg s1;
	s1 =	simm.s32 $0x2  }
.LBB2_1:
0x24: {  	[dreg:$0x12] =	wrdreg s11  }
0x25: {  	s5 =	simm.s32 $0x0;
	s18 =	rddreg [dreg:$0x5];
	s19 =	simm.s32 $0xB  }
0x26: {  	[tilespmem:s5], [sflag:$0xB] =	stream.linear.gather [hbm4b:s18+s5], $0x7000, $0x38;
	[tilespmem:$0x1B000] =	vst v63  }
0x27: {  	_ =	swait.ge [sflag:s19], $0x7000  }
0x28: {  	[sflag:s19] =	ssyncset.done $0x0  }
0x29: {  	s18 =	simm.s32 $0x7000;
	s20 =	rddreg [dreg:$0x4];
	[sflag:s19] =	ssyncadd.s32 $0xFFFF9000  }
0x2a: {  	[tilespmem:s18], [sflag:$0x1] =	stream.indirect.gather [hbm4b:s4+s21], $0x20, s20, s21, $0xb8;
	[tilespmem:$0x1B000] =	vst v63  }
0x2b: {  	s22 =	rddreg [dreg:$0x6];
	s19 =	simm.s32 $0xB000  }
0x2c: {  	[tilespmem:s19], [sflag:$0x2] =	stream.indirect.gather [hbm4b:s4+s21], $0x20, s22, s21, $0xb8;
	[tilespmem:$0x1B000] =	vst v63  }
0x2d: {  	s23 =	rddreg [dreg:$0x7];
	s20 =	simm.s32 $0xF000  }
0x2e: {  	[tilespmem:s20], [sflag:$0x3] =	stream.indirect.gather [hbm4b:s4+s21], $0x20, s23, s21, $0xb8;
	[tilespmem:$0x1B000] =	vst v63  }
0x2f: {  	s24 =	rddreg [dreg:$0x8];
	s22 =	simm.s32 $0x13000  }
0x30: {  	[tilespmem:s22], [sflag:$0x4] =	stream.indirect.gather [hbm4b:s4+s21], $0x20, s24, s21, $0xb8;
	[tilespmem:$0x1B000] =	vst v63  }
0x31: {  	s11 =	simm.s32 $0x1;
	s28 =	rddreg [dreg:$0x9];
	s23 =	simm.s32 $0x17000  }
0x32: {  	[tilespmem:s23], [sflag:$0x5] =	stream.indirect.gather [hbm4b:s4+s21], $0x20, s28, s21, $0xb8;
	[tilespmem:$0x1B000] =	vst v63  }
0x33: {  	_ =	swait.ge [sflag:s11], $0x4000  }
0x34: {  	[sflag:s11] =	ssyncset.done $0x0  }
0x35: {  	s24 =	simm.s32 $0x6;
	s12 =	rddreg [dreg:$0xa];
	[sflag:s11] =	ssyncadd.s32 $0xFFFFC000  }
0x36: {  	[hbm4b:s12+s29] =	stream.strided.scatter [tilespmem:s18], [sflag:$0x6], $0x4000, s30, s29, $0x38;
	[tilespmem:$0x1B000] =	vst v63  }
0x37: {  	_ =	swait.ge [sflag:s24], $0x4000  }
0x38: {  	s13 =	rddreg [dreg:$0x3]  }
0x39: {  	s11 =	rddreg [dreg:$0x10]  }
0x3a: {  	s17 =	rddreg [dreg:$0x11];
	[sflag:s24] =	ssyncset.done $0x0;
	s12 =	sadd.s32 $0xFFFFE000, s11  }
0x3b: {  	s5 =	sadd.s32 $0x0, s13;
	s14 =	sadd.s32 $0x4, s17;
	[sflag:s24] =	ssyncadd.s32 $0xFFFFC000  }
0x3c: {  	s13 =	sand.u32 $0x7FFFC000, s12;
	s15 =	sadd.s32 $0xA00, s5;
	s12 =	sadd.s32 $0x0, s25  }
0x3d: {  	s13 =	sshrl.u32 s13, $0x2;
	s15 =	sand.u32 $0xE00, s15;
	s16 =	sadd.s32 $0x200, s12  }
0x3e: {  	s24 =	sadd.s32 $0xFFFFE800, s11;
	s13 =	sor.u32 s15, s13;
	s16 =	sand.u32 $0xE00, s16  }
0x3f: {  	[tilespmem:s18], [sflag:$0x1] =	stream.indirect.gather [hbm4b:s4+s21], $0x20, s13, s21, $0xb8;
	[tilespmem:$0x1B000] =	vst v63  }
0x40: {  	s15 =	sand.u32 $0x7FFFFFE0, s14;
	s16 =	smul.u32 $0x1900, s16;
	s18 =	sadd.s32 $0xC00, s5  }
0x41: {  	s14 =	sadd.s32 $0x400, s12;
	_ =	swait.ge [sflag:s1], $0x4000;
	s13 =	sand.u32 $0xE00, s18  }
0x42: {  	s18 =	sadd.s32 $0x8, s17;
	s15 =	sadd.s32 s15, s16;
	[sflag:s1] =	ssyncset.done $0x0  }
0x43: {  	s16 =	sand.u32 $0xFC000, s24;
	s15 =	sshrl.u32 s15, $0x3;
	[sflag:s1] =	ssyncadd.s32 $0xFFFFC000  }
0x44: {  	s28 =	sshrl.u32 s16, $0x2;
	s16 =	sand.u32 $0xE00, s14;
	s14 =	sadd.s32 $0xFFFFF000, s11  }
0x45: {  	s15 =	sadd.s32 s2, s15;
	s13 =	sor.u32 s13, s28;
	s16 =	smul.u32 $0x1900, s16  }
0x46: {  	[hbm4b:s15+s29] =	stream.strided.scatter [tilespmem:s19], [sflag:$0x7], $0x4000, s30, s29, $0x38;
	[tilespmem:$0x1B000] =	vst v63  }
0x47: {  	s28 =	sadd.s32 $0xE00, s5;
	s15 =	sand.u32 $0x7FFFFFE0, s18;
	_ =	swait.ge [sflag:s0], $0x4000  }
0x48: {  	s18 =	sand.u32 $0xE00, s28;
	s24 =	sadd.s32 s15, s16;
	[sflag:s0] =	ssyncset.done $0x0  }
0x49: {  	s16 =	sand.u32 $0xFC000, s14;
	s14 =	sadd.s32 $0xFFFFF800, s11;
	[sflag:s0] =	ssyncadd.s32 $0xFFFFC000  }
0x4a: {  	[tilespmem:s19], [sflag:$0x2] =	stream.indirect.gather [hbm4b:s4+s21], $0x20, s13, s21, $0xb8;
	[tilespmem:$0x1B000] =	vst v63  }
0x4b: {  	s16 =	sshrl.u32 s16, $0x2;
	s13 =	sshrl.u32 s24, $0x3;
	_ =	swait.ge [sflag:s3], $0x4000  }
0x4c: {  	s19 =	sadd.s32 $0x600, s12;
	s24 =	sadd.s32 $0xC, s17;
	[sflag:s3] =	ssyncset.done $0x0  }
0x4d: {  	s13 =	sadd.s32 s2, s13;
	s15 =	sand.u32 $0xE00, s19;
	[sflag:s3] =	ssyncadd.s32 $0xFFFFC000  }
0x4e: {  	[hbm4b:s13+s29] =	stream.strided.scatter [tilespmem:s20], [sflag:$0x8], $0x4000, s30, s29, $0x38;
	[tilespmem:$0x1B000] =	vst v63  }
0x4f: {  	s19 =	sadd.s32 $0x10, s17;
	s15 =	smul.u32 $0x1900, s15;
	_ =	swait.ge [sflag:s6], $0x4000  }
0x50: {  	s13 =	sor.u32 s18, s16;
	s16 =	sand.u32 $0x7FFFFFE0, s24;
	[sflag:s6] =	ssyncset.done $0x0  }
0x51: {  	s18 =	sadd.s32 $0x800, s12;
	s12 =	sadd.s32 $0xA00, s12;
	[sflag:s6] =	ssyncadd.s32 $0xFFFFC000  }
0x52: {  	[tilespmem:s20], [sflag:$0x3] =	stream.indirect.gather [hbm4b:s4+s21], $0x20, s13, s21, $0xb8;
	[tilespmem:$0x1B000] =	vst v63  }
0x53: {  	s28 =	sadd.s32 s16, s15;
	s16 =	sadd.s32 $0x1000, s5;
	_ =	swait.ge [sflag:s7], $0x4000  }
0x54: {  	s15 =	sand.u32 $0xFC000, s14;
	s13 =	sshrl.u32 s28, $0x3;
	[sflag:s7] =	ssyncset.done $0x0  }
0x55: {  	s5 =	sadd.s32 $0x1200, s5;
	s13 =	sadd.s32 s2, s13;
	[sflag:s7] =	ssyncadd.s32 $0xFFFFC000  }
0x56: {  	[hbm4b:s13+s29] =	stream.strided.scatter [tilespmem:s22], [sflag:$0x9], $0x4000, s30, s29, $0x38;
	[tilespmem:$0x1B000] =	vst v63  }
0x57: {  	s12 =	sand.u32 $0xE00, s12;
	s13 =	sand.u32 $0xE00, s16;
	s16 =	sand.u32 $0xE00, s18  }
0x58: {  	s15 =	sshrl.u32 s15, $0x2;
	_ =	swait.ge [sflag:s8], $0x4000;
	s16 =	smul.u32 $0x1900, s16  }
0x59: {  	s13 =	sor.u32 s13, s15;
	s15 =	sand.u32 $0x7FFFFFE0, s19;
	[sflag:s8] =	ssyncset.done $0x0  }
0x5a: {  	s28 =	sand.u32 $0xFC000, s11;
	[sflag:s8] =	ssyncadd.s32 $0xFFFFC000;
	s20 =	sadd.s32 s15, s16  }
0x5b: {  	[tilespmem:s22], [sflag:$0x4] =	stream.indirect.gather [hbm4b:s4+s21], $0x20, s13, s21, $0xb8;
	[tilespmem:$0x1B000] =	vst v63  }
0x5c: {  	s15 =	sshrl.u32 s28, $0x2;
	s13 =	sshrl.u32 s20, $0x3;
	_ =	swait.ge [sflag:s9], $0x4000  }
0x5d: {  	s22 =	smul.u32 $0x1900, s12;
	s12 =	sadd.s32 $0x14, s17;
	[sflag:s9] =	ssyncset.done $0x0  }
0x5e: {  	s13 =	sadd.s32 s2, s13;
	s24 =	sand.u32 $0x7FFFFFE0, s12;
	[sflag:s9] =	ssyncadd.s32 $0xFFFFC000  }
0x5f: {  	[hbm4b:s13+s29] =	stream.strided.scatter [tilespmem:s23], [sflag:$0xA], $0x4000, s30, s29, $0x38;
	[tilespmem:$0x1B000] =	vst v63  }
0x60: {  	s23 =	sand.u32 $0xE00, s5;
	s5 =	sadd.s32 s24, s22;
	_ =	swait.ge [sflag:s10], $0x4000  }
0x61: {  	s13 =	simm.s32 $0xA00;
	s5 =	sshrl.u32 s5, $0x3;
	[sflag:s10] =	ssyncset.done $0x0  }
0x62: {  	s16 =	sor.u32 s23, s15;
	s15 =	sadd.s32 $0x2800, s11;
	[sflag:s10] =	ssyncadd.s32 $0xFFFFC000  }
.LBB2_2:
0x63: {  	[tilespmem:s31], [sflag:$0x5] =	stream.indirect.gather [hbm4b:s4+s21], $0x20, s16, s21, $0xb8;
	[tilespmem:$0x1B000] =	vst v63  }
0x64: {  	s17 =	smov.u32 s13;
	p0 =	sne.s32 s13, $0x5000  }
0x65: {  	s13 =	sadd.s32 $0xA00, s13;
	s11 =	simm.s32 $0x1;
	s22 =	sadd.s32 $0x10, s12  }
0x66: {  	s5 =	sadd.s32 s2, s5;
	s28 =	simm.s32 $0x7000;
	s23 =	simm.s32 $0x6  }
0x67: {  	s20 =	sadd.s32 $0x8, s12;
	s18 =	sadd.s32 $0x4, s12;
	s24 =	sadd.s32 $0xFFFFE000, s15  }
0x68: {  	_ =	swait.ge [sflag:s11], $0x4000;
	s16 =	sadd.s32 s17, s25;
	s20 =	sand.u32 $0x7FFFFFE0, s20  }
0x69: {  	s18 =	sand.u32 $0x7FFFFFE0, s18;
	[sflag:s11] =	ssyncset.done $0x0;
	s14 =	sadd.s32 $0x200, s16  }
0x6a: {  	[sflag:s11] =	ssyncadd.s32 $0xFFFFC000;
	s11 =	sand.u32 $0x7FFFC000, s24;
	s14 =	sand.u32 $0xE00, s14  }
0x6b: {  	[hbm4b:s5+s29] =	stream.strided.scatter [tilespmem:s28], [sflag:$0x6], $0x4000, s30, s29, $0x38;
	[tilespmem:$0x1B000] =	vst v63  }
0x6c: {  	s5 =	sand.u32 $0x7FFFFFE0, s22;
	s14 =	smul.u32 $0x1900, s14;
	_ =	swait.ge [sflag:s23], $0x4000  }
0x6d: {  	s22 =	sadd.s32 $0x400, s16;
	s11 =	sshrl.u32 s11, $0x2;
	s19 =	rddreg [dreg:$0x3]  }
0x6e: {  	[sflag:s23] =	ssyncset.done $0x0;
	s14 =	sadd.s32 s18, s14;
	s17 =	sadd.s32 s17, s19  }
0x6f: {  	[sflag:s23] =	ssyncadd.s32 $0xFFFFC000;
	s14 =	sshrl.u32 s14, $0x3;
	s19 =	sadd.s32 $0xA00, s17  }
0x70: {  	s23 =	sadd.s32 $0xC00, s17;
	s24 =	sadd.s32 $0xE00, s17;
	s14 =	sadd.s32 s2, s14  }
0x71: {  	s19 =	sand.u32 $0xE00, s19;
	s18 =	sand.u32 $0xE00, s24;
	s24 =	sadd.s32 $0xFFFFE800, s15  }
0x72: {  	s11 =	sor.u32 s19, s11;
	s19 =	sand.u32 $0xE00, s22;
	s22 =	sadd.s32 $0x600, s16  }
0x73: {  	[tilespmem:s28], [sflag:$0x1] =	stream.indirect.gather [hbm4b:s4+s21], $0x20, s11, s21, $0xb8;
	[tilespmem:$0x1B000] =	vst v63  }
0x74: {  	s19 =	smul.u32 $0x1900, s19;
	s28 =	sand.u32 $0xFC000, s24;
	s22 =	sand.u32 $0xE00, s22  }
0x75: {  	s24 =	sand.u32 $0xE00, s23;
	s23 =	sadd.s32 $0xC, s12;
	_ =	swait.ge [sflag:s1], $0x4000  }
0x76: {  	s12 =	sadd.s32 $0x14, s12;
	s11 =	sshrl.u32 s28, $0x2;
	[sflag:s1] =	ssyncset.done $0x0  }
0x77: {  	s28 =	simm.s32 $0xB000;
	s23 =	sand.u32 $0x7FFFFFE0, s23;
	[sflag:s1] =	ssyncadd.s32 $0xFFFFC000  }
0x78: {  	[hbm4b:s14+s29] =	stream.strided.scatter [tilespmem:s28], [sflag:$0x7], $0x4000, s30, s29, $0x38;
	[tilespmem:$0x1B000] =	vst v63  }
0x79: {  	s19 =	sadd.s32 s20, s19;
	s20 =	sadd.s32 $0x1000, s17;
	_ =	swait.ge [sflag:s0], $0x4000  }
0x7a: {  	s11 =	sor.u32 s24, s11;
	s24 =	simm.s32 $0xB000;
	[sflag:s0] =	ssyncset.done $0x0  }
0x7b: {  	s17 =	sadd.s32 $0x1200, s17;
	s19 =	sshrl.u32 s19, $0x3;
	[sflag:s0] =	ssyncadd.s32 $0xFFFFC000  }
0x7c: {  	[tilespmem:s28], [sflag:$0x2] =	stream.indirect.gather [hbm4b:s4+s21], $0x20, s11, s21, $0xb8;
	[tilespmem:$0x1B000] =	vst v63  }
0x7d: {  	s20 =	sand.u32 $0xE00, s20;
	s14 =	smul.u32 $0x1900, s22;
	_ =	swait.ge [sflag:s3], $0x4000  }
0x7e: {  	s19 =	sadd.s32 s2, s19;
	s28 =	sadd.s32 $0xFFFFF000, s15;
	[sflag:s3] =	ssyncset.done $0x0  }
0x7f: {  	s11 =	sadd.s32 s23, s14;
	s23 =	simm.s32 $0xF000;
	[sflag:s3] =	ssyncadd.s32 $0xFFFFC000  }
0x80: {  	[hbm4b:s19+s29] =	stream.strided.scatter [tilespmem:s23], [sflag:$0x8], $0x4000, s30, s29, $0x38;
	[tilespmem:$0x1B000] =	vst v63  }
0x81: {  	s22 =	sand.u32 $0xFC000, s28;
	s11 =	sshrl.u32 s11, $0x3;
	_ =	swait.ge [sflag:s6], $0x4000  }
0x82: {  	s28 =	sadd.s32 $0x800, s16;
	s14 =	sshrl.u32 s22, $0x2;
	[sflag:s6] =	ssyncset.done $0x0  }
0x83: {  	s16 =	sadd.s32 $0xA00, s16;
	s14 =	sor.u32 s18, s14;
	[sflag:s6] =	ssyncadd.s32 $0xFFFFC000  }
0x84: {  	[tilespmem:s23], [sflag:$0x3] =	stream.indirect.gather [hbm4b:s4+s21], $0x20, s14, s21, $0xb8;
	[tilespmem:$0x1B000] =	vst v63  }
0x85: {  	s11 =	sadd.s32 s2, s11;
	s16 =	sand.u32 $0xE00, s16;
	_ =	swait.ge [sflag:s7], $0x4000  }
0x86: {  	s19 =	sand.u32 $0xE00, s28;
	s28 =	simm.s32 $0x13000;
	[sflag:s7] =	ssyncset.done $0x0  }
0x87: {  	s18 =	smul.u32 $0x1900, s19;
	s23 =	sadd.s32 $0xFFFFF800, s15;
	[sflag:s7] =	ssyncadd.s32 $0xFFFFC000  }
0x88: {  	[hbm4b:s11+s29] =	stream.strided.scatter [tilespmem:s28], [sflag:$0x9], $0x4000, s30, s29, $0x38;
	[tilespmem:$0x1B000] =	vst v63  }
0x89: {  	s14 =	sand.u32 $0xE00, s17;
	s17 =	sand.u32 $0xFC000, s23;
	_ =	swait.ge [sflag:s8], $0x4000  }
0x8a: {  	s22 =	sand.u32 $0x7FFFFFE0, s12;
	s11 =	sshrl.u32 s17, $0x2;
	[sflag:s8] =	ssyncset.done $0x0  }
0x8b: {  	s5 =	sadd.s32 s5, s18;
	s11 =	sor.u32 s20, s11;
	[sflag:s8] =	ssyncadd.s32 $0xFFFFC000  }
0x8c: {  	[tilespmem:s28], [sflag:$0x4] =	stream.indirect.gather [hbm4b:s4+s21], $0x20, s11, s21, $0xb8;
	[tilespmem:$0x1B000] =	vst v63  }
0x8d: {  	s16 =	smul.u32 $0x1900, s16;
	s5 =	sshrl.u32 s5, $0x3;
	_ =	swait.ge [sflag:s9], $0x4000  }
0x8e: {  	s19 =	simm.s32 $0xF000;
	s23 =	sadd.s32 s2, s5;
	[sflag:s9] =	ssyncset.done $0x0  }
.Ltmp0:
0x8f: {  	s17 =	simm.s32 $0x13000;
	[sflag:s9] =	ssyncadd.s32 $0xFFFFC000;
	(pc) =	sbr.rel @p0 .LBB2_2-.Ltmp0, $4  }
0x90: {  	[hbm4b:s23+s29] =	stream.strided.scatter [tilespmem:s31], [sflag:$0xA], $0x4000, s30, s29, $0x38;
	[tilespmem:$0x1B000] =	vst v63  }
0x91: {  	s11 =	sadd.s32 s22, s16;
	s28 =	sand.u32 $0xFC000, s15;
	_ =	swait.ge [sflag:s10], $0x4000  }
0x92: {  	s5 =	sshrl.u32 s11, $0x3;
	s11 =	sshrl.u32 s28, $0x2;
	[sflag:s10] =	ssyncset.done $0x0  }
0x93: {  	s15 =	sadd.s32 $0x2800, s15;
	s16 =	sor.u32 s14, s11;
	[sflag:s10] =	ssyncadd.s32 $0xFFFFC000  }
0x94: {  	s11 =	simm.s32 $0x17000;
	s12 =	simm.s32 $0x1  }
0x95: {  	[tilespmem:s11], [sflag:$0x5] =	stream.indirect.gather [hbm4b:s4+s21], $0x20, s16, s21, $0xb8;
	[tilespmem:$0x1B000] =	vst v63  }
0x96: {  	_ =	swait.ge [sflag:s12], $0x4000  }
0x97: {  	[sflag:s12] =	ssyncset.done $0x0  }
0x98: {  	s5 =	sadd.s32 s2, s5;
	s16 =	simm.s32 $0x6;
	[sflag:s12] =	ssyncadd.s32 $0xFFFFC000  }
0x99: {  	[hbm4b:s5+s29] =	stream.strided.scatter [tilespmem:s26], [sflag:$0x6], $0x4000, s30, s29, $0x38;
	[tilespmem:$0x1B000] =	vst v63  }
0x9a: {  	_ =	swait.ge [sflag:s16], $0x4000  }
0x9b: {  	[sflag:s16] =	ssyncset.done $0x0  }
0x9c: {  	[sflag:s16] =	ssyncadd.s32 $0xFFFFC000  }
0x9d: {  	_ =	swait.ge [sflag:s1], $0x4000  }
0x9e: {  	[sflag:s1] =	ssyncset.done $0x0  }
0x9f: {  	s18 =	rddreg [dreg:$0xb];
	[sflag:s1] =	ssyncadd.s32 $0xFFFFC000  }
0xa0: {  	[hbm4b:s18+s29] =	stream.strided.scatter [tilespmem:s24], [sflag:$0x7], $0x4000, s30, s29, $0x38;
	[tilespmem:$0x1B000] =	vst v63  }
0xa1: {  	_ =	swait.ge [sflag:s0], $0x4000  }
0xa2: {  	[sflag:s0] =	ssyncset.done $0x0  }
0xa3: {  	[sflag:s0] =	ssyncadd.s32 $0xFFFFC000  }
0xa4: {  	_ =	swait.ge [sflag:s3], $0x4000  }
0xa5: {  	[sflag:s3] =	ssyncset.done $0x0  }
0xa6: {  	s20 =	rddreg [dreg:$0xc];
	[sflag:s3] =	ssyncadd.s32 $0xFFFFC000  }
0xa7: {  	[hbm4b:s20+s29] =	stream.strided.scatter [tilespmem:s19], [sflag:$0x8], $0x4000, s30, s29, $0x38;
	[tilespmem:$0x1B000] =	vst v63  }
0xa8: {  	_ =	swait.ge [sflag:s6], $0x4000  }
0xa9: {  	[sflag:s6] =	ssyncset.done $0x0  }
0xaa: {  	[sflag:s6] =	ssyncadd.s32 $0xFFFFC000  }
0xab: {  	_ =	swait.ge [sflag:s7], $0x4000  }
0xac: {  	[sflag:s7] =	ssyncset.done $0x0  }
0xad: {  	s22 =	rddreg [dreg:$0xd];
	[sflag:s7] =	ssyncadd.s32 $0xFFFFC000  }
0xae: {  	[hbm4b:s22+s29] =	stream.strided.scatter [tilespmem:s17], [sflag:$0x9], $0x4000, s30, s29, $0x38;
	[tilespmem:$0x1B000] =	vst v63  }
0xaf: {  	_ =	swait.ge [sflag:s8], $0x4000  }
0xb0: {  	[sflag:s8] =	ssyncset.done $0x0  }
0xb1: {  	[sflag:s8] =	ssyncadd.s32 $0xFFFFC000  }
0xb2: {  	_ =	swait.ge [sflag:s9], $0x4000  }
0xb3: {  	[sflag:s9] =	ssyncset.done $0x0  }
0xb4: {  	s23 =	rddreg [dreg:$0xe];
	[sflag:s9] =	ssyncadd.s32 $0xFFFFC000  }
0xb5: {  	[hbm4b:s23+s29] =	stream.strided.scatter [tilespmem:s11], [sflag:$0xA], $0x4000, s30, s29, $0x38;
	[tilespmem:$0x1B000] =	vst v63  }
0xb6: {  	_ =	swait.ge [sflag:s10], $0x4000  }
0xb7: {  	s24 =	rddreg [dreg:$0x12]  }
0xb8: {  	s28 =	rddreg [dreg:$0xf];
	s11 =	sadd.s32 $0x1, s24  }
0xb9: {  	p0 =	sne.s32 s11, s28  }
.Ltmp1:
0xba: {  	_ = 	snop;
	(pc) =	sbr.rel @p0 .LBB2_1-.Ltmp1, $3  }
0xbb: {  	_ =	sdelay $0x1  }
0xbc: {  	[sflag:s10] =	ssyncset.done $0x0  }
0xbd: {  	[sflag:s10] =	ssyncadd.s32 $0xFFFFC000  }
0xbe: {  	_ =	sfence.sel $0x180000  }
0xbf: {  	[bflag:$0x0] =	sbarrier.arrive $0xFFFF  }
0xc0: {  	_ =	strace $0x90000047  }
0xc1: {  	s0 =	stileid.u32;
	[bflag:$0x2] =	sbarrier.arrive $0xFFFF  }
0xc2: {  	p0 =	sne.s32 s0, $0x0;
	s0 =	rddreg [dreg:$0x2]  }
0xc3: {  	s0 =	sadd.s32 @!p0 $0x100000, s0  }
0xc4: {  	[sflag:s0] =	ssyncadd.tile.s32 @!p0 $0x1;
	_ =	shalt  }
.Lfunc_end2:
_tile_overlayer_lowered:
.L_overlay_start_2:
0xc5: {  	(tag) =	ssettag $0x2  }
0xc6: {  	s0 =	rddreg [dreg:$0x0];
	s2 =	stileid.u32  }
0xc7: {  	s1 =	rddreg [dreg:$0x1];
	p0 =	sne.s32 s2, $0x0  }
0xc8: {  	s3 =	rddreg [dreg:$0x2];
	[bflag:$0x3] =	sbarrier.arrive $0xFFFF;
	s2 =	simm.s32 @!p0 $0x1C0B  }
0xc9: {  	[timem:s3], [sflag:s2] =	dma.local @!p0 [hbm:s0], s1  }
0xca: {  	s0 =	simm.s32 @!p0 $0xB  }
0xcb: {  	_ =	swait.ge @!p0 [sflag:s0], s1  }
0xcc: {  	s1 =	ssub.s32 @!p0 $0x0, s1;
	[sflag:s0] =	ssyncset.done @!p0 $0x0  }
0xcd: {  	[sflag:s0] =	ssyncadd.s32 @!p0 s1  }
0xce: {  	[bflag:$0x3] =	sbarrier.arrive $0xFFFF  }
0xcf: {  	_ =	shalt  }

// kernel: sparse-core-data-format-call.cloned.1.call-start
scs
called_computation_lowered:
.L_overlay_start_0:
0x0: {  	s2 =	sld [smem:$0x3FD9]  }
0x1: {  	s3 =	sld [smem:$0x3FFE];
	_ =	sdelay $0x1  }
0x2: {  	s1 =	srdreg.scid  }
0x3: {  	s0 =	sand.u32 $0x1, s1  }
0x4: {  	s18 =	sshll.u32 s0, $0xA;
	s2 =	sadd.s32 s3, s2  }
0x5: {  	s2 =	sadd.s32 s2, s18  }
0x6: {  	[smem:$0x3FC6] =	sst s2  }
0x7: {  	_ = 	snop  }
0x8: {  	s2 =	sld [smem:$0x3FD0];
	(tm) =	ssettm $0x1  }
0x9: {  	s19 =	sld [smem:$0x3FFB];
	_ =	sdelay $0x3  }
0xa: {  	_ =	strace s19  }
0xb: {  	s3 =	sld [smem:$0x3FFC];
	_ =	sdelay $0x3  }
0xc: {  	_ =	strace s3  }
0xd: {  	s3 =	sld [smem:$0x3FFD];
	_ =	sdelay $0x3  }
0xe: {  	_ =	strace s3  }
0xf: {  	_ =	strace $0x8FFFFFFF  }
0x10: {  	s20 =	sld [smem:$0x3FDB];
	_ =	sdelay $0x1  }
0x11: {  	s4 =	simm.s32 $_scs_section_size  }
0x12: {  	s5 =	simm.s32 $_size__tile_overlayer_lowered;
	s6 =	simm.s32 $_tile_overlayer_lowered  }
0x13: {  	s23 =	simm.s32 $0x1BFF;
	s22 =	sshll.u32 s6, $0x1;
	s3 =	sadd.s32 s4, s20  }
0x14: {  	s7 =	simm.s32 $0x0;
	s21 =	sshll.u32 s5, $0x1;
	s5 =	sadd.s32 s22, s3  }
0x15: {  	[timem:s7], [sflag:s23] =	dma.local [hbm:s5], s21  }
0x16: {  	_ =	swait.ge [sflag:s23], s21  }
0x17: {  	s4 =	ssub.s32 $0x0, s21;
	[sflag:s23] =	ssyncset.done $0x0  }
0x18: {  	[sflag:s23] =	ssyncadd.s32 s4;
	_ =	sdelay $0x1  }
0x19: {  	s24 =	simm.s32 $0x1B8B  }
0x1a: {  	_ =	swait.ge [sflag:s24], $0x1  }
0x1b: {  	[sflag:s24] =	ssyncset.done $0x0  }
0x1c: {  	s26 =	simm.s32 $0x1B8E;
	s25 =	sld [smem:$0x3FFE];
	[sflag:s24] =	ssyncadd.s32 $0xFFFFFFFF  }
0x1d: {  	s27 =	simm.s32 $execute0_lowered;
	[smem:$0x3FD2] =	sst s26  }
0x1e: {  	s5 =	sshll.u32 s27, $0x1;
	_ =	strace $0x80000049;
	[dreg:$0x1] =	wrdreg $0xFFFFFFFF  }
0x1f: {  	s28 =	simm.s32 $_size_execute0_lowered;
	s3 =	sadd.s32 s3, s5;
	[dreg:$0x0] =	wrdreg $0x0  }
0x20: {  	s5 =	sshll.u32 s28, $0x1;
	[dreg:$0x2] =	wrdreg s3  }
0x21: {  	[dreg:$0x3] =	wrdreg s5  }
0x22: {  	[dreg:$0x4] =	wrdreg $0xC0  }
0x23: {  	_ =	task [dreg:s7], $0x5FFFF  }
0x24: {  	[dreg:$0x1] =	wrdreg $0xFFFFFFFF  }
0x25: {  	[dreg:$0x0] =	wrdreg $0x60  }
0x26: {  	[dreg:$0x2] =	wrdreg s25  }
0x27: {  	[dreg:$0x3] =	wrdreg s2  }
0x28: {  	[dreg:$0x4] =	wrdreg $0x9  }
0x29: {  	_ =	task.clear_ibuf [dreg:s7], $0x5FFFF;
	_ =	strace $0x90000049  }
0x2a: {  	s29 =	simm.s32 $0x9;
	_ =	strace $0x8000004B  }
0x2b: {  	_ =	swait.ge [sflag:s29], $0x1  }
0x2c: {  	[sflag:s29] =	ssyncadd.s32 $0xFFFFFFFF  }
0x2d: {  	_ =	strace $0x9000004B  }
0x2e: {  	_ =	sfence  }
0x2f: {  	s30 =	sld [smem:$0x0];
	_ =	sdelay $0x2  }
0x30: {  	s31 =	sshll.u32 s1, $0xD;
	s1 =	sshrl.u32 s1, $0x2  }
0x31: {  	s3 =	sand.u32 $0x4000, s31;
	s1 =	sadd.s32 s1, s30  }
0x32: {  	s0 =	sor.u32 s3, s0;
	s1 =	sshll.u32 s1, $0x11  }
0x33: {  	s0 =	sor.u32 s1, s0  }
0x34: {  	s0 =	sadd.s32 $0x8F2B, s0  }
0x35: {  	[sflag:s0] =	ssyncadd.remote.s32 $0x1  }
0x36: {  	_ =	sfence.sel $0xFFFF  }
0x37: {  	[dreg:$0x0] =	wrdreg $0xFFFFFFFF;
	(pc) =	sbr.abs _section_cstart, $3  }
0x38: {  	[dreg:$0x1] =	wrdreg $0xFFFFFFFF  }
0x39: {  	_ =	task.clear_ibuf [dreg:s7], $0x2FFFF;
	_ =	strace $0x9FFFFFFF  }
0x3a: {  	(tm) =	ssettm $0x7FFFFFFF  }
0x3b: {  	_ =	shalt  }
tec
execute0_lowered:
.L_overlay_start_1:
0x0: {  	(tag) =	ssettag $0x1  }
0x1: {  	s0 =	srdreg.scid  }
0x2: {  	s1 =	sshll.u32 s0, $0x4  }
0x3: {  	s0 =	stileid.u32;
	s1 =	sand.u32 $0x10, s1  }
0x4: {  	s1 =	sor.u32 s0, s1  }
0x5: {  	s6 =	rddreg [dreg:$0x0];
	s4 =	simm.s32 $0x1;
	s2 =	sshll.u32 s1, $0x7  }
0x6: {  	s7 =	simm.s32 $0x2;
	s12 =	simm.s32 $0x0;
	s1 =	ssub.s32 $0x1000, s2  }
0x7: {  	s8 =	simm.s32 $0x8000;
	s13 =	simm.s32 $0x0;
	s3 =	sand.u32 $0xF80, s1  }
0x8: {  	s9 =	simm.s32 $0x0;
	s5 =	sshrl.u32 s1, $0xC;
	p0 =	sne.s32 s3, $0x0  }
.Ltmp0:
0x9: {  	s1 =	rddreg [dreg:$0x2];
	s4 =	simm.s32 @!p0 $0x0;
	(pc) =	sbr.rel .LBB1_1-.Ltmp0, $4  }
0xa: {  	s11 =	simm.s32 $0x0;
	s3 =	rddreg [dreg:$0x1];
	s5 =	sadd.s32 s4, s5  }
0xb: {  	_ =	strace $0x8000004A;
	s4 =	simm.s32 $0x1;
	s5 =	smul.u32 $0xC8, s5  }
0xc: {  	s6 =	sadd.s32 $0xA00, s6;
	s10 =	smov.u32 s2;
	[sflag:s4] =	ssyncpa.u1 $0x0  }
0xd: {  	p0 =	por $0x0, $0x0;
	[sflag:s7] =	ssyncpa.u1 $0x0;
	s7 =	sor.u32 $0x1, s5  }
.LBB1_4:
0xe: {  	s16 =	sshll.u32 s13, $0x3;
	s17 =	sand.u32 $0x78, s13  }
0xf: {  	s30 =	sand.u32 $0x3E00, s13;
	s12 =	sshll.u32 s12, $0xE;
	s16 =	sand.u32 $0xC00, s16  }
0x10: {  	s31 =	sand.u32 $0x7, s13;
	s16 =	sor.u32 s17, s16;
	s17 =	sadd.s32 s3, s30  }
0x11: {  	s13 =	sshll.u32 s31, $0x12;
	s16 =	sshrl.u32 s16, $0x3;
	s12 =	sadd.s32 s12, s17  }
0x12: {  	[tilespmem:s15+$0x0 ss:$0x81] =	vst.msk $0xffff, v0;
	s13 =	sor.u32 $0x400, s13;
	s12 =	sadd.s32 s16, s12  }
0x13: {  	[hbm4b:s12+s13] =	stream.strided.scatter [tilespmem:s14], [sflag:$0x2], $0x1000, s8, s13, $0x20;
	[tilespmem:$0x4040] =	vst v63  }
.LBB1_5:
0x14: {  	s14 =	sadd.s32 $0x1, s9  }
0x15: {  	s12 =	sadd.s32 $0x1000, s10;
	s16 =	smov.u32 s10;
	p2 =	sgt.s32 s14, $0xC7  }
0x16: {  	s16 =	smov.u32 @p2 s12  }
0x17: {  	s14 =	simm.s32 @p2 $0x0;
	p2 =	sgt.s32 s16, $0xFFF  }
0x18: {  	s16 =	smov.u32 @p2 s2;
	p2 =	sne.s32 s11, s7  }
.Ltmp1:
0x19: {  	p1 =	slt.u32 s11, $0x2;
	(pc) =	sbr.rel @!p2 .LBB1_6-.Ltmp1, $4  }
0x1a: {  	s15 =	simm.s32 @!p1 $0x2  }
0x1b: {  	s13 =	smov.u32 s10;
	p0 =	por !p0, !p0;
	_ =	swait.ge @!p1 [sflag:s15], $0x1000  }
0x1c: {  	s12 =	smov.u32 s9;
	[sflag:s15] =	ssyncset.done @!p1 $0x0;
	s9 =	smov.u32 s14  }
0x1d: {  	s11 =	sadd.s32 $0x1, s11;
	[sflag:s15] =	ssyncadd.s32 @!p1 $0xFFFFF000;
	s10 =	smov.u32 s16  }
.LBB1_1:
0x1e: {  	p1 =	sge.u32 s11, s5  }
0x1f: {  	s14 =	sand.u32 @!p1 $0x1FFFFFF, s9  }
0x20: {  	s15 =	smulhi.u32 @!p1 $0x147AE15, s14;
	_ =	sdelay $0x1  }
0x21: {  	s15 =	smul.u32 @!p1 $0xC8, s15  }
0x22: {  	s16 =	sxor.u32 @!p1 $0xFFFFFFFF, s11;
	s17 =	smul.u32 @!p1 $0xC80, s10  }
0x23: {  	s31 =	sadd.s32 $0xFFFFFFFF, s11;
	s16 =	sshll.u32 @!p1 s16, $0xC;
	s14 =	ssub.s32 @!p1 s14, s15  }
0x24: {  	s15 =	sand.u32 @!p1 $0x1000, s16;
	s16 =	sadd.s32 @!p1 s6, s17;
	s14 =	sshll.u32 @!p1 s14, $0x4  }
0x25: {  	s17 =	simm.s32 @!p1 $0x6400;
	s14 =	sadd.s32 @!p1 s14, s16;
	s16 =	simm.s32 @!p1 $0x20  }
0x26: {  	[tilespmem:s15], [sflag:$0x1] =	stream.strided.gather @!p1 [hbm4b:s14+s16], $0x1000, s17, s16, $0x38;
	[tilespmem:$0x4040] =	vst v63  }
0x27: {  	p1 =	sge.u32 s31, s5  }
.Ltmp2:
0x28: {  	_ = 	snop;
	(pc) =	sbr.rel @p1 .LBB1_5-.Ltmp2, $1  }
0x29: {  	_ =	sdelay $0x3  }
0x2a: {  	s14 =	simm.s32 $0x1  }
0x2b: {  	_ =	swait.ge [sflag:s4], $0x1000;
	s14 =	simm.s32 @!p0 $0x0  }
0x2c: {  	[sflag:s4] =	ssyncset.done $0x0;
	s15 =	sshll.u32 s14, $0xC  }
0x2d: {  	[sflag:s4] =	ssyncadd.s32 $0xFFFFF000;
	s18 =	sor.u32 $0x10, s15  }
0x2e: {  	s14 =	smul.u32 $0x4080, s14;
	v1 =	vld [tilespmem:s18+$0x0]  }
0x2f: {  	s30 =	sand.u32 $0x1, s11;
	v0 =	vld [tilespmem:s18+$0xFFFFFFF0]  }
0x30: {  	s15 =	smul.u32 $0x4080, s30;
	s14 =	sshrl.u32 s14, $0x2  }
0x31: {  	s16 =	sor.u32 $0x2000, s14  }
0x32: {  	s31 =	sshrl.u32 s15, $0x2;
	s15 =	sadd.s32 $0x0, s16  }
0x33: {  	s17 =	simm.s32 $0x4;
	s18 =	sadd.s32 $0x20, s18;
	s14 =	sor.u32 $0x2000, s31;
	[tilespmem:s15+$0x810 ss:$0x81] =	vst.msk $0xffff, v1  }
.LBB1_3:
0x34: {  	v1 =	vld [tilespmem:s18+$0x0];
	p1 =	sne.s32 s17, $0x1FC;
	[tilespmem:s15+$0x0 ss:$0x81] =	vst.msk $0xffff, v0;
	s15 =	smov.u32 s17;
	s17 =	sadd.s32 $0x4, s17  }
.Ltmp3:
0x35: {  	v0 =	vld [tilespmem:s18+$0xFFFFFFF0];
	(pc) =	sbr.rel @p1 .LBB1_3-.Ltmp3, $4  }
0x36: {  	_ = 	snop  }
0x37: {  	s15 =	sshra.s32 s15, $0x2  }
0x38: {  	s15 =	sadd.s32 s15, s16  }
0x39: {  	s18 =	sadd.s32 $0x20, s18;
	[tilespmem:s15+$0x810 ss:$0x81] =	vst.msk $0xffff, v1  }
.Ltmp4:
0x3a: {  	_ = 	snop;
	(pc) =	sbr.rel .LBB1_4-.Ltmp4, $1  }
0x3b: {  	_ =	sdelay $0x3  }
.LBB1_6:
0x3c: {  	_ =	sfence.sel $0x180000  }
0x3d: {  	s2 =	simm.s32 $0x1;
	[bflag:$0x0] =	sbarrier.arrive $0xFFFF  }
0x3e: {  	s31 =	simm.s32 $0x2;
	[sflag:s2] =	ssyncpa.u1 $0x1  }
0x3f: {  	[sflag:s31] =	ssyncpa.u1 $0x1  }
0x40: {  	p0 =	sne.s32 s0, $0x0;
	_ =	strace $0x9000004A  }
0x41: {  	s0 =	sadd.s32 @!p0 $0x100000, s1;
	[bflag:$0x2] =	sbarrier.arrive $0xFFFF  }
0x42: {  	[sflag:s0] =	ssyncadd.tile.s32 @!p0 $0x1;
	_ =	shalt  }
.Lfunc_end1:
_tile_overlayer_lowered:
.L_overlay_start_2:
0x43: {  	(tag) =	ssettag $0x2  }
0x44: {  	s0 =	rddreg [dreg:$0x0];
	s2 =	stileid.u32  }
0x45: {  	s1 =	rddreg [dreg:$0x1];
	p0 =	sne.s32 s2, $0x0  }
0x46: {  	s3 =	rddreg [dreg:$0x2];
	[bflag:$0x3] =	sbarrier.arrive $0xFFFF;
	s2 =	simm.s32 @!p0 $0x1C01  }
0x47: {  	[timem:s3], [sflag:s2] =	dma.local @!p0 [hbm:s0], s1  }
0x48: {  	s0 =	simm.s32 @!p0 $0x1  }
0x49: {  	_ =	swait.ge @!p0 [sflag:s0], s1  }
0x4a: {  	s1 =	ssub.s32 @!p0 $0x0, s1;
	[sflag:s0] =	ssyncset.done @!p0 $0x0  }
0x4b: {  	[sflag:s0] =	ssyncadd.s32 @!p0 s1  }
0x4c: {  	[bflag:$0x3] =	sbarrier.arrive $0xFFFF  }
0x4d: {  	_ =	shalt  }

</sc_bundles>
